<compile_context>
chip_gen: v7x
topology: tpu7x:2x2x1
jax: 0.10.2.dev20260603
libtpu: 0.0.44.dev20260713+nightly
codegen_flags: <defaults>
</compile_context>

<pallas_src>
import functools

import jax
import jax.numpy as jnp
from jax.experimental import pallas as pl
from jax.experimental.pallas import tpu as pltpu
from jax.experimental.pallas import tpu_sc as plsc

_N = 10000
_F = 128
_E = 320000
_G = 64
_C = 10

_NW = 32
_K = 128
_CH = 80
_EPW = _CH * _K
_EPAD = _NW * _EPW
_PCH = 40
_ACC_ROWS = 10112
_RPS = _ACC_ROWS // 16
_ZR = 8
_TRASH = 10050

_B = 400
_NB = _N // _B

_mesh = plsc.VectorSubcoreMesh(core_axis_name="c", subcore_axis_name="s")


@functools.partial(
    pl.kernel,
    mesh=_mesh,
    out_type=jax.ShapeDtypeStruct((2, _ACC_ROWS, _F), jnp.float32),
    scratch_types=[
        pltpu.VMEM((_PCH, _K), jnp.int32),
        pltpu.VMEM((_PCH, _K), jnp.int32),
        pltpu.VMEM((_K, _F), jnp.float32),
        pltpu.VMEM((_K, _F), jnp.float32),
        pltpu.VMEM((_ZR, _F), jnp.float32),
        pltpu.VMEM_SHARED((_ACC_ROWS, _F), jnp.float32),
        pltpu.SemaphoreType.DMA,
        pltpu.SemaphoreType.DMA,
        pltpu.SemaphoreType.DMA,
        pltpu.SemaphoreType.DMA,
    ],
)
def _edge_scatter(table, srcs, dsts, out, src_v, dst_v, gbufa, gbufb, zbuf,
                  acc, sema, semb, semc, semd):
    c = jax.lax.axis_index("c")
    s = jax.lax.axis_index("s")
    wid = s * 2 + c

    def _z(i, carry):
        r = i // 8
        k = i % 8
        zbuf[r, pl.ds(k * 16, 16)] = jnp.zeros((16,), jnp.float32)
        return carry

    jax.lax.fori_loop(0, _ZR * 8, _z, 0)

    def _za(t, carry):
        pltpu.sync_copy(zbuf, acc.at[pl.ds(s * _RPS + t * _ZR, _ZR)])
        return carry

    jax.lax.fori_loop(0, _RPS // _ZR, _za, 0)

    plsc.subcore_barrier()

    for p in range(_CH // _PCH):
        pltpu.sync_copy(srcs.at[wid, pl.ds(p * _PCH, _PCH)], src_v)
        pltpu.sync_copy(dsts.at[wid, pl.ds(p * _PCH, _PCH)], dst_v)
        pltpu.async_copy(table.at[src_v.at[0]], gbufa, sema)

        def _pair(t, carry):
            j = t * 2
            pltpu.async_copy(table.at[src_v.at[j + 1]], gbufb, semb)
            pltpu.make_async_copy(table.at[src_v.at[j]], gbufa, sema).wait()
            pltpu.async_copy(gbufa, acc.at[dst_v.at[j]], semc, add=True)
            pltpu.make_async_copy(table.at[src_v.at[j + 1]], gbufb, semb).wait()
            pltpu.async_copy(gbufb, acc.at[dst_v.at[j + 1]], semd, add=True)
            pltpu.make_async_copy(gbufa, acc.at[dst_v.at[j]], semc).wait()

            @pl.when(t < _PCH // 2 - 1)
            def _():
                pltpu.async_copy(table.at[src_v.at[j + 2]], gbufa, sema)

            pltpu.make_async_copy(gbufb, acc.at[dst_v.at[j + 1]], semd).wait()
            return carry

        jax.lax.fori_loop(0, _PCH // 2, _pair, 0)

    plsc.subcore_barrier()

    pltpu.sync_copy(acc.at[pl.ds(s * _RPS, _RPS)],
                    out.at[c, pl.ds(s * _RPS, _RPS)])


def _lin_body(scale_ref, h_ref, p_ref, w_ref, b_ref, o_ref):
    a = h_ref[...] * scale_ref[0, 0] + p_ref[0] + p_ref[1]
    y = jnp.dot(a, w_ref[...], preferred_element_type=jnp.float32) + b_ref[...]
    o_ref[...] = jnp.where(y >= 0.0, y, 0.2 * y)


def _linear(h, p, W, b, scale):
    return pl.pallas_call(
        _lin_body,
        grid=(_NB,),
        in_specs=[
            pl.BlockSpec(memory_space=pltpu.SMEM),
            pl.BlockSpec((_B, _F), lambda i: (i, 0)),
            pl.BlockSpec((2, _B, _F), lambda i: (0, i, 0)),
            pl.BlockSpec((_F, _F), lambda i: (0, 0)),
            pl.BlockSpec((1, _F), lambda i: (0, 0)),
        ],
        out_specs=pl.BlockSpec((_B, _F), lambda i: (i, 0)),
        out_shape=jax.ShapeDtypeStruct((_N, _F), jnp.float32),
    )(scale, h, p, W, b)


def _merge_body(xe_ref, xc_ref, we_ref, wc_ref, b_ref, o_ref):
    y = jnp.dot(xe_ref[...], we_ref[...], preferred_element_type=jnp.float32)
    y = y + jnp.dot(xc_ref[...], wc_ref[...], preferred_element_type=jnp.float32)
    y = y + b_ref[...]
    o_ref[...] = jnp.where(y >= 0.0, y, 0.2 * y)


def _merge(xe, xc, We, Wc, b):
    return pl.pallas_call(
        _merge_body,
        grid=(_NB,),
        in_specs=[
            pl.BlockSpec((_B, _F), lambda i: (i, 0)),
            pl.BlockSpec((_B, _F), lambda i: (i, 0)),
            pl.BlockSpec((_F, _F), lambda i: (0, 0)),
            pl.BlockSpec((_F, _F), lambda i: (0, 0)),
            pl.BlockSpec((1, _F), lambda i: (0, 0)),
        ],
        out_specs=pl.BlockSpec((_B, _F), lambda i: (i, 0)),
        out_shape=jax.ShapeDtypeStruct((_N, _F), jnp.float32),
    )(xe, xc, We, Wc, b)


def _head_body(batch_ref, h_ref, wp1_ref, bp1_ref, wp2_ref, bp2_ref,
               gr_ref, lo_ref, cnt_ref):
    i = pl.program_id(0)

    @pl.when(i == 0)
    def _():
        gr_ref[...] = jnp.zeros_like(gr_ref)
        lo_ref[...] = jnp.zeros_like(lo_ref)
        cnt_ref[...] = jnp.zeros_like(cnt_ref)

    b_row = batch_ref[0, 0, :]
    seg = jax.lax.broadcasted_iota(jnp.int32, (_G, _B), 0)
    P = (seg == b_row[None, :]).astype(jnp.float32)

    h = h_ref[...]
    gr_ref[...] += jnp.dot(P, h, preferred_element_type=jnp.float32)
    t = jnp.dot(h, wp1_ref[...], preferred_element_type=jnp.float32) + bp1_ref[...]
    t = jnp.maximum(t, 0.0)
    lg = jnp.dot(t, wp2_ref[...], preferred_element_type=jnp.float32) + bp2_ref[...]
    lo_ref[...] += jnp.dot(P, lg, preferred_element_type=jnp.float32)
    cnt_ref[...] += jnp.broadcast_to(jnp.sum(P, axis=1, keepdims=True), (_G, _F))

    @pl.when(i == _NB - 1)
    def _():
        cm = jnp.maximum(cnt_ref[...], 1.0)
        gr_ref[...] = gr_ref[...] / cm
        lo_ref[...] = lo_ref[...] / cm


def _head(batch3, h, Wp1, bp1, Wp2p, bp2p):
    return pl.pallas_call(
        _head_body,
        grid=(_NB,),
        in_specs=[
            pl.BlockSpec((1, 1, _B), lambda i: (i, 0, 0)),
            pl.BlockSpec((_B, _F), lambda i: (i, 0)),
            pl.BlockSpec((_F, _F), lambda i: (0, 0)),
            pl.BlockSpec((1, _F), lambda i: (0, 0)),
            pl.BlockSpec((_F, _F), lambda i: (0, 0)),
            pl.BlockSpec((1, _F), lambda i: (0, 0)),
        ],
        out_specs=[
            pl.BlockSpec((_G, _F), lambda i: (0, 0)),
            pl.BlockSpec((_G, _F), lambda i: (0, 0)),
        ],
        out_shape=[
            jax.ShapeDtypeStruct((_G, _F), jnp.float32),
            jax.ShapeDtypeStruct((_G, _F), jnp.float32),
        ],
        scratch_shapes=[pltpu.VMEM((_G, _F), jnp.float32)],
    )(batch3, h, Wp1, bp1, Wp2p, bp2p)


def kernel(x, c, edge_index, batch, W1e, b1e, W2e, b2e, W1c, b1c, W2c, b2c,
           Wm, bm, Wp1, bp1, Wp2, bp2, eps):
    pad = _EPAD - _E
    src_p = jnp.concatenate(
        [edge_index[0], jnp.zeros((pad,), jnp.int32)]).reshape(_NW, _CH, _K)
    dst_p = jnp.concatenate(
        [edge_index[1], jnp.full((pad,), _TRASH, jnp.int32)]).reshape(_NW, _CH, _K)

    scales = (2.0 + eps).astype(jnp.float32)

    def gin(h, W, b, k):
        p = _edge_scatter(h, src_p, dst_p)
        return _linear(h, p, W, b.reshape(1, _F), scales[k].reshape(1, 1))

    xe = gin(x, W1e, b1e, 0)
    xe = gin(xe, W2e, b2e, 1)
    xc = gin(c, W1c, b1c, 2)
    xc = gin(xc, W2c, b2c, 3)

    h = _merge(xe, xc, Wm[:_F], Wm[_F:], bm.reshape(1, _F))

    batch3 = batch.reshape(_NB, 1, _B)
    Wp2p = jnp.zeros((_F, _F), jnp.float32).at[:, :_C].set(Wp2)
    bp2p = jnp.zeros((1, _F), jnp.float32).at[0, :_C].set(bp2)

    gr, lo = _head(batch3, h, Wp1, bp1.reshape(1, _F), Wp2p, bp2p)
    return gr, lo[:, :_C]

# --- scband reference (transcript-rebuilt; emitter-appended) ---
"""Pipeline reference for scband-ginmodel-batches-73521250173227 (READ-ONLY COPY).

The authoritative reference and input builder live on the scoring server;
editing this copy changes nothing except your own understanding.
"""

import jax, jax.numpy as jnp
import numpy as np

N = 10000
E = 320000
F_EXP = 128
F_CNV = 128
H = 128
C = 10
G = 64

def _lin(key, fan_in, fan_out):
    k1, k2 = jax.random.split(key)
    lim = 1.0 / np.sqrt(fan_in)
    W = jax.random.uniform(k1, (fan_in, fan_out), jnp.float32, -lim, lim)
    b = jax.random.uniform(k2, (fan_out,), jnp.float32, -lim, lim)
    return W, b

def setup_inputs(seed: int = 0):
    key = jax.random.key(seed)
    ks = jax.random.split(key, 12)
    x = jax.random.normal(ks[0], (N, F_EXP), jnp.float32)
    c = jax.random.normal(ks[1], (N, F_CNV), jnp.float32)
    edge_index = jax.random.randint(ks[2], (2, E), 0, N, jnp.int32)
    batch = jnp.sort(jax.random.randint(ks[3], (N,), 0, G, jnp.int32))
    W1e, b1e = _lin(ks[4], F_EXP, H)
    W2e, b2e = _lin(ks[5], H, H)
    W1c, b1c = _lin(ks[6], F_CNV, H)
    W2c, b2c = _lin(ks[7], H, H)
    Wm, bm = _lin(ks[8], 2 * H, H)
    Wp1, bp1 = _lin(ks[9], H, H)
    Wp2, bp2 = _lin(ks[10], H, C)
    eps = jnp.zeros((4,), jnp.float32)
    return {"x": x, "c": c, "edge_index": edge_index, "batch": batch,
            "W1e": W1e, "b1e": b1e, "W2e": W2e, "b2e": b2e,
            "W1c": W1c, "b1c": b1c, "W2c": W2c, "b2c": b2c,
            "Wm": Wm, "bm": bm, "Wp1": Wp1, "bp1": bp1, "Wp2": Wp2, "bp2": bp2,
            "eps": eps}

def _gin(h, src, dst, eps, W, b):
    agg = jax.ops.segment_sum(h[src], dst, num_segments=N)
    return ((1.0 + eps) * h + agg) @ W + b

def reference(x, c, edge_index, batch, W1e, b1e, W2e, b2e, W1c, b1c, W2c, b2c, Wm, bm, Wp1, bp1, Wp2, bp2, eps):
    loops = jnp.arange(N, dtype=edge_index.dtype)
    src = jnp.concatenate([edge_index[0], loops])
    dst = jnp.concatenate([edge_index[1], loops])
    lrelu = lambda t: jax.nn.leaky_relu(t, 0.2)
    xe = lrelu(_gin(x, src, dst, eps[0], W1e, b1e))
    xe = lrelu(_gin(xe, src, dst, eps[1], W2e, b2e))
    xc = lrelu(_gin(c, src, dst, eps[2], W1c, b1c))
    xc = lrelu(_gin(xc, src, dst, eps[3], W2c, b2c))
    h = lrelu(jnp.concatenate([xe, xc], axis=1) @ Wm + bm)
    ones = jnp.ones((N,), jnp.float32)
    cnt = jnp.maximum(jax.ops.segment_sum(ones, batch, num_segments=G), 1.0)
    graph_repr = jax.ops.segment_sum(h, batch, num_segments=G) / cnt[:, None]
    logits = jax.nn.relu(h @ Wp1 + bp1) @ Wp2 + bp2
    logits_out = jax.ops.segment_sum(logits, batch, num_segments=G) / cnt[:, None]
    return (graph_repr, logits_out)

if __name__ == "__main__":
    import jax
    _d = setup_inputs()
    print(jax.jit(kernel)(*tuple(_d.values())))

</pallas_src>

<mosaic_0001>
#map = affine_map<(d0, d1) -> (0, 0)>
#map1 = affine_map<(d0, d1) -> (0, 0, 0)>
module attributes {stable_mosaic.version = 14 : i64} {
  func.func @_edge_scatter(%arg0: i32, %arg1: i32, %arg2: memref<10000x128xf32, #tpu.memory_space<hbm>>, %arg3: memref<32x80x128xi32, #tpu.memory_space<hbm>>, %arg4: memref<32x80x128xi32, #tpu.memory_space<hbm>>, %arg5: memref<2x10112x128xf32, #tpu.memory_space<hbm>>, %arg6: memref<40x128xi32, #tpu.memory_space<vmem>>, %arg7: memref<40x128xi32, #tpu.memory_space<vmem>>, %arg8: memref<128x128xf32, #tpu.memory_space<vmem>>, %arg9: memref<128x128xf32, #tpu.memory_space<vmem>>, %arg10: memref<8x128xf32, #tpu.memory_space<vmem>>, %arg11: memref<10112x128xf32, #tpu.memory_space<vmem_shared>>, %arg12: memref<!tpu.dma_semaphore, #tpu.memory_space<semaphore_mem>>, %arg13: memref<!tpu.dma_semaphore, #tpu.memory_space<semaphore_mem>>, %arg14: memref<!tpu.dma_semaphore, #tpu.memory_space<semaphore_mem>>, %arg15: memref<!tpu.dma_semaphore, #tpu.memory_space<semaphore_mem>>) attributes {dimension_semantics = [#tpu.dimension_semantics<core_parallel>, #tpu.dimension_semantics<subcore_parallel>], iteration_bounds = array<i64: 2, 16>, scalar_prefetch = 0 : i64, scratch_operands = 10 : i64, tpu.core_type = #tpu.core_type<sc_vector_subcore>, window_params = [{transform_indices = #map}, {transform_indices = #map1}, {transform_indices = #map1}, {transform_indices = #map1}]} {
    %mul3A = arith.constant 2 : i32
    %mul3A_0 = arith.muli %arg1, %mul3A : i32
    %add3A = arith.addi %mul3A_0, %arg0 : i32
    %scan3A = arith.constant 0 : i32
    %scan3A_1 = arith.constant 0 : i32
    %scan3A_2 = arith.constant 64 : i32
    %scan3A_3 = arith.addi %scan3A_1, %scan3A_2 : i32
    %scan3A_4 = arith.constant 1 : i32
    scf.for %scan3A_42 = %scan3A_1 to %scan3A_3 step %scan3A_4  : i32 {
      %jit3A = arith.constant 8 : i32
      %div3A = arith.divsi %scan3A_42, %jit3A : i32
      %sign3A = arith.constant 0 : i32
      %sign3A_43 = arith.cmpi sgt, %scan3A_42, %sign3A : i32
      %sign3A_44 = arith.extui %sign3A_43 : i1 to i32
      %sign3A_45 = arith.constant 0 : i32
      %sign3A_46 = arith.cmpi slt, %scan3A_42, %sign3A_45 : i32
      %sign3A_47 = arith.extui %sign3A_46 : i1 to i32
      %sign3A_48 = arith.subi %sign3A_44, %sign3A_47 : i32
      %sign3A_49 = arith.constant 0 : i32
      %sign3A_50 = arith.cmpi sgt, %jit3A, %sign3A_49 : i32
      %sign3A_51 = arith.extui %sign3A_50 : i1 to i32
      %sign3A_52 = arith.constant 0 : i32
      %sign3A_53 = arith.cmpi slt, %jit3A, %sign3A_52 : i32
      %sign3A_54 = arith.extui %sign3A_53 : i1 to i32
      %sign3A_55 = arith.subi %sign3A_51, %sign3A_54 : i32
      %ne3A = arith.cmpi ne, %sign3A_48, %sign3A_55 : i32
      %rem3A = arith.remsi %scan3A_42, %jit3A : i32
      %ne3A_56 = arith.constant 0 : i32
      %ne3A_57 = arith.cmpi ne, %rem3A, %ne3A_56 : i32
      %and3A = arith.andi %ne3A, %ne3A_57 : i1
      %sub3A = arith.constant 1 : i32
      %sub3A_58 = arith.subi %div3A, %sub3A : i32
      %select_n3A = arith.select %and3A, %sub3A_58, %div3A : i32
      %jit3A_59 = arith.constant 8 : i32
      %eq3A = arith.constant 0 : i32
      %eq3A_60 = arith.cmpi eq, %jit3A_59, %eq3A : i32
      %jit3A_61 = arith.constant 1 : i32
      %select_n3A_62 = arith.select %eq3A_60, %jit3A_61, %jit3A_59 : i32
      %rem3A_63 = arith.remsi %scan3A_42, %select_n3A_62 : i32
      %ne3A_64 = arith.constant 0 : i32
      %ne3A_65 = arith.cmpi ne, %rem3A_63, %ne3A_64 : i32
      %lt3A = arith.constant 0 : i32
      %lt3A_66 = arith.cmpi slt, %rem3A_63, %lt3A : i32
      %lt3A_67 = arith.constant 0 : i32
      %lt3A_68 = arith.cmpi slt, %select_n3A_62, %lt3A_67 : i32
      %ne3A_69 = arith.xori %lt3A_66, %lt3A_68 : i1
      %and3A_70 = arith.andi %ne3A_69, %ne3A_65 : i1
      %add3A_71 = arith.addi %rem3A_63, %select_n3A_62 : i32
      %select_n3A_72 = arith.select %and3A_70, %add3A_71, %rem3A_63 : i32
      %broadcast_in_dim3A = arith.constant 0.000000e+00 : f32
      %broadcast_in_dim3A_73 = vector.broadcast %broadcast_in_dim3A : f32 to vector<16xf32>
      %mul3A_74 = arith.constant 16 : i32
      %mul3A_75 = arith.muli %select_n3A_72, %mul3A_74 : i32
      %swap3A = arith.index_cast %select_n3A : i32 to index
      %swap3A_76 = arith.index_cast %mul3A_75 : i32 to index
      %swap3A_77 = tpu.vector_load %arg10[%swap3A, %swap3A_76] {strides = array<i32>} : memref<8x128xf32, #tpu.memory_space<vmem>>, vector<1x16xf32>,
      %swap3A_78 = vector.shape_cast %swap3A_77 : vector<1x16xf32> to vector<16xf32>
      %swap3A_79 = vector.shape_cast %broadcast_in_dim3A_73 : vector<16xf32> to vector<1x16xf32>
      tpu.vector_store %arg10[%swap3A, %swap3A_76], %swap3A_79 {strides = array<i32>} : memref<8x128xf32, #tpu.memory_space<vmem>>, vector<1x16xf32>,
    }
    %scan3A_5 = arith.constant 64 : i32
    %scan3A_6 = arith.constant 0 : i32
    %scan3A_7 = arith.constant 0 : i32
    %scan3A_8 = arith.constant 79 : i32
    %scan3A_9 = arith.addi %scan3A_7, %scan3A_8 : i32
    %scan3A_10 = arith.constant 1 : i32
    scf.for %scan3A_42 = %scan3A_7 to %scan3A_9 step %scan3A_10  : i32 {
      %mul3A_43 = arith.constant 632 : i32
      %mul3A_44 = arith.muli %arg1, %mul3A_43 : i32
      %mul3A_45 = arith.constant 8 : i32
      %mul3A_46 = arith.muli %scan3A_42, %mul3A_45 : i32
      %add3A_47 = arith.addi %mul3A_44, %mul3A_46 : i32
      "tpu.region"() ({
        %run_scoped3A = tpu.sem_alloc : memref<!tpu.dma_semaphore, #tpu.memory_space<semaphore_mem>>
        %dma_start3A_48 = arith.constant 0 : i32
        %dma_start3A_49 = tpu.memref_slice %arg11[%add3A_47, %dma_start3A_48] : memref<10112x128xf32, #tpu.memory_space<vmem_shared>> -> memref<8x128xf32, #tpu.memory_space<vmem_shared>>
        %dma_start3A_50 = arith.constant 0 : i32
        %dma_start3A_51 = tpu.memref_slice %arg11[%add3A_47, %dma_start3A_50] : memref<10112x128xf32, #tpu.memory_space<vmem_shared>> -> memref<8x128xf32, #tpu.memory_space<vmem_shared>>
        tpu.enqueue_dma source(%arg10 : memref<8x128xf32, #tpu.memory_space<vmem>>) target(%dma_start3A_51 : memref<8x128xf32, #tpu.memory_space<vmem_shared>>) target_semaphore(%run_scoped3A : memref<!tpu.dma_semaphore, #tpu.memory_space<semaphore_mem>>)
        %dma_wait3A = arith.constant 0 : i32
        %dma_wait3A_52 = tpu.memref_slice %arg11[%add3A_47, %dma_wait3A] : memref<10112x128xf32, #tpu.memory_space<vmem_shared>> -> memref<8x128xf32, #tpu.memory_space<vmem_shared>>
        %dma_wait3A_53 = arith.constant 0 : i32
        %dma_wait3A_54 = tpu.memref_slice %arg11[%add3A_47, %dma_wait3A_53] : memref<10112x128xf32, #tpu.memory_space<vmem_shared>> -> memref<8x128xf32, #tpu.memory_space<vmem_shared>>
        tpu.wait_dma2 semaphore(%run_scoped3A : memref<!tpu.dma_semaphore, #tpu.memory_space<semaphore_mem>>) src(%arg10 : memref<8x128xf32, #tpu.memory_space<vmem>>) dst(%dma_wait3A_54 : memref<8x128xf32, #tpu.memory_space<vmem_shared>>)
        tpu.yield
      }) : () -> ()
    }
    %scan3A_11 = arith.constant 79 : i32
    %barrier3A = arith.constant 0 : index
    tpu.barrier barrier_id(%barrier3A)
    "tpu.region"() ({
      %run_scoped3A = tpu.sem_alloc : memref<!tpu.dma_semaphore, #tpu.memory_space<semaphore_mem>>
      %dma_start3A_42 = arith.constant 0 : i32
      %dma_start3A_43 = arith.constant 0 : i32
      %dma_start3A_44 = tpu.memref_slice %arg3[%add3A, %dma_start3A_42, %dma_start3A_43] : memref<32x80x128xi32, #tpu.memory_space<hbm>> -> memref<1x40x128xi32, #tpu.memory_space<hbm>>
      %dma_start3A_45 = tpu.memref_squeeze %dma_start3A_44 : memref<1x40x128xi32, #tpu.memory_space<hbm>> -> memref<40x128xi32, #tpu.memory_space<hbm>>
      %dma_start3A_46 = arith.constant 0 : i32
      %dma_start3A_47 = arith.constant 0 : i32
      %dma_start3A_48 = tpu.memref_slice %arg3[%add3A, %dma_start3A_46, %dma_start3A_47] : memref<32x80x128xi32, #tpu.memory_space<hbm>> -> memref<1x40x128xi32, #tpu.memory_space<hbm>>
      %dma_start3A_49 = tpu.memref_squeeze %dma_start3A_48 : memref<1x40x128xi32, #tpu.memory_space<hbm>> -> memref<40x128xi32, #tpu.memory_space<hbm>>
      tpu.enqueue_dma source(%dma_start3A_49 : memref<40x128xi32, #tpu.memory_space<hbm>>) target(%arg6 : memref<40x128xi32, #tpu.memory_space<vmem>>) target_semaphore(%run_scoped3A : memref<!tpu.dma_semaphore, #tpu.memory_space<semaphore_mem>>)
      %dma_wait3A = arith.constant 0 : i32
      %dma_wait3A_50 = arith.constant 0 : i32
      %dma_wait3A_51 = tpu.memref_slice %arg3[%add3A, %dma_wait3A, %dma_wait3A_50] : memref<32x80x128xi32, #tpu.memory_space<hbm>> -> memref<1x40x128xi32, #tpu.memory_space<hbm>>
      %dma_wait3A_52 = tpu.memref_squeeze %dma_wait3A_51 : memref<1x40x128xi32, #tpu.memory_space<hbm>> -> memref<40x128xi32, #tpu.memory_space<hbm>>
      %dma_wait3A_53 = arith.constant 0 : i32
      %dma_wait3A_54 = arith.constant 0 : i32
      %dma_wait3A_55 = tpu.memref_slice %arg3[%add3A, %dma_wait3A_53, %dma_wait3A_54] : memref<32x80x128xi32, #tpu.memory_space<hbm>> -> memref<1x40x128xi32, #tpu.memory_space<hbm>>
      %dma_wait3A_56 = tpu.memref_squeeze %dma_wait3A_55 : memref<1x40x128xi32, #tpu.memory_space<hbm>> -> memref<40x128xi32, #tpu.memory_space<hbm>>
      tpu.wait_dma2 semaphore(%run_scoped3A : memref<!tpu.dma_semaphore, #tpu.memory_space<semaphore_mem>>) src(%dma_wait3A_56 : memref<40x128xi32, #tpu.memory_space<hbm>>) dst(%arg6 : memref<40x128xi32, #tpu.memory_space<vmem>>)
      tpu.yield
    }) : () -> ()
    "tpu.region"() ({
      %run_scoped3A = tpu.sem_alloc : memref<!tpu.dma_semaphore, #tpu.memory_space<semaphore_mem>>
      %dma_start3A_42 = arith.constant 0 : i32
      %dma_start3A_43 = arith.constant 0 : i32
      %dma_start3A_44 = tpu.memref_slice %arg4[%add3A, %dma_start3A_42, %dma_start3A_43] : memref<32x80x128xi32, #tpu.memory_space<hbm>> -> memref<1x40x128xi32, #tpu.memory_space<hbm>>
      %dma_start3A_45 = tpu.memref_squeeze %dma_start3A_44 : memref<1x40x128xi32, #tpu.memory_space<hbm>> -> memref<40x128xi32, #tpu.memory_space<hbm>>
      %dma_start3A_46 = arith.constant 0 : i32
      %dma_start3A_47 = arith.constant 0 : i32
      %dma_start3A_48 = tpu.memref_slice %arg4[%add3A, %dma_start3A_46, %dma_start3A_47] : memref<32x80x128xi32, #tpu.memory_space<hbm>> -> memref<1x40x128xi32, #tpu.memory_space<hbm>>
      %dma_start3A_49 = tpu.memref_squeeze %dma_start3A_48 : memref<1x40x128xi32, #tpu.memory_space<hbm>> -> memref<40x128xi32, #tpu.memory_space<hbm>>
      tpu.enqueue_dma source(%dma_start3A_49 : memref<40x128xi32, #tpu.memory_space<hbm>>) target(%arg7 : memref<40x128xi32, #tpu.memory_space<vmem>>) target_semaphore(%run_scoped3A : memref<!tpu.dma_semaphore, #tpu.memory_space<semaphore_mem>>)
      %dma_wait3A = arith.constant 0 : i32
      %dma_wait3A_50 = arith.constant 0 : i32
      %dma_wait3A_51 = tpu.memref_slice %arg4[%add3A, %dma_wait3A, %dma_wait3A_50] : memref<32x80x128xi32, #tpu.memory_space<hbm>> -> memref<1x40x128xi32, #tpu.memory_space<hbm>>
      %dma_wait3A_52 = tpu.memref_squeeze %dma_wait3A_51 : memref<1x40x128xi32, #tpu.memory_space<hbm>> -> memref<40x128xi32, #tpu.memory_space<hbm>>
      %dma_wait3A_53 = arith.constant 0 : i32
      %dma_wait3A_54 = arith.constant 0 : i32
      %dma_wait3A_55 = tpu.memref_slice %arg4[%add3A, %dma_wait3A_53, %dma_wait3A_54] : memref<32x80x128xi32, #tpu.memory_space<hbm>> -> memref<1x40x128xi32, #tpu.memory_space<hbm>>
      %dma_wait3A_56 = tpu.memref_squeeze %dma_wait3A_55 : memref<1x40x128xi32, #tpu.memory_space<hbm>> -> memref<40x128xi32, #tpu.memory_space<hbm>>
      tpu.wait_dma2 semaphore(%run_scoped3A : memref<!tpu.dma_semaphore, #tpu.memory_space<semaphore_mem>>) src(%dma_wait3A_56 : memref<40x128xi32, #tpu.memory_space<hbm>>) dst(%arg7 : memref<40x128xi32, #tpu.memory_space<vmem>>)
      tpu.yield
    }) : () -> ()
    %dma_start3A = arith.constant 0 : i32
    %dma_start3A_12 = arith.constant 0 : i32
    %dma_start3A_13 = tpu.memref_slice %arg6[%dma_start3A, %dma_start3A_12] : memref<40x128xi32, #tpu.memory_space<vmem>> -> memref<1x128xi32, #tpu.memory_space<vmem>>
    %dma_start3A_14 = tpu.memref_squeeze %dma_start3A_13 : memref<1x128xi32, #tpu.memory_space<vmem>> -> memref<128xi32, #tpu.memory_space<vmem>>
    %dma_start3A_15 = arith.constant 0 : i32
    %dma_start3A_16 = arith.constant 0 : i32
    %dma_start3A_17 = tpu.memref_slice %arg2[%dma_start3A_15, %dma_start3A_16] : memref<10000x128xf32, #tpu.memory_space<hbm>> -> memref<10000x128xf32, #tpu.memory_space<hbm>>
    tpu.enqueue_indirect_dma source(%dma_start3A_17 : memref<10000x128xf32, #tpu.memory_space<hbm>>) target(%arg8 : memref<128x128xf32, #tpu.memory_space<vmem>>) offsets(%dma_start3A_14 : memref<128xi32, #tpu.memory_space<vmem>>) semaphore(%arg12 : memref<!tpu.dma_semaphore, #tpu.memory_space<semaphore_mem>>)
    %scan3A_18 = arith.constant 0 : i32
    %scan3A_19 = arith.constant 0 : i32
    %scan3A_20 = arith.constant 20 : i32
    %scan3A_21 = arith.addi %scan3A_19, %scan3A_20 : i32
    %scan3A_22 = arith.constant 1 : i32
    scf.for %scan3A_42 = %scan3A_19 to %scan3A_21 step %scan3A_22  : i32 {
      %mul3A_43 = arith.constant 2 : i32
      %mul3A_44 = arith.muli %scan3A_42, %mul3A_43 : i32
      %add3A_45 = arith.constant 1 : i32
      %add3A_46 = arith.addi %mul3A_44, %add3A_45 : i32
      %dma_start3A_47 = arith.constant 0 : i32
      %dma_start3A_48 = tpu.memref_slice %arg6[%add3A_46, %dma_start3A_47] : memref<40x128xi32, #tpu.memory_space<vmem>> -> memref<1x128xi32, #tpu.memory_space<vmem>>
      %dma_start3A_49 = tpu.memref_squeeze %dma_start3A_48 : memref<1x128xi32, #tpu.memory_space<vmem>> -> memref<128xi32, #tpu.memory_space<vmem>>
      %dma_start3A_50 = arith.constant 0 : i32
      %dma_start3A_51 = arith.constant 0 : i32
      %dma_start3A_52 = tpu.memref_slice %arg2[%dma_start3A_50, %dma_start3A_51] : memref<10000x128xf32, #tpu.memory_space<hbm>> -> memref<10000x128xf32, #tpu.memory_space<hbm>>
      tpu.enqueue_indirect_dma source(%dma_start3A_52 : memref<10000x128xf32, #tpu.memory_space<hbm>>) target(%arg9 : memref<128x128xf32, #tpu.memory_space<vmem>>) offsets(%dma_start3A_49 : memref<128xi32, #tpu.memory_space<vmem>>) semaphore(%arg13 : memref<!tpu.dma_semaphore, #tpu.memory_space<semaphore_mem>>)
      %dma_wait3A = arith.constant 0 : i32
      %dma_wait3A_53 = tpu.memref_slice %arg6[%mul3A_44, %dma_wait3A] : memref<40x128xi32, #tpu.memory_space<vmem>> -> memref<1x128xi32, #tpu.memory_space<vmem>>
      %dma_wait3A_54 = tpu.memref_squeeze %dma_wait3A_53 : memref<1x128xi32, #tpu.memory_space<vmem>> -> memref<128xi32, #tpu.memory_space<vmem>>
      %dma_wait3A_55 = arith.constant 0 : i32
      %dma_wait3A_56 = arith.constant 0 : i32
      %dma_wait3A_57 = tpu.memref_slice %arg2[%dma_wait3A_55, %dma_wait3A_56] : memref<10000x128xf32, #tpu.memory_space<hbm>> -> memref<10000x128xf32, #tpu.memory_space<hbm>>
      tpu.wait_indirect_dma semaphore(%arg12 : memref<!tpu.dma_semaphore, #tpu.memory_space<semaphore_mem>>) src(%dma_wait3A_57 : memref<10000x128xf32, #tpu.memory_space<hbm>>) dst(%arg8 : memref<128x128xf32, #tpu.memory_space<vmem>>)
      %dma_start3A_58 = arith.constant 0 : i32
      %dma_start3A_59 = tpu.memref_slice %arg7[%mul3A_44, %dma_start3A_58] : memref<40x128xi32, #tpu.memory_space<vmem>> -> memref<1x128xi32, #tpu.memory_space<vmem>>
      %dma_start3A_60 = tpu.memref_squeeze %dma_start3A_59 : memref<1x128xi32, #tpu.memory_space<vmem>> -> memref<128xi32, #tpu.memory_space<vmem>>
      %dma_start3A_61 = arith.constant 0 : i32
      %dma_start3A_62 = arith.constant 0 : i32
      %dma_start3A_63 = tpu.memref_slice %arg11[%dma_start3A_61, %dma_start3A_62] : memref<10112x128xf32, #tpu.memory_space<vmem_shared>> -> memref<10112x128xf32, #tpu.memory_space<vmem_shared>>
      tpu.enqueue_indirect_dma source(%arg8 : memref<128x128xf32, #tpu.memory_space<vmem>>) target(%dma_start3A_63 : memref<10112x128xf32, #tpu.memory_space<vmem_shared>>) offsets(%dma_start3A_60 : memref<128xi32, #tpu.memory_space<vmem>>) semaphore(%arg14 : memref<!tpu.dma_semaphore, #tpu.memory_space<semaphore_mem>>) {add = true}
      %add3A_64 = arith.constant 1 : i32
      %add3A_65 = arith.addi %mul3A_44, %add3A_64 : i32
      %dma_wait3A_66 = arith.constant 0 : i32
      %dma_wait3A_67 = tpu.memref_slice %arg6[%add3A_65, %dma_wait3A_66] : memref<40x128xi32, #tpu.memory_space<vmem>> -> memref<1x128xi32, #tpu.memory_space<vmem>>
      %dma_wait3A_68 = tpu.memref_squeeze %dma_wait3A_67 : memref<1x128xi32, #tpu.memory_space<vmem>> -> memref<128xi32, #tpu.memory_space<vmem>>
      %dma_wait3A_69 = arith.constant 0 : i32
      %dma_wait3A_70 = arith.constant 0 : i32
      %dma_wait3A_71 = tpu.memref_slice %arg2[%dma_wait3A_69, %dma_wait3A_70] : memref<10000x128xf32, #tpu.memory_space<hbm>> -> memref<10000x128xf32, #tpu.memory_space<hbm>>
      tpu.wait_indirect_dma semaphore(%arg13 : memref<!tpu.dma_semaphore, #tpu.memory_space<semaphore_mem>>) src(%dma_wait3A_71 : memref<10000x128xf32, #tpu.memory_space<hbm>>) dst(%arg9 : memref<128x128xf32, #tpu.memory_space<vmem>>)
      %add3A_72 = arith.constant 1 : i32
      %add3A_73 = arith.addi %mul3A_44, %add3A_72 : i32
      %dma_start3A_74 = arith.constant 0 : i32
      %dma_start3A_75 = tpu.memref_slice %arg7[%add3A_73, %dma_start3A_74] : memref<40x128xi32, #tpu.memory_space<vmem>> -> memref<1x128xi32, #tpu.memory_space<vmem>>
      %dma_start3A_76 = tpu.memref_squeeze %dma_start3A_75 : memref<1x128xi32, #tpu.memory_space<vmem>> -> memref<128xi32, #tpu.memory_space<vmem>>
      %dma_start3A_77 = arith.constant 0 : i32
      %dma_start3A_78 = arith.constant 0 : i32
      %dma_start3A_79 = tpu.memref_slice %arg11[%dma_start3A_77, %dma_start3A_78] : memref<10112x128xf32, #tpu.memory_space<vmem_shared>> -> memref<10112x128xf32, #tpu.memory_space<vmem_shared>>
      tpu.enqueue_indirect_dma source(%arg9 : memref<128x128xf32, #tpu.memory_space<vmem>>) target(%dma_start3A_79 : memref<10112x128xf32, #tpu.memory_space<vmem_shared>>) offsets(%dma_start3A_76 : memref<128xi32, #tpu.memory_space<vmem>>) semaphore(%arg15 : memref<!tpu.dma_semaphore, #tpu.memory_space<semaphore_mem>>) {add = true}
      %dma_wait3A_80 = arith.constant 0 : i32
      %dma_wait3A_81 = tpu.memref_slice %arg7[%mul3A_44, %dma_wait3A_80] : memref<40x128xi32, #tpu.memory_space<vmem>> -> memref<1x128xi32, #tpu.memory_space<vmem>>
      %dma_wait3A_82 = tpu.memref_squeeze %dma_wait3A_81 : memref<1x128xi32, #tpu.memory_space<vmem>> -> memref<128xi32, #tpu.memory_space<vmem>>
      %dma_wait3A_83 = arith.constant 0 : i32
      %dma_wait3A_84 = arith.constant 0 : i32
      %dma_wait3A_85 = tpu.memref_slice %arg11[%dma_wait3A_83, %dma_wait3A_84] : memref<10112x128xf32, #tpu.memory_space<vmem_shared>> -> memref<10112x128xf32, #tpu.memory_space<vmem_shared>>
      tpu.wait_indirect_dma semaphore(%arg14 : memref<!tpu.dma_semaphore, #tpu.memory_space<semaphore_mem>>) src(%arg8 : memref<128x128xf32, #tpu.memory_space<vmem>>) dst(%dma_wait3A_85 : memref<10112x128xf32, #tpu.memory_space<vmem_shared>>)
      %lt3A = arith.constant 19 : i32
      %lt3A_86 = arith.cmpi slt, %scan3A_42, %lt3A : i32
      %convert_element_type3A = arith.extui %lt3A_86 : i1 to i32
      %cond3A = arith.constant 0 : i32
      %cond3A_87 = arith.cmpi ne, %convert_element_type3A, %cond3A : i32
      scf.if %cond3A_87 {
        %add3A_96 = arith.constant 2 : i32
        %add3A_97 = arith.addi %mul3A_44, %add3A_96 : i32
        %dma_start3A_98 = arith.constant 0 : i32
        %dma_start3A_99 = tpu.memref_slice %arg6[%add3A_97, %dma_start3A_98] : memref<40x128xi32, #tpu.memory_space<vmem>> -> memref<1x128xi32, #tpu.memory_space<vmem>>
        %dma_start3A_100 = tpu.memref_squeeze %dma_start3A_99 : memref<1x128xi32, #tpu.memory_space<vmem>> -> memref<128xi32, #tpu.memory_space<vmem>>
        %dma_start3A_101 = arith.constant 0 : i32
        %dma_start3A_102 = arith.constant 0 : i32
        %dma_start3A_103 = tpu.memref_slice %arg2[%dma_start3A_101, %dma_start3A_102] : memref<10000x128xf32, #tpu.memory_space<hbm>> -> memref<10000x128xf32, #tpu.memory_space<hbm>>
        tpu.enqueue_indirect_dma source(%dma_start3A_103 : memref<10000x128xf32, #tpu.memory_space<hbm>>) target(%arg8 : memref<128x128xf32, #tpu.memory_space<vmem>>) offsets(%dma_start3A_100 : memref<128xi32, #tpu.memory_space<vmem>>) semaphore(%arg12 : memref<!tpu.dma_semaphore, #tpu.memory_space<semaphore_mem>>)
      } else {
      }
      %add3A_88 = arith.constant 1 : i32
      %add3A_89 = arith.addi %mul3A_44, %add3A_88 : i32
      %dma_wait3A_90 = arith.constant 0 : i32
      %dma_wait3A_91 = tpu.memref_slice %arg7[%add3A_89, %dma_wait3A_90] : memref<40x128xi32, #tpu.memory_space<vmem>> -> memref<1x128xi32, #tpu.memory_space<vmem>>
      %dma_wait3A_92 = tpu.memref_squeeze %dma_wait3A_91 : memref<1x128xi32, #tpu.memory_space<vmem>> -> memref<128xi32, #tpu.memory_space<vmem>>
      %dma_wait3A_93 = arith.constant 0 : i32
      %dma_wait3A_94 = arith.constant 0 : i32
      %dma_wait3A_95 = tpu.memref_slice %arg11[%dma_wait3A_93, %dma_wait3A_94] : memref<10112x128xf32, #tpu.memory_space<vmem_shared>> -> memref<10112x128xf32, #tpu.memory_space<vmem_shared>>
      tpu.wait_indirect_dma semaphore(%arg15 : memref<!tpu.dma_semaphore, #tpu.memory_space<semaphore_mem>>) src(%arg9 : memref<128x128xf32, #tpu.memory_space<vmem>>) dst(%dma_wait3A_95 : memref<10112x128xf32, #tpu.memory_space<vmem_shared>>)
    }
    %scan3A_23 = arith.constant 20 : i32
    "tpu.region"() ({
      %run_scoped3A = tpu.sem_alloc : memref<!tpu.dma_semaphore, #tpu.memory_space<semaphore_mem>>
      %dma_start3A_42 = arith.constant 40 : i32
      %dma_start3A_43 = arith.constant 0 : i32
      %dma_start3A_44 = tpu.memref_slice %arg3[%add3A, %dma_start3A_42, %dma_start3A_43] : memref<32x80x128xi32, #tpu.memory_space<hbm>> -> memref<1x40x128xi32, #tpu.memory_space<hbm>>
      %dma_start3A_45 = tpu.memref_squeeze %dma_start3A_44 : memref<1x40x128xi32, #tpu.memory_space<hbm>> -> memref<40x128xi32, #tpu.memory_space<hbm>>
      %dma_start3A_46 = arith.constant 40 : i32
      %dma_start3A_47 = arith.constant 0 : i32
      %dma_start3A_48 = tpu.memref_slice %arg3[%add3A, %dma_start3A_46, %dma_start3A_47] : memref<32x80x128xi32, #tpu.memory_space<hbm>> -> memref<1x40x128xi32, #tpu.memory_space<hbm>>
      %dma_start3A_49 = tpu.memref_squeeze %dma_start3A_48 : memref<1x40x128xi32, #tpu.memory_space<hbm>> -> memref<40x128xi32, #tpu.memory_space<hbm>>
      tpu.enqueue_dma source(%dma_start3A_49 : memref<40x128xi32, #tpu.memory_space<hbm>>) target(%arg6 : memref<40x128xi32, #tpu.memory_space<vmem>>) target_semaphore(%run_scoped3A : memref<!tpu.dma_semaphore, #tpu.memory_space<semaphore_mem>>)
      %dma_wait3A = arith.constant 40 : i32
      %dma_wait3A_50 = arith.constant 0 : i32
      %dma_wait3A_51 = tpu.memref_slice %arg3[%add3A, %dma_wait3A, %dma_wait3A_50] : memref<32x80x128xi32, #tpu.memory_space<hbm>> -> memref<1x40x128xi32, #tpu.memory_space<hbm>>
      %dma_wait3A_52 = tpu.memref_squeeze %dma_wait3A_51 : memref<1x40x128xi32, #tpu.memory_space<hbm>> -> memref<40x128xi32, #tpu.memory_space<hbm>>
      %dma_wait3A_53 = arith.constant 40 : i32
      %dma_wait3A_54 = arith.constant 0 : i32
      %dma_wait3A_55 = tpu.memref_slice %arg3[%add3A, %dma_wait3A_53, %dma_wait3A_54] : memref<32x80x128xi32, #tpu.memory_space<hbm>> -> memref<1x40x128xi32, #tpu.memory_space<hbm>>
      %dma_wait3A_56 = tpu.memref_squeeze %dma_wait3A_55 : memref<1x40x128xi32, #tpu.memory_space<hbm>> -> memref<40x128xi32, #tpu.memory_space<hbm>>
      tpu.wait_dma2 semaphore(%run_scoped3A : memref<!tpu.dma_semaphore, #tpu.memory_space<semaphore_mem>>) src(%dma_wait3A_56 : memref<40x128xi32, #tpu.memory_space<hbm>>) dst(%arg6 : memref<40x128xi32, #tpu.memory_space<vmem>>)
      tpu.yield
    }) : () -> ()
    "tpu.region"() ({
      %run_scoped3A = tpu.sem_alloc : memref<!tpu.dma_semaphore, #tpu.memory_space<semaphore_mem>>
      %dma_start3A_42 = arith.constant 40 : i32
      %dma_start3A_43 = arith.constant 0 : i32
      %dma_start3A_44 = tpu.memref_slice %arg4[%add3A, %dma_start3A_42, %dma_start3A_43] : memref<32x80x128xi32, #tpu.memory_space<hbm>> -> memref<1x40x128xi32, #tpu.memory_space<hbm>>
      %dma_start3A_45 = tpu.memref_squeeze %dma_start3A_44 : memref<1x40x128xi32, #tpu.memory_space<hbm>> -> memref<40x128xi32, #tpu.memory_space<hbm>>
      %dma_start3A_46 = arith.constant 40 : i32
      %dma_start3A_47 = arith.constant 0 : i32
      %dma_start3A_48 = tpu.memref_slice %arg4[%add3A, %dma_start3A_46, %dma_start3A_47] : memref<32x80x128xi32, #tpu.memory_space<hbm>> -> memref<1x40x128xi32, #tpu.memory_space<hbm>>
      %dma_start3A_49 = tpu.memref_squeeze %dma_start3A_48 : memref<1x40x128xi32, #tpu.memory_space<hbm>> -> memref<40x128xi32, #tpu.memory_space<hbm>>
      tpu.enqueue_dma source(%dma_start3A_49 : memref<40x128xi32, #tpu.memory_space<hbm>>) target(%arg7 : memref<40x128xi32, #tpu.memory_space<vmem>>) target_semaphore(%run_scoped3A : memref<!tpu.dma_semaphore, #tpu.memory_space<semaphore_mem>>)
      %dma_wait3A = arith.constant 40 : i32
      %dma_wait3A_50 = arith.constant 0 : i32
      %dma_wait3A_51 = tpu.memref_slice %arg4[%add3A, %dma_wait3A, %dma_wait3A_50] : memref<32x80x128xi32, #tpu.memory_space<hbm>> -> memref<1x40x128xi32, #tpu.memory_space<hbm>>
      %dma_wait3A_52 = tpu.memref_squeeze %dma_wait3A_51 : memref<1x40x128xi32, #tpu.memory_space<hbm>> -> memref<40x128xi32, #tpu.memory_space<hbm>>
      %dma_wait3A_53 = arith.constant 40 : i32
      %dma_wait3A_54 = arith.constant 0 : i32
      %dma_wait3A_55 = tpu.memref_slice %arg4[%add3A, %dma_wait3A_53, %dma_wait3A_54] : memref<32x80x128xi32, #tpu.memory_space<hbm>> -> memref<1x40x128xi32, #tpu.memory_space<hbm>>
      %dma_wait3A_56 = tpu.memref_squeeze %dma_wait3A_55 : memref<1x40x128xi32, #tpu.memory_space<hbm>> -> memref<40x128xi32, #tpu.memory_space<hbm>>
      tpu.wait_dma2 semaphore(%run_scoped3A : memref<!tpu.dma_semaphore, #tpu.memory_space<semaphore_mem>>) src(%dma_wait3A_56 : memref<40x128xi32, #tpu.memory_space<hbm>>) dst(%arg7 : memref<40x128xi32, #tpu.memory_space<vmem>>)
      tpu.yield
    }) : () -> ()
    %dma_start3A_24 = arith.constant 0 : i32
    %dma_start3A_25 = arith.constant 0 : i32
    %dma_start3A_26 = tpu.memref_slice %arg6[%dma_start3A_24, %dma_start3A_25] : memref<40x128xi32, #tpu.memory_space<vmem>> -> memref<1x128xi32, #tpu.memory_space<vmem>>
    %dma_start3A_27 = tpu.memref_squeeze %dma_start3A_26 : memref<1x128xi32, #tpu.memory_space<vmem>> -> memref<128xi32, #tpu.memory_space<vmem>>
    %dma_start3A_28 = arith.constant 0 : i32
    %dma_start3A_29 = arith.constant 0 : i32
    %dma_start3A_30 = tpu.memref_slice %arg2[%dma_start3A_28, %dma_start3A_29] : memref<10000x128xf32, #tpu.memory_space<hbm>> -> memref<10000x128xf32, #tpu.memory_space<hbm>>
    tpu.enqueue_indirect_dma source(%dma_start3A_30 : memref<10000x128xf32, #tpu.memory_space<hbm>>) target(%arg8 : memref<128x128xf32, #tpu.memory_space<vmem>>) offsets(%dma_start3A_27 : memref<128xi32, #tpu.memory_space<vmem>>) semaphore(%arg12 : memref<!tpu.dma_semaphore, #tpu.memory_space<semaphore_mem>>)
    %scan3A_31 = arith.constant 0 : i32
    %scan3A_32 = arith.constant 0 : i32
    %scan3A_33 = arith.constant 20 : i32
    %scan3A_34 = arith.addi %scan3A_32, %scan3A_33 : i32
    %scan3A_35 = arith.constant 1 : i32
    scf.for %scan3A_42 = %scan3A_32 to %scan3A_34 step %scan3A_35  : i32 {
      %mul3A_43 = arith.constant 2 : i32
      %mul3A_44 = arith.muli %scan3A_42, %mul3A_43 : i32
      %add3A_45 = arith.constant 1 : i32
      %add3A_46 = arith.addi %mul3A_44, %add3A_45 : i32
      %dma_start3A_47 = arith.constant 0 : i32
      %dma_start3A_48 = tpu.memref_slice %arg6[%add3A_46, %dma_start3A_47] : memref<40x128xi32, #tpu.memory_space<vmem>> -> memref<1x128xi32, #tpu.memory_space<vmem>>
      %dma_start3A_49 = tpu.memref_squeeze %dma_start3A_48 : memref<1x128xi32, #tpu.memory_space<vmem>> -> memref<128xi32, #tpu.memory_space<vmem>>
      %dma_start3A_50 = arith.constant 0 : i32
      %dma_start3A_51 = arith.constant 0 : i32
      %dma_start3A_52 = tpu.memref_slice %arg2[%dma_start3A_50, %dma_start3A_51] : memref<10000x128xf32, #tpu.memory_space<hbm>> -> memref<10000x128xf32, #tpu.memory_space<hbm>>
      tpu.enqueue_indirect_dma source(%dma_start3A_52 : memref<10000x128xf32, #tpu.memory_space<hbm>>) target(%arg9 : memref<128x128xf32, #tpu.memory_space<vmem>>) offsets(%dma_start3A_49 : memref<128xi32, #tpu.memory_space<vmem>>) semaphore(%arg13 : memref<!tpu.dma_semaphore, #tpu.memory_space<semaphore_mem>>)
      %dma_wait3A = arith.constant 0 : i32
      %dma_wait3A_53 = tpu.memref_slice %arg6[%mul3A_44, %dma_wait3A] : memref<40x128xi32, #tpu.memory_space<vmem>> -> memref<1x128xi32, #tpu.memory_space<vmem>>
      %dma_wait3A_54 = tpu.memref_squeeze %dma_wait3A_53 : memref<1x128xi32, #tpu.memory_space<vmem>> -> memref<128xi32, #tpu.memory_space<vmem>>
      %dma_wait3A_55 = arith.constant 0 : i32
      %dma_wait3A_56 = arith.constant 0 : i32
      %dma_wait3A_57 = tpu.memref_slice %arg2[%dma_wait3A_55, %dma_wait3A_56] : memref<10000x128xf32, #tpu.memory_space<hbm>> -> memref<10000x128xf32, #tpu.memory_space<hbm>>
      tpu.wait_indirect_dma semaphore(%arg12 : memref<!tpu.dma_semaphore, #tpu.memory_space<semaphore_mem>>) src(%dma_wait3A_57 : memref<10000x128xf32, #tpu.memory_space<hbm>>) dst(%arg8 : memref<128x128xf32, #tpu.memory_space<vmem>>)
      %dma_start3A_58 = arith.constant 0 : i32
      %dma_start3A_59 = tpu.memref_slice %arg7[%mul3A_44, %dma_start3A_58] : memref<40x128xi32, #tpu.memory_space<vmem>> -> memref<1x128xi32, #tpu.memory_space<vmem>>
      %dma_start3A_60 = tpu.memref_squeeze %dma_start3A_59 : memref<1x128xi32, #tpu.memory_space<vmem>> -> memref<128xi32, #tpu.memory_space<vmem>>
      %dma_start3A_61 = arith.constant 0 : i32
      %dma_start3A_62 = arith.constant 0 : i32
      %dma_start3A_63 = tpu.memref_slice %arg11[%dma_start3A_61, %dma_start3A_62] : memref<10112x128xf32, #tpu.memory_space<vmem_shared>> -> memref<10112x128xf32, #tpu.memory_space<vmem_shared>>
      tpu.enqueue_indirect_dma source(%arg8 : memref<128x128xf32, #tpu.memory_space<vmem>>) target(%dma_start3A_63 : memref<10112x128xf32, #tpu.memory_space<vmem_shared>>) offsets(%dma_start3A_60 : memref<128xi32, #tpu.memory_space<vmem>>) semaphore(%arg14 : memref<!tpu.dma_semaphore, #tpu.memory_space<semaphore_mem>>) {add = true}
      %add3A_64 = arith.constant 1 : i32
      %add3A_65 = arith.addi %mul3A_44, %add3A_64 : i32
      %dma_wait3A_66 = arith.constant 0 : i32
      %dma_wait3A_67 = tpu.memref_slice %arg6[%add3A_65, %dma_wait3A_66] : memref<40x128xi32, #tpu.memory_space<vmem>> -> memref<1x128xi32, #tpu.memory_space<vmem>>
      %dma_wait3A_68 = tpu.memref_squeeze %dma_wait3A_67 : memref<1x128xi32, #tpu.memory_space<vmem>> -> memref<128xi32, #tpu.memory_space<vmem>>
      %dma_wait3A_69 = arith.constant 0 : i32
      %dma_wait3A_70 = arith.constant 0 : i32
      %dma_wait3A_71 = tpu.memref_slice %arg2[%dma_wait3A_69, %dma_wait3A_70] : memref<10000x128xf32, #tpu.memory_space<hbm>> -> memref<10000x128xf32, #tpu.memory_space<hbm>>
      tpu.wait_indirect_dma semaphore(%arg13 : memref<!tpu.dma_semaphore, #tpu.memory_space<semaphore_mem>>) src(%dma_wait3A_71 : memref<10000x128xf32, #tpu.memory_space<hbm>>) dst(%arg9 : memref<128x128xf32, #tpu.memory_space<vmem>>)
      %add3A_72 = arith.constant 1 : i32
      %add3A_73 = arith.addi %mul3A_44, %add3A_72 : i32
      %dma_start3A_74 = arith.constant 0 : i32
      %dma_start3A_75 = tpu.memref_slice %arg7[%add3A_73, %dma_start3A_74] : memref<40x128xi32, #tpu.memory_space<vmem>> -> memref<1x128xi32, #tpu.memory_space<vmem>>
      %dma_start3A_76 = tpu.memref_squeeze %dma_start3A_75 : memref<1x128xi32, #tpu.memory_space<vmem>> -> memref<128xi32, #tpu.memory_space<vmem>>
      %dma_start3A_77 = arith.constant 0 : i32
      %dma_start3A_78 = arith.constant 0 : i32
      %dma_start3A_79 = tpu.memref_slice %arg11[%dma_start3A_77, %dma_start3A_78] : memref<10112x128xf32, #tpu.memory_space<vmem_shared>> -> memref<10112x128xf32, #tpu.memory_space<vmem_shared>>
      tpu.enqueue_indirect_dma source(%arg9 : memref<128x128xf32, #tpu.memory_space<vmem>>) target(%dma_start3A_79 : memref<10112x128xf32, #tpu.memory_space<vmem_shared>>) offsets(%dma_start3A_76 : memref<128xi32, #tpu.memory_space<vmem>>) semaphore(%arg15 : memref<!tpu.dma_semaphore, #tpu.memory_space<semaphore_mem>>) {add = true}
      %dma_wait3A_80 = arith.constant 0 : i32
      %dma_wait3A_81 = tpu.memref_slice %arg7[%mul3A_44, %dma_wait3A_80] : memref<40x128xi32, #tpu.memory_space<vmem>> -> memref<1x128xi32, #tpu.memory_space<vmem>>
      %dma_wait3A_82 = tpu.memref_squeeze %dma_wait3A_81 : memref<1x128xi32, #tpu.memory_space<vmem>> -> memref<128xi32, #tpu.memory_space<vmem>>
      %dma_wait3A_83 = arith.constant 0 : i32
      %dma_wait3A_84 = arith.constant 0 : i32
      %dma_wait3A_85 = tpu.memref_slice %arg11[%dma_wait3A_83, %dma_wait3A_84] : memref<10112x128xf32, #tpu.memory_space<vmem_shared>> -> memref<10112x128xf32, #tpu.memory_space<vmem_shared>>
      tpu.wait_indirect_dma semaphore(%arg14 : memref<!tpu.dma_semaphore, #tpu.memory_space<semaphore_mem>>) src(%arg8 : memref<128x128xf32, #tpu.memory_space<vmem>>) dst(%dma_wait3A_85 : memref<10112x128xf32, #tpu.memory_space<vmem_shared>>)
      %lt3A = arith.constant 19 : i32
      %lt3A_86 = arith.cmpi slt, %scan3A_42, %lt3A : i32
      %convert_element_type3A = arith.extui %lt3A_86 : i1 to i32
      %cond3A = arith.constant 0 : i32
      %cond3A_87 = arith.cmpi ne, %convert_element_type3A, %cond3A : i32
      scf.if %cond3A_87 {
        %add3A_96 = arith.constant 2 : i32
        %add3A_97 = arith.addi %mul3A_44, %add3A_96 : i32
        %dma_start3A_98 = arith.constant 0 : i32
        %dma_start3A_99 = tpu.memref_slice %arg6[%add3A_97, %dma_start3A_98] : memref<40x128xi32, #tpu.memory_space<vmem>> -> memref<1x128xi32, #tpu.memory_space<vmem>>
        %dma_start3A_100 = tpu.memref_squeeze %dma_start3A_99 : memref<1x128xi32, #tpu.memory_space<vmem>> -> memref<128xi32, #tpu.memory_space<vmem>>
        %dma_start3A_101 = arith.constant 0 : i32
        %dma_start3A_102 = arith.constant 0 : i32
        %dma_start3A_103 = tpu.memref_slice %arg2[%dma_start3A_101, %dma_start3A_102] : memref<10000x128xf32, #tpu.memory_space<hbm>> -> memref<10000x128xf32, #tpu.memory_space<hbm>>
        tpu.enqueue_indirect_dma source(%dma_start3A_103 : memref<10000x128xf32, #tpu.memory_space<hbm>>) target(%arg8 : memref<128x128xf32, #tpu.memory_space<vmem>>) offsets(%dma_start3A_100 : memref<128xi32, #tpu.memory_space<vmem>>) semaphore(%arg12 : memref<!tpu.dma_semaphore, #tpu.memory_space<semaphore_mem>>)
      } else {
      }
      %add3A_88 = arith.constant 1 : i32
      %add3A_89 = arith.addi %mul3A_44, %add3A_88 : i32
      %dma_wait3A_90 = arith.constant 0 : i32
      %dma_wait3A_91 = tpu.memref_slice %arg7[%add3A_89, %dma_wait3A_90] : memref<40x128xi32, #tpu.memory_space<vmem>> -> memref<1x128xi32, #tpu.memory_space<vmem>>
      %dma_wait3A_92 = tpu.memref_squeeze %dma_wait3A_91 : memref<1x128xi32, #tpu.memory_space<vmem>> -> memref<128xi32, #tpu.memory_space<vmem>>
      %dma_wait3A_93 = arith.constant 0 : i32
      %dma_wait3A_94 = arith.constant 0 : i32
      %dma_wait3A_95 = tpu.memref_slice %arg11[%dma_wait3A_93, %dma_wait3A_94] : memref<10112x128xf32, #tpu.memory_space<vmem_shared>> -> memref<10112x128xf32, #tpu.memory_space<vmem_shared>>
      tpu.wait_indirect_dma semaphore(%arg15 : memref<!tpu.dma_semaphore, #tpu.memory_space<semaphore_mem>>) src(%arg9 : memref<128x128xf32, #tpu.memory_space<vmem>>) dst(%dma_wait3A_95 : memref<10112x128xf32, #tpu.memory_space<vmem_shared>>)
    }
    %scan3A_36 = arith.constant 20 : i32
    %barrier3A_37 = arith.constant 0 : index
    tpu.barrier barrier_id(%barrier3A_37)
    %mul3A_38 = arith.constant 632 : i32
    %mul3A_39 = arith.muli %arg1, %mul3A_38 : i32
    %mul3A_40 = arith.constant 632 : i32
    %mul3A_41 = arith.muli %arg1, %mul3A_40 : i32
    "tpu.region"() ({
      %run_scoped3A = tpu.sem_alloc : memref<!tpu.dma_semaphore, #tpu.memory_space<semaphore_mem>>
      %dma_start3A_42 = arith.constant 0 : i32
      %dma_start3A_43 = tpu.memref_slice %arg5[%arg0, %mul3A_41, %dma_start3A_42] : memref<2x10112x128xf32, #tpu.memory_space<hbm>> -> memref<1x632x128xf32, #tpu.memory_space<hbm>>
      %dma_start3A_44 = tpu.memref_squeeze %dma_start3A_43 : memref<1x632x128xf32, #tpu.memory_space<hbm>> -> memref<632x128xf32, #tpu.memory_space<hbm>>
      %dma_start3A_45 = arith.constant 0 : i32
      %dma_start3A_46 = tpu.memref_slice %arg11[%mul3A_39, %dma_start3A_45] : memref<10112x128xf32, #tpu.memory_space<vmem_shared>> -> memref<632x128xf32, #tpu.memory_space<vmem_shared>>
      tpu.enqueue_dma source(%dma_start3A_46 : memref<632x128xf32, #tpu.memory_space<vmem_shared>>) target(%dma_start3A_44 : memref<632x128xf32, #tpu.memory_space<hbm>>) target_semaphore(%run_scoped3A : memref<!tpu.dma_semaphore, #tpu.memory_space<semaphore_mem>>)
      %dma_wait3A = arith.constant 0 : i32
      %dma_wait3A_47 = tpu.memref_slice %arg5[%arg0, %mul3A_41, %dma_wait3A] : memref<2x10112x128xf32, #tpu.memory_space<hbm>> -> memref<1x632x128xf32, #tpu.memory_space<hbm>>
      %dma_wait3A_48 = tpu.memref_squeeze %dma_wait3A_47 : memref<1x632x128xf32, #tpu.memory_space<hbm>> -> memref<632x128xf32, #tpu.memory_space<hbm>>
      %dma_wait3A_49 = arith.constant 0 : i32
      %dma_wait3A_50 = tpu.memref_slice %arg11[%mul3A_39, %dma_wait3A_49] : memref<10112x128xf32, #tpu.memory_space<vmem_shared>> -> memref<632x128xf32, #tpu.memory_space<vmem_shared>>
      tpu.wait_dma2 semaphore(%run_scoped3A : memref<!tpu.dma_semaphore, #tpu.memory_space<semaphore_mem>>) src(%dma_wait3A_50 : memref<632x128xf32, #tpu.memory_space<vmem_shared>>) dst(%dma_wait3A_48 : memref<632x128xf32, #tpu.memory_space<hbm>>)
      tpu.yield
    }) : () -> ()
    return
  }
}

#map = affine_map<(d0, d1) -> (0, 0)>
#map1 = affine_map<(d0, d1) -> (0, 0, 0)>
module attributes {stable_mosaic.version = 14 : i64} {
  func.func @_edge_scatter(%arg0: i32, %arg1: i32, %arg2: memref<10000x128xf32, #tpu.memory_space<hbm>>, %arg3: memref<32x80x128xi32, #tpu.memory_space<hbm>>, %arg4: memref<32x80x128xi32, #tpu.memory_space<hbm>>, %arg5: memref<2x10112x128xf32, #tpu.memory_space<hbm>>, %arg6: memref<40x128xi32, #tpu.memory_space<vmem>>, %arg7: memref<40x128xi32, #tpu.memory_space<vmem>>, %arg8: memref<128x128xf32, #tpu.memory_space<vmem>>, %arg9: memref<128x128xf32, #tpu.memory_space<vmem>>, %arg10: memref<8x128xf32, #tpu.memory_space<vmem>>, %arg11: memref<10112x128xf32, #tpu.memory_space<vmem_shared>>, %arg12: memref<!tpu.dma_semaphore, #tpu.memory_space<semaphore_mem>>, %arg13: memref<!tpu.dma_semaphore, #tpu.memory_space<semaphore_mem>>, %arg14: memref<!tpu.dma_semaphore, #tpu.memory_space<semaphore_mem>>, %arg15: memref<!tpu.dma_semaphore, #tpu.memory_space<semaphore_mem>>) attributes {dimension_semantics = [#tpu.dimension_semantics<core_parallel>, #tpu.dimension_semantics<subcore_parallel>], iteration_bounds = array<i64: 2, 16>, scalar_prefetch = 0 : i64, scratch_operands = 10 : i64, tpu.core_type = #tpu.core_type<sc_vector_subcore>, window_params = [{transform_indices = #map}, {transform_indices = #map1}, {transform_indices = #map1}, {transform_indices = #map1}]} {
    %mul3A = arith.constant 2 : i32
    %mul3A_0 = arith.muli %arg1, %mul3A : i32
    %add3A = arith.addi %mul3A_0, %arg0 : i32
    %scan3A = arith.constant 0 : i32
    %scan3A_1 = arith.constant 0 : i32
    %scan3A_2 = arith.constant 64 : i32
    %scan3A_3 = arith.addi %scan3A_1, %scan3A_2 : i32
    %scan3A_4 = arith.constant 1 : i32
    scf.for %scan3A_42 = %scan3A_1 to %scan3A_3 step %scan3A_4  : i32 {
      %jit3A = arith.constant 8 : i32
      %div3A = arith.divsi %scan3A_42, %jit3A : i32
      %sign3A = arith.constant 0 : i32
      %sign3A_43 = arith.cmpi sgt, %scan3A_42, %sign3A : i32
      %sign3A_44 = arith.extui %sign3A_43 : i1 to i32
      %sign3A_45 = arith.constant 0 : i32
      %sign3A_46 = arith.cmpi slt, %scan3A_42, %sign3A_45 : i32
      %sign3A_47 = arith.extui %sign3A_46 : i1 to i32
      %sign3A_48 = arith.subi %sign3A_44, %sign3A_47 : i32
      %sign3A_49 = arith.constant 0 : i32
      %sign3A_50 = arith.cmpi sgt, %jit3A, %sign3A_49 : i32
      %sign3A_51 = arith.extui %sign3A_50 : i1 to i32
      %sign3A_52 = arith.constant 0 : i32
      %sign3A_53 = arith.cmpi slt, %jit3A, %sign3A_52 : i32
      %sign3A_54 = arith.extui %sign3A_53 : i1 to i32
      %sign3A_55 = arith.subi %sign3A_51, %sign3A_54 : i32
      %ne3A = arith.cmpi ne, %sign3A_48, %sign3A_55 : i32
      %rem3A = arith.remsi %scan3A_42, %jit3A : i32
      %ne3A_56 = arith.constant 0 : i32
      %ne3A_57 = arith.cmpi ne, %rem3A, %ne3A_56 : i32
      %and3A = arith.andi %ne3A, %ne3A_57 : i1
      %sub3A = arith.constant 1 : i32
      %sub3A_58 = arith.subi %div3A, %sub3A : i32
      %select_n3A = arith.select %and3A, %sub3A_58, %div3A : i32
      %jit3A_59 = arith.constant 8 : i32
      %eq3A = arith.constant 0 : i32
      %eq3A_60 = arith.cmpi eq, %jit3A_59, %eq3A : i32
      %jit3A_61 = arith.constant 1 : i32
      %select_n3A_62 = arith.select %eq3A_60, %jit3A_61, %jit3A_59 : i32
      %rem3A_63 = arith.remsi %scan3A_42, %select_n3A_62 : i32
      %ne3A_64 = arith.constant 0 : i32
      %ne3A_65 = arith.cmpi ne, %rem3A_63, %ne3A_64 : i32
      %lt3A = arith.constant 0 : i32
      %lt3A_66 = arith.cmpi slt, %rem3A_63, %lt3A : i32
      %lt3A_67 = arith.constant 0 : i32
      %lt3A_68 = arith.cmpi slt, %select_n3A_62, %lt3A_67 : i32
      %ne3A_69 = arith.xori %lt3A_66, %lt3A_68 : i1
      %and3A_70 = arith.andi %ne3A_69, %ne3A_65 : i1
      %add3A_71 = arith.addi %rem3A_63, %select_n3A_62 : i32
      %select_n3A_72 = arith.select %and3A_70, %add3A_71, %rem3A_63 : i32
      %broadcast_in_dim3A = arith.constant 0.000000e+00 : f32
      %broadcast_in_dim3A_73 = vector.broadcast %broadcast_in_dim3A : f32 to vector<16xf32>
      %mul3A_74 = arith.constant 16 : i32
      %mul3A_75 = arith.muli %select_n3A_72, %mul3A_74 : i32
      %swap3A = arith.index_cast %select_n3A : i32 to index
      %swap3A_76 = arith.index_cast %mul3A_75 : i32 to index
      %swap3A_77 = tpu.vector_load %arg10[%swap3A, %swap3A_76] {strides = array<i32>} : memref<8x128xf32, #tpu.memory_space<vmem>>, vector<1x16xf32>,
      %swap3A_78 = vector.shape_cast %swap3A_77 : vector<1x16xf32> to vector<16xf32>
      %swap3A_79 = vector.shape_cast %broadcast_in_dim3A_73 : vector<16xf32> to vector<1x16xf32>
      tpu.vector_store %arg10[%swap3A, %swap3A_76], %swap3A_79 {strides = array<i32>} : memref<8x128xf32, #tpu.memory_space<vmem>>, vector<1x16xf32>,
    }
    %scan3A_5 = arith.constant 64 : i32
    %scan3A_6 = arith.constant 0 : i32
    %scan3A_7 = arith.constant 0 : i32
    %scan3A_8 = arith.constant 79 : i32
    %scan3A_9 = arith.addi %scan3A_7, %scan3A_8 : i32
    %scan3A_10 = arith.constant 1 : i32
    scf.for %scan3A_42 = %scan3A_7 to %scan3A_9 step %scan3A_10  : i32 {
      %mul3A_43 = arith.constant 632 : i32
      %mul3A_44 = arith.muli %arg1, %mul3A_43 : i32
      %mul3A_45 = arith.constant 8 : i32
      %mul3A_46 = arith.muli %scan3A_42, %mul3A_45 : i32
      %add3A_47 = arith.addi %mul3A_44, %mul3A_46 : i32
      "tpu.region"() ({
        %run_scoped3A = tpu.sem_alloc : memref<!tpu.dma_semaphore, #tpu.memory_space<semaphore_mem>>
        %dma_start3A_48 = arith.constant 0 : i32
        %dma_start3A_49 = tpu.memref_slice %arg11[%add3A_47, %dma_start3A_48] : memref<10112x128xf32, #tpu.memory_space<vmem_shared>> -> memref<8x128xf32, #tpu.memory_space<vmem_shared>>
        %dma_start3A_50 = arith.constant 0 : i32
        %dma_start3A_51 = tpu.memref_slice %arg11[%add3A_47, %dma_start3A_50] : memref<10112x128xf32, #tpu.memory_space<vmem_shared>> -> memref<8x128xf32, #tpu.memory_space<vmem_shared>>
        tpu.enqueue_dma source(%arg10 : memref<8x128xf32, #tpu.memory_space<vmem>>) target(%dma_start3A_51 : memref<8x128xf32, #tpu.memory_space<vmem_shared>>) target_semaphore(%run_scoped3A : memref<!tpu.dma_semaphore, #tpu.memory_space<semaphore_mem>>)
        %dma_wait3A = arith.constant 0 : i32
        %dma_wait3A_52 = tpu.memref_slice %arg11[%add3A_47, %dma_wait3A] : memref<10112x128xf32, #tpu.memory_space<vmem_shared>> -> memref<8x128xf32, #tpu.memory_space<vmem_shared>>
        %dma_wait3A_53 = arith.constant 0 : i32
        %dma_wait3A_54 = tpu.memref_slice %arg11[%add3A_47, %dma_wait3A_53] : memref<10112x128xf32, #tpu.memory_space<vmem_shared>> -> memref<8x128xf32, #tpu.memory_space<vmem_shared>>
        tpu.wait_dma2 semaphore(%run_scoped3A : memref<!tpu.dma_semaphore, #tpu.memory_space<semaphore_mem>>) src(%arg10 : memref<8x128xf32, #tpu.memory_space<vmem>>) dst(%dma_wait3A_54 : memref<8x128xf32, #tpu.memory_space<vmem_shared>>)
        tpu.yield
      }) : () -> ()
    }
    %scan3A_11 = arith.constant 79 : i32
    %barrier3A = arith.constant 0 : index
    tpu.barrier barrier_id(%barrier3A)
    "tpu.region"() ({
      %run_scoped3A = tpu.sem_alloc : memref<!tpu.dma_semaphore, #tpu.memory_space<semaphore_mem>>
      %dma_start3A_42 = arith.constant 0 : i32
      %dma_start3A_43 = arith.constant 0 : i32
      %dma_start3A_44 = tpu.memref_slice %arg3[%add3A, %dma_start3A_42, %dma_start3A_43] : memref<32x80x128xi32, #tpu.memory_space<hbm>> -> memref<1x40x128xi32, #tpu.memory_space<hbm>>
      %dma_start3A_45 = tpu.memref_squeeze %dma_start3A_44 : memref<1x40x128xi32, #tpu.memory_space<hbm>> -> memref<40x128xi32, #tpu.memory_space<hbm>>
      %dma_start3A_46 = arith.constant 0 : i32
      %dma_start3A_47 = arith.constant 0 : i32
      %dma_start3A_48 = tpu.memref_slice %arg3[%add3A, %dma_start3A_46, %dma_start3A_47] : memref<32x80x128xi32, #tpu.memory_space<hbm>> -> memref<1x40x128xi32, #tpu.memory_space<hbm>>
      %dma_start3A_49 = tpu.memref_squeeze %dma_start3A_48 : memref<1x40x128xi32, #tpu.memory_space<hbm>> -> memref<40x128xi32, #tpu.memory_space<hbm>>
      tpu.enqueue_dma source(%dma_start3A_49 : memref<40x128xi32, #tpu.memory_space<hbm>>) target(%arg6 : memref<40x128xi32, #tpu.memory_space<vmem>>) target_semaphore(%run_scoped3A : memref<!tpu.dma_semaphore, #tpu.memory_space<semaphore_mem>>)
      %dma_wait3A = arith.constant 0 : i32
      %dma_wait3A_50 = arith.constant 0 : i32
      %dma_wait3A_51 = tpu.memref_slice %arg3[%add3A, %dma_wait3A, %dma_wait3A_50] : memref<32x80x128xi32, #tpu.memory_space<hbm>> -> memref<1x40x128xi32, #tpu.memory_space<hbm>>
      %dma_wait3A_52 = tpu.memref_squeeze %dma_wait3A_51 : memref<1x40x128xi32, #tpu.memory_space<hbm>> -> memref<40x128xi32, #tpu.memory_space<hbm>>
      %dma_wait3A_53 = arith.constant 0 : i32
      %dma_wait3A_54 = arith.constant 0 : i32
      %dma_wait3A_55 = tpu.memref_slice %arg3[%add3A, %dma_wait3A_53, %dma_wait3A_54] : memref<32x80x128xi32, #tpu.memory_space<hbm>> -> memref<1x40x128xi32, #tpu.memory_space<hbm>>
      %dma_wait3A_56 = tpu.memref_squeeze %dma_wait3A_55 : memref<1x40x128xi32, #tpu.memory_space<hbm>> -> memref<40x128xi32, #tpu.memory_space<hbm>>
      tpu.wait_dma2 semaphore(%run_scoped3A : memref<!tpu.dma_semaphore, #tpu.memory_space<semaphore_mem>>) src(%dma_wait3A_56 : memref<40x128xi32, #tpu.memory_space<hbm>>) dst(%arg6 : memref<40x128xi32, #tpu.memory_space<vmem>>)
      tpu.yield
    }) : () -> ()
    "tpu.region"() ({
      %run_scoped3A = tpu.sem_alloc : memref<!tpu.dma_semaphore, #tpu.memory_space<semaphore_mem>>
      %dma_start3A_42 = arith.constant 0 : i32
      %dma_start3A_43 = arith.constant 0 : i32
      %dma_start3A_44 = tpu.memref_slice %arg4[%add3A, %dma_start3A_42, %dma_start3A_43] : memref<32x80x128xi32, #tpu.memory_space<hbm>> -> memref<1x40x128xi32, #tpu.memory_space<hbm>>
      %dma_start3A_45 = tpu.memref_squeeze %dma_start3A_44 : memref<1x40x128xi32, #tpu.memory_space<hbm>> -> memref<40x128xi32, #tpu.memory_space<hbm>>
      %dma_start3A_46 = arith.constant 0 : i32
      %dma_start3A_47 = arith.constant 0 : i32
      %dma_start3A_48 = tpu.memref_slice %arg4[%add3A, %dma_start3A_46, %dma_start3A_47] : memref<32x80x128xi32, #tpu.memory_space<hbm>> -> memref<1x40x128xi32, #tpu.memory_space<hbm>>
      %dma_start3A_49 = tpu.memref_squeeze %dma_start3A_48 : memref<1x40x128xi32, #tpu.memory_space<hbm>> -> memref<40x128xi32, #tpu.memory_space<hbm>>
      tpu.enqueue_dma source(%dma_start3A_49 : memref<40x128xi32, #tpu.memory_space<hbm>>) target(%arg7 : memref<40x128xi32, #tpu.memory_space<vmem>>) target_semaphore(%run_scoped3A : memref<!tpu.dma_semaphore, #tpu.memory_space<semaphore_mem>>)
      %dma_wait3A = arith.constant 0 : i32
      %dma_wait3A_50 = arith.constant 0 : i32
      %dma_wait3A_51 = tpu.memref_slice %arg4[%add3A, %dma_wait3A, %dma_wait3A_50] : memref<32x80x128xi32, #tpu.memory_space<hbm>> -> memref<1x40x128xi32, #tpu.memory_space<hbm>>
      %dma_wait3A_52 = tpu.memref_squeeze %dma_wait3A_51 : memref<1x40x128xi32, #tpu.memory_space<hbm>> -> memref<40x128xi32, #tpu.memory_space<hbm>>
      %dma_wait3A_53 = arith.constant 0 : i32
      %dma_wait3A_54 = arith.constant 0 : i32
      %dma_wait3A_55 = tpu.memref_slice %arg4[%add3A, %dma_wait3A_53, %dma_wait3A_54] : memref<32x80x128xi32, #tpu.memory_space<hbm>> -> memref<1x40x128xi32, #tpu.memory_space<hbm>>
      %dma_wait3A_56 = tpu.memref_squeeze %dma_wait3A_55 : memref<1x40x128xi32, #tpu.memory_space<hbm>> -> memref<40x128xi32, #tpu.memory_space<hbm>>
      tpu.wait_dma2 semaphore(%run_scoped3A : memref<!tpu.dma_semaphore, #tpu.memory_space<semaphore_mem>>) src(%dma_wait3A_56 : memref<40x128xi32, #tpu.memory_space<hbm>>) dst(%arg7 : memref<40x128xi32, #tpu.memory_space<vmem>>)
      tpu.yield
    }) : () -> ()
    %dma_start3A = arith.constant 0 : i32
    %dma_start3A_12 = arith.constant 0 : i32
    %dma_start3A_13 = tpu.memref_slice %arg6[%dma_start3A, %dma_start3A_12] : memref<40x128xi32, #tpu.memory_space<vmem>> -> memref<1x128xi32, #tpu.memory_space<vmem>>
    %dma_start3A_14 = tpu.memref_squeeze %dma_start3A_13 : memref<1x128xi32, #tpu.memory_space<vmem>> -> memref<128xi32, #tpu.memory_space<vmem>>
    %dma_start3A_15 = arith.constant 0 : i32
    %dma_start3A_16 = arith.constant 0 : i32
    %dma_start3A_17 = tpu.memref_slice %arg2[%dma_start3A_15, %dma_start3A_16] : memref<10000x128xf32, #tpu.memory_space<hbm>> -> memref<10000x128xf32, #tpu.memory_space<hbm>>
    tpu.enqueue_indirect_dma source(%dma_start3A_17 : memref<10000x128xf32, #tpu.memory_space<hbm>>) target(%arg8 : memref<128x128xf32, #tpu.memory_space<vmem>>) offsets(%dma_start3A_14 : memref<128xi32, #tpu.memory_space<vmem>>) semaphore(%arg12 : memref<!tpu.dma_semaphore, #tpu.memory_space<semaphore_mem>>)
    %scan3A_18 = arith.constant 0 : i32
    %scan3A_19 = arith.constant 0 : i32
    %scan3A_20 = arith.constant 20 : i32
    %scan3A_21 = arith.addi %scan3A_19, %scan3A_20 : i32
    %scan3A_22 = arith.constant 1 : i32
    scf.for %scan3A_42 = %scan3A_19 to %scan3A_21 step %scan3A_22  : i32 {
      %mul3A_43 = arith.constant 2 : i32
      %mul3A_44 = arith.muli %scan3A_42, %mul3A_43 : i32
      %add3A_45 = arith.constant 1 : i32
      %add3A_46 = arith.addi %mul3A_44, %add3A_45 : i32
      %dma_start3A_47 = arith.constant 0 : i32
      %dma_start3A_48 = tpu.memref_slice %arg6[%add3A_46, %dma_start3A_47] : memref<40x128xi32, #tpu.memory_space<vmem>> -> memref<1x128xi32, #tpu.memory_space<vmem>>
      %dma_start3A_49 = tpu.memref_squeeze %dma_start3A_48 : memref<1x128xi32, #tpu.memory_space<vmem>> -> memref<128xi32, #tpu.memory_space<vmem>>
      %dma_start3A_50 = arith.constant 0 : i32
      %dma_start3A_51 = arith.constant 0 : i32
      %dma_start3A_52 = tpu.memref_slice %arg2[%dma_start3A_50, %dma_start3A_51] : memref<10000x128xf32, #tpu.memory_space<hbm>> -> memref<10000x128xf32, #tpu.memory_space<hbm>>
      tpu.enqueue_indirect_dma source(%dma_start3A_52 : memref<10000x128xf32, #tpu.memory_space<hbm>>) target(%arg9 : memref<128x128xf32, #tpu.memory_space<vmem>>) offsets(%dma_start3A_49 : memref<128xi32, #tpu.memory_space<vmem>>) semaphore(%arg13 : memref<!tpu.dma_semaphore, #tpu.memory_space<semaphore_mem>>)
      %dma_wait3A = arith.constant 0 : i32
      %dma_wait3A_53 = tpu.memref_slice %arg6[%mul3A_44, %dma_wait3A] : memref<40x128xi32, #tpu.memory_space<vmem>> -> memref<1x128xi32, #tpu.memory_space<vmem>>
      %dma_wait3A_54 = tpu.memref_squeeze %dma_wait3A_53 : memref<1x128xi32, #tpu.memory_space<vmem>> -> memref<128xi32, #tpu.memory_space<vmem>>
      %dma_wait3A_55 = arith.constant 0 : i32
      %dma_wait3A_56 = arith.constant 0 : i32
      %dma_wait3A_57 = tpu.memref_slice %arg2[%dma_wait3A_55, %dma_wait3A_56] : memref<10000x128xf32, #tpu.memory_space<hbm>> -> memref<10000x128xf32, #tpu.memory_space<hbm>>
      tpu.wait_indirect_dma semaphore(%arg12 : memref<!tpu.dma_semaphore, #tpu.memory_space<semaphore_mem>>) src(%dma_wait3A_57 : memref<10000x128xf32, #tpu.memory_space<hbm>>) dst(%arg8 : memref<128x128xf32, #tpu.memory_space<vmem>>)
      %dma_start3A_58 = arith.constant 0 : i32
      %dma_start3A_59 = tpu.memref_slice %arg7[%mul3A_44, %dma_start3A_58] : memref<40x128xi32, #tpu.memory_space<vmem>> -> memref<1x128xi32, #tpu.memory_space<vmem>>
      %dma_start3A_60 = tpu.memref_squeeze %dma_start3A_59 : memref<1x128xi32, #tpu.memory_space<vmem>> -> memref<128xi32, #tpu.memory_space<vmem>>
      %dma_start3A_61 = arith.constant 0 : i32
      %dma_start3A_62 = arith.constant 0 : i32
      %dma_start3A_63 = tpu.memref_slice %arg11[%dma_start3A_61, %dma_start3A_62] : memref<10112x128xf32, #tpu.memory_space<vmem_shared>> -> memref<10112x128xf32, #tpu.memory_space<vmem_shared>>
      tpu.enqueue_indirect_dma source(%arg8 : memref<128x128xf32, #tpu.memory_space<vmem>>) target(%dma_start3A_63 : memref<10112x128xf32, #tpu.memory_space<vmem_shared>>) offsets(%dma_start3A_60 : memref<128xi32, #tpu.memory_space<vmem>>) semaphore(%arg14 : memref<!tpu.dma_semaphore, #tpu.memory_space<semaphore_mem>>) {add = true}
      %add3A_64 = arith.constant 1 : i32
      %add3A_65 = arith.addi %mul3A_44, %add3A_64 : i32
      %dma_wait3A_66 = arith.constant 0 : i32
      %dma_wait3A_67 = tpu.memref_slice %arg6[%add3A_65, %dma_wait3A_66] : memref<40x128xi32, #tpu.memory_space<vmem>> -> memref<1x128xi32, #tpu.memory_space<vmem>>
      %dma_wait3A_68 = tpu.memref_squeeze %dma_wait3A_67 : memref<1x128xi32, #tpu.memory_space<vmem>> -> memref<128xi32, #tpu.memory_space<vmem>>
      %dma_wait3A_69 = arith.constant 0 : i32
      %dma_wait3A_70 = arith.constant 0 : i32
      %dma_wait3A_71 = tpu.memref_slice %arg2[%dma_wait3A_69, %dma_wait3A_70] : memref<10000x128xf32, #tpu.memory_space<hbm>> -> memref<10000x128xf32, #tpu.memory_space<hbm>>
      tpu.wait_indirect_dma semaphore(%arg13 : memref<!tpu.dma_semaphore, #tpu.memory_space<semaphore_mem>>) src(%dma_wait3A_71 : memref<10000x128xf32, #tpu.memory_space<hbm>>) dst(%arg9 : memref<128x128xf32, #tpu.memory_space<vmem>>)
      %add3A_72 = arith.constant 1 : i32
      %add3A_73 = arith.addi %mul3A_44, %add3A_72 : i32
      %dma_start3A_74 = arith.constant 0 : i32
      %dma_start3A_75 = tpu.memref_slice %arg7[%add3A_73, %dma_start3A_74] : memref<40x128xi32, #tpu.memory_space<vmem>> -> memref<1x128xi32, #tpu.memory_space<vmem>>
      %dma_start3A_76 = tpu.memref_squeeze %dma_start3A_75 : memref<1x128xi32, #tpu.memory_space<vmem>> -> memref<128xi32, #tpu.memory_space<vmem>>
      %dma_start3A_77 = arith.constant 0 : i32
      %dma_start3A_78 = arith.constant 0 : i32
      %dma_start3A_79 = tpu.memref_slice %arg11[%dma_start3A_77, %dma_start3A_78] : memref<10112x128xf32, #tpu.memory_space<vmem_shared>> -> memref<10112x128xf32, #tpu.memory_space<vmem_shared>>
      tpu.enqueue_indirect_dma source(%arg9 : memref<128x128xf32, #tpu.memory_space<vmem>>) target(%dma_start3A_79 : memref<10112x128xf32, #tpu.memory_space<vmem_shared>>) offsets(%dma_start3A_76 : memref<128xi32, #tpu.memory_space<vmem>>) semaphore(%arg15 : memref<!tpu.dma_semaphore, #tpu.memory_space<semaphore_mem>>) {add = true}
      %dma_wait3A_80 = arith.constant 0 : i32
      %dma_wait3A_81 = tpu.memref_slice %arg7[%mul3A_44, %dma_wait3A_80] : memref<40x128xi32, #tpu.memory_space<vmem>> -> memref<1x128xi32, #tpu.memory_space<vmem>>
      %dma_wait3A_82 = tpu.memref_squeeze %dma_wait3A_81 : memref<1x128xi32, #tpu.memory_space<vmem>> -> memref<128xi32, #tpu.memory_space<vmem>>
      %dma_wait3A_83 = arith.constant 0 : i32
      %dma_wait3A_84 = arith.constant 0 : i32
      %dma_wait3A_85 = tpu.memref_slice %arg11[%dma_wait3A_83, %dma_wait3A_84] : memref<10112x128xf32, #tpu.memory_space<vmem_shared>> -> memref<10112x128xf32, #tpu.memory_space<vmem_shared>>
      tpu.wait_indirect_dma semaphore(%arg14 : memref<!tpu.dma_semaphore, #tpu.memory_space<semaphore_mem>>) src(%arg8 : memref<128x128xf32, #tpu.memory_space<vmem>>) dst(%dma_wait3A_85 : memref<10112x128xf32, #tpu.memory_space<vmem_shared>>)
      %lt3A = arith.constant 19 : i32
      %lt3A_86 = arith.cmpi slt, %scan3A_42, %lt3A : i32
      %convert_element_type3A = arith.extui %lt3A_86 : i1 to i32
      %cond3A = arith.constant 0 : i32
      %cond3A_87 = arith.cmpi ne, %convert_element_type3A, %cond3A : i32
      scf.if %cond3A_87 {
        %add3A_96 = arith.constant 2 : i32
        %add3A_97 = arith.addi %mul3A_44, %add3A_96 : i32
        %dma_start3A_98 = arith.constant 0 : i32
        %dma_start3A_99 = tpu.memref_slice %arg6[%add3A_97, %dma_start3A_98] : memref<40x128xi32, #tpu.memory_space<vmem>> -> memref<1x128xi32, #tpu.memory_space<vmem>>
        %dma_start3A_100 = tpu.memref_squeeze %dma_start3A_99 : memref<1x128xi32, #tpu.memory_space<vmem>> -> memref<128xi32, #tpu.memory_space<vmem>>
        %dma_start3A_101 = arith.constant 0 : i32
        %dma_start3A_102 = arith.constant 0 : i32
        %dma_start3A_103 = tpu.memref_slice %arg2[%dma_start3A_101, %dma_start3A_102] : memref<10000x128xf32, #tpu.memory_space<hbm>> -> memref<10000x128xf32, #tpu.memory_space<hbm>>
        tpu.enqueue_indirect_dma source(%dma_start3A_103 : memref<10000x128xf32, #tpu.memory_space<hbm>>) target(%arg8 : memref<128x128xf32, #tpu.memory_space<vmem>>) offsets(%dma_start3A_100 : memref<128xi32, #tpu.memory_space<vmem>>) semaphore(%arg12 : memref<!tpu.dma_semaphore, #tpu.memory_space<semaphore_mem>>)
      } else {
      }
      %add3A_88 = arith.constant 1 : i32
      %add3A_89 = arith.addi %mul3A_44, %add3A_88 : i32
      %dma_wait3A_90 = arith.constant 0 : i32
      %dma_wait3A_91 = tpu.memref_slice %arg7[%add3A_89, %dma_wait3A_90] : memref<40x128xi32, #tpu.memory_space<vmem>> -> memref<1x128xi32, #tpu.memory_space<vmem>>
      %dma_wait3A_92 = tpu.memref_squeeze %dma_wait3A_91 : memref<1x128xi32, #tpu.memory_space<vmem>> -> memref<128xi32, #tpu.memory_space<vmem>>
      %dma_wait3A_93 = arith.constant 0 : i32
      %dma_wait3A_94 = arith.constant 0 : i32
      %dma_wait3A_95 = tpu.memref_slice %arg11[%dma_wait3A_93, %dma_wait3A_94] : memref<10112x128xf32, #tpu.memory_space<vmem_shared>> -> memref<10112x128xf32, #tpu.memory_space<vmem_shared>>
      tpu.wait_indirect_dma semaphore(%arg15 : memref<!tpu.dma_semaphore, #tpu.memory_space<semaphore_mem>>) src(%arg9 : memref<128x128xf32, #tpu.memory_space<vmem>>) dst(%dma_wait3A_95 : memref<10112x128xf32, #tpu.memory_space<vmem_shared>>)
    }
    %scan3A_23 = arith.constant 20 : i32
    "tpu.region"() ({
      %run_scoped3A = tpu.sem_alloc : memref<!tpu.dma_semaphore, #tpu.memory_space<semaphore_mem>>
      %dma_start3A_42 = arith.constant 40 : i32
      %dma_start3A_43 = arith.constant 0 : i32
      %dma_start3A_44 = tpu.memref_slice %arg3[%add3A, %dma_start3A_42, %dma_start3A_43] : memref<32x80x128xi32, #tpu.memory_space<hbm>> -> memref<1x40x128xi32, #tpu.memory_space<hbm>>
      %dma_start3A_45 = tpu.memref_squeeze %dma_start3A_44 : memref<1x40x128xi32, #tpu.memory_space<hbm>> -> memref<40x128xi32, #tpu.memory_space<hbm>>
      %dma_start3A_46 = arith.constant 40 : i32
      %dma_start3A_47 = arith.constant 0 : i32
      %dma_start3A_48 = tpu.memref_slice %arg3[%add3A, %dma_start3A_46, %dma_start3A_47] : memref<32x80x128xi32, #tpu.memory_space<hbm>> -> memref<1x40x128xi32, #tpu.memory_space<hbm>>
      %dma_start3A_49 = tpu.memref_squeeze %dma_start3A_48 : memref<1x40x128xi32, #tpu.memory_space<hbm>> -> memref<40x128xi32, #tpu.memory_space<hbm>>
      tpu.enqueue_dma source(%dma_start3A_49 : memref<40x128xi32, #tpu.memory_space<hbm>>) target(%arg6 : memref<40x128xi32, #tpu.memory_space<vmem>>) target_semaphore(%run_scoped3A : memref<!tpu.dma_semaphore, #tpu.memory_space<semaphore_mem>>)
      %dma_wait3A = arith.constant 40 : i32
      %dma_wait3A_50 = arith.constant 0 : i32
      %dma_wait3A_51 = tpu.memref_slice %arg3[%add3A, %dma_wait3A, %dma_wait3A_50] : memref<32x80x128xi32, #tpu.memory_space<hbm>> -> memref<1x40x128xi32, #tpu.memory_space<hbm>>
      %dma_wait3A_52 = tpu.memref_squeeze %dma_wait3A_51 : memref<1x40x128xi32, #tpu.memory_space<hbm>> -> memref<40x128xi32, #tpu.memory_space<hbm>>
      %dma_wait3A_53 = arith.constant 40 : i32
      %dma_wait3A_54 = arith.constant 0 : i32
      %dma_wait3A_55 = tpu.memref_slice %arg3[%add3A, %dma_wait3A_53, %dma_wait3A_54] : memref<32x80x128xi32, #tpu.memory_space<hbm>> -> memref<1x40x128xi32, #tpu.memory_space<hbm>>
      %dma_wait3A_56 = tpu.memref_squeeze %dma_wait3A_55 : memref<1x40x128xi32, #tpu.memory_space<hbm>> -> memref<40x128xi32, #tpu.memory_space<hbm>>
      tpu.wait_dma2 semaphore(%run_scoped3A : memref<!tpu.dma_semaphore, #tpu.memory_space<semaphore_mem>>) src(%dma_wait3A_56 : memref<40x128xi32, #tpu.memory_space<hbm>>) dst(%arg6 : memref<40x128xi32, #tpu.memory_space<vmem>>)
      tpu.yield
    }) : () -> ()
    "tpu.region"() ({
      %run_scoped3A = tpu.sem_alloc : memref<!tpu.dma_semaphore, #tpu.memory_space<semaphore_mem>>
      %dma_start3A_42 = arith.constant 40 : i32
      %dma_start3A_43 = arith.constant 0 : i32
      %dma_start3A_44 = tpu.memref_slice %arg4[%add3A, %dma_start3A_42, %dma_start3A_43] : memref<32x80x128xi32, #tpu.memory_space<hbm>> -> memref<1x40x128xi32, #tpu.memory_space<hbm>>
      %dma_start3A_45 = tpu.memref_squeeze %dma_start3A_44 : memref<1x40x128xi32, #tpu.memory_space<hbm>> -> memref<40x128xi32, #tpu.memory_space<hbm>>
      %dma_start3A_46 = arith.constant 40 : i32
      %dma_start3A_47 = arith.constant 0 : i32
      %dma_start3A_48 = tpu.memref_slice %arg4[%add3A, %dma_start3A_46, %dma_start3A_47] : memref<32x80x128xi32, #tpu.memory_space<hbm>> -> memref<1x40x128xi32, #tpu.memory_space<hbm>>
      %dma_start3A_49 = tpu.memref_squeeze %dma_start3A_48 : memref<1x40x128xi32, #tpu.memory_space<hbm>> -> memref<40x128xi32, #tpu.memory_space<hbm>>
      tpu.enqueue_dma source(%dma_start3A_49 : memref<40x128xi32, #tpu.memory_space<hbm>>) target(%arg7 : memref<40x128xi32, #tpu.memory_space<vmem>>) target_semaphore(%run_scoped3A : memref<!tpu.dma_semaphore, #tpu.memory_space<semaphore_mem>>)
      %dma_wait3A = arith.constant 40 : i32
      %dma_wait3A_50 = arith.constant 0 : i32
      %dma_wait3A_51 = tpu.memref_slice %arg4[%add3A, %dma_wait3A, %dma_wait3A_50] : memref<32x80x128xi32, #tpu.memory_space<hbm>> -> memref<1x40x128xi32, #tpu.memory_space<hbm>>
      %dma_wait3A_52 = tpu.memref_squeeze %dma_wait3A_51 : memref<1x40x128xi32, #tpu.memory_space<hbm>> -> memref<40x128xi32, #tpu.memory_space<hbm>>
      %dma_wait3A_53 = arith.constant 40 : i32
      %dma_wait3A_54 = arith.constant 0 : i32
      %dma_wait3A_55 = tpu.memref_slice %arg4[%add3A, %dma_wait3A_53, %dma_wait3A_54] : memref<32x80x128xi32, #tpu.memory_space<hbm>> -> memref<1x40x128xi32, #tpu.memory_space<hbm>>
      %dma_wait3A_56 = tpu.memref_squeeze %dma_wait3A_55 : memref<1x40x128xi32, #tpu.memory_space<hbm>> -> memref<40x128xi32, #tpu.memory_space<hbm>>
      tpu.wait_dma2 semaphore(%run_scoped3A : memref<!tpu.dma_semaphore, #tpu.memory_space<semaphore_mem>>) src(%dma_wait3A_56 : memref<40x128xi32, #tpu.memory_space<hbm>>) dst(%arg7 : memref<40x128xi32, #tpu.memory_space<vmem>>)
      tpu.yield
    }) : () -> ()
    %dma_start3A_24 = arith.constant 0 : i32
    %dma_start3A_25 = arith.constant 0 : i32
    %dma_start3A_26 = tpu.memref_slice %arg6[%dma_start3A_24, %dma_start3A_25] : memref<40x128xi32, #tpu.memory_space<vmem>> -> memref<1x128xi32, #tpu.memory_space<vmem>>
    %dma_start3A_27 = tpu.memref_squeeze %dma_start3A_26 : memref<1x128xi32, #tpu.memory_space<vmem>> -> memref<128xi32, #tpu.memory_space<vmem>>
    %dma_start3A_28 = arith.constant 0 : i32
    %dma_start3A_29 = arith.constant 0 : i32
    %dma_start3A_30 = tpu.memref_slice %arg2[%dma_start3A_28, %dma_start3A_29] : memref<10000x128xf32, #tpu.memory_space<hbm>> -> memref<10000x128xf32, #tpu.memory_space<hbm>>
    tpu.enqueue_indirect_dma source(%dma_start3A_30 : memref<10000x128xf32, #tpu.memory_space<hbm>>) target(%arg8 : memref<128x128xf32, #tpu.memory_space<vmem>>) offsets(%dma_start3A_27 : memref<128xi32, #tpu.memory_space<vmem>>) semaphore(%arg12 : memref<!tpu.dma_semaphore, #tpu.memory_space<semaphore_mem>>)
    %scan3A_31 = arith.constant 0 : i32
    %scan3A_32 = arith.constant 0 : i32
    %scan3A_33 = arith.constant 20 : i32
    %scan3A_34 = arith.addi %scan3A_32, %scan3A_33 : i32
    %scan3A_35 = arith.constant 1 : i32
    scf.for %scan3A_42 = %scan3A_32 to %scan3A_34 step %scan3A_35  : i32 {
      %mul3A_43 = arith.constant 2 : i32
      %mul3A_44 = arith.muli %scan3A_42, %mul3A_43 : i32
      %add3A_45 = arith.constant 1 : i32
      %add3A_46 = arith.addi %mul3A_44, %add3A_45 : i32
      %dma_start3A_47 = arith.constant 0 : i32
      %dma_start3A_48 = tpu.memref_slice %arg6[%add3A_46, %dma_start3A_47] : memref<40x128xi32, #tpu.memory_space<vmem>> -> memref<1x128xi32, #tpu.memory_space<vmem>>
      %dma_start3A_49 = tpu.memref_squeeze %dma_start3A_48 : memref<1x128xi32, #tpu.memory_space<vmem>> -> memref<128xi32, #tpu.memory_space<vmem>>
      %dma_start3A_50 = arith.constant 0 : i32
      %dma_start3A_51 = arith.constant 0 : i32
      %dma_start3A_52 = tpu.memref_slice %arg2[%dma_start3A_50, %dma_start3A_51] : memref<10000x128xf32, #tpu.memory_space<hbm>> -> memref<10000x128xf32, #tpu.memory_space<hbm>>
      tpu.enqueue_indirect_dma source(%dma_start3A_52 : memref<10000x128xf32, #tpu.memory_space<hbm>>) target(%arg9 : memref<128x128xf32, #tpu.memory_space<vmem>>) offsets(%dma_start3A_49 : memref<128xi32, #tpu.memory_space<vmem>>) semaphore(%arg13 : memref<!tpu.dma_semaphore, #tpu.memory_space<semaphore_mem>>)
      %dma_wait3A = arith.constant 0 : i32
      %dma_wait3A_53 = tpu.memref_slice %arg6[%mul3A_44, %dma_wait3A] : memref<40x128xi32, #tpu.memory_space<vmem>> -> memref<1x128xi32, #tpu.memory_space<vmem>>
      %dma_wait3A_54 = tpu.memref_squeeze %dma_wait3A_53 : memref<1x128xi32, #tpu.memory_space<vmem>> -> memref<128xi32, #tpu.memory_space<vmem>>
      %dma_wait3A_55 = arith.constant 0 : i32
      %dma_wait3A_56 = arith.constant 0 : i32
      %dma_wait3A_57 = tpu.memref_slice %arg2[%dma_wait3A_55, %dma_wait3A_56] : memref<10000x128xf32, #tpu.memory_space<hbm>> -> memref<10000x128xf32, #tpu.memory_space<hbm>>
      tpu.wait_indirect_dma semaphore(%arg12 : memref<!tpu.dma_semaphore, #tpu.memory_space<semaphore_mem>>) src(%dma_wait3A_57 : memref<10000x128xf32, #tpu.memory_space<hbm>>) dst(%arg8 : memref<128x128xf32, #tpu.memory_space<vmem>>)
      %dma_start3A_58 = arith.constant 0 : i32
      %dma_start3A_59 = tpu.memref_slice %arg7[%mul3A_44, %dma_start3A_58] : memref<40x128xi32, #tpu.memory_space<vmem>> -> memref<1x128xi32, #tpu.memory_space<vmem>>
      %dma_start3A_60 = tpu.memref_squeeze %dma_start3A_59 : memref<1x128xi32, #tpu.memory_space<vmem>> -> memref<128xi32, #tpu.memory_space<vmem>>
      %dma_start3A_61 = arith.constant 0 : i32
      %dma_start3A_62 = arith.constant 0 : i32
      %dma_start3A_63 = tpu.memref_slice %arg11[%dma_start3A_61, %dma_start3A_62] : memref<10112x128xf32, #tpu.memory_space<vmem_shared>> -> memref<10112x128xf32, #tpu.memory_space<vmem_shared>>
      tpu.enqueue_indirect_dma source(%arg8 : memref<128x128xf32, #tpu.memory_space<vmem>>) target(%dma_start3A_63 : memref<10112x128xf32, #tpu.memory_space<vmem_shared>>) offsets(%dma_start3A_60 : memref<128xi32, #tpu.memory_space<vmem>>) semaphore(%arg14 : memref<!tpu.dma_semaphore, #tpu.memory_space<semaphore_mem>>) {add = true}
      %add3A_64 = arith.constant 1 : i32
      %add3A_65 = arith.addi %mul3A_44, %add3A_64 : i32
      %dma_wait3A_66 = arith.constant 0 : i32
      %dma_wait3A_67 = tpu.memref_slice %arg6[%add3A_65, %dma_wait3A_66] : memref<40x128xi32, #tpu.memory_space<vmem>> -> memref<1x128xi32, #tpu.memory_space<vmem>>
      %dma_wait3A_68 = tpu.memref_squeeze %dma_wait3A_67 : memref<1x128xi32, #tpu.memory_space<vmem>> -> memref<128xi32, #tpu.memory_space<vmem>>
      %dma_wait3A_69 = arith.constant 0 : i32
      %dma_wait3A_70 = arith.constant 0 : i32
      %dma_wait3A_71 = tpu.memref_slice %arg2[%dma_wait3A_69, %dma_wait3A_70] : memref<10000x128xf32, #tpu.memory_space<hbm>> -> memref<10000x128xf32, #tpu.memory_space<hbm>>
      tpu.wait_indirect_dma semaphore(%arg13 : memref<!tpu.dma_semaphore, #tpu.memory_space<semaphore_mem>>) src(%dma_wait3A_71 : memref<10000x128xf32, #tpu.memory_space<hbm>>) dst(%arg9 : memref<128x128xf32, #tpu.memory_space<vmem>>)
      %add3A_72 = arith.constant 1 : i32
      %add3A_73 = arith.addi %mul3A_44, %add3A_72 : i32
      %dma_start3A_74 = arith.constant 0 : i32
      %dma_start3A_75 = tpu.memref_slice %arg7[%add3A_73, %dma_start3A_74] : memref<40x128xi32, #tpu.memory_space<vmem>> -> memref<1x128xi32, #tpu.memory_space<vmem>>
      %dma_start3A_76 = tpu.memref_squeeze %dma_start3A_75 : memref<1x128xi32, #tpu.memory_space<vmem>> -> memref<128xi32, #tpu.memory_space<vmem>>
      %dma_start3A_77 = arith.constant 0 : i32
      %dma_start3A_78 = arith.constant 0 : i32
      %dma_start3A_79 = tpu.memref_slice %arg11[%dma_start3A_77, %dma_start3A_78] : memref<10112x128xf32, #tpu.memory_space<vmem_shared>> -> memref<10112x128xf32, #tpu.memory_space<vmem_shared>>
      tpu.enqueue_indirect_dma source(%arg9 : memref<128x128xf32, #tpu.memory_space<vmem>>) target(%dma_start3A_79 : memref<10112x128xf32, #tpu.memory_space<vmem_shared>>) offsets(%dma_start3A_76 : memref<128xi32, #tpu.memory_space<vmem>>) semaphore(%arg15 : memref<!tpu.dma_semaphore, #tpu.memory_space<semaphore_mem>>) {add = true}
      %dma_wait3A_80 = arith.constant 0 : i32
      %dma_wait3A_81 = tpu.memref_slice %arg7[%mul3A_44, %dma_wait3A_80] : memref<40x128xi32, #tpu.memory_space<vmem>> -> memref<1x128xi32, #tpu.memory_space<vmem>>
      %dma_wait3A_82 = tpu.memref_squeeze %dma_wait3A_81 : memref<1x128xi32, #tpu.memory_space<vmem>> -> memref<128xi32, #tpu.memory_space<vmem>>
      %dma_wait3A_83 = arith.constant 0 : i32
      %dma_wait3A_84 = arith.constant 0 : i32
      %dma_wait3A_85 = tpu.memref_slice %arg11[%dma_wait3A_83, %dma_wait3A_84] : memref<10112x128xf32, #tpu.memory_space<vmem_shared>> -> memref<10112x128xf32, #tpu.memory_space<vmem_shared>>
      tpu.wait_indirect_dma semaphore(%arg14 : memref<!tpu.dma_semaphore, #tpu.memory_space<semaphore_mem>>) src(%arg8 : memref<128x128xf32, #tpu.memory_space<vmem>>) dst(%dma_wait3A_85 : memref<10112x128xf32, #tpu.memory_space<vmem_shared>>)
      %lt3A = arith.constant 19 : i32
      %lt3A_86 = arith.cmpi slt, %scan3A_42, %lt3A : i32
      %convert_element_type3A = arith.extui %lt3A_86 : i1 to i32
      %cond3A = arith.constant 0 : i32
      %cond3A_87 = arith.cmpi ne, %convert_element_type3A, %cond3A : i32
      scf.if %cond3A_87 {
        %add3A_96 = arith.constant 2 : i32
        %add3A_97 = arith.addi %mul3A_44, %add3A_96 : i32
        %dma_start3A_98 = arith.constant 0 : i32
        %dma_start3A_99 = tpu.memref_slice %arg6[%add3A_97, %dma_start3A_98] : memref<40x128xi32, #tpu.memory_space<vmem>> -> memref<1x128xi32, #tpu.memory_space<vmem>>
        %dma_start3A_100 = tpu.memref_squeeze %dma_start3A_99 : memref<1x128xi32, #tpu.memory_space<vmem>> -> memref<128xi32, #tpu.memory_space<vmem>>
        %dma_start3A_101 = arith.constant 0 : i32
        %dma_start3A_102 = arith.constant 0 : i32
        %dma_start3A_103 = tpu.memref_slice %arg2[%dma_start3A_101, %dma_start3A_102] : memref<10000x128xf32, #tpu.memory_space<hbm>> -> memref<10000x128xf32, #tpu.memory_space<hbm>>
        tpu.enqueue_indirect_dma source(%dma_start3A_103 : memref<10000x128xf32, #tpu.memory_space<hbm>>) target(%arg8 : memref<128x128xf32, #tpu.memory_space<vmem>>) offsets(%dma_start3A_100 : memref<128xi32, #tpu.memory_space<vmem>>) semaphore(%arg12 : memref<!tpu.dma_semaphore, #tpu.memory_space<semaphore_mem>>)
      } else {
      }
      %add3A_88 = arith.constant 1 : i32
      %add3A_89 = arith.addi %mul3A_44, %add3A_88 : i32
      %dma_wait3A_90 = arith.constant 0 : i32
      %dma_wait3A_91 = tpu.memref_slice %arg7[%add3A_89, %dma_wait3A_90] : memref<40x128xi32, #tpu.memory_space<vmem>> -> memref<1x128xi32, #tpu.memory_space<vmem>>
      %dma_wait3A_92 = tpu.memref_squeeze %dma_wait3A_91 : memref<1x128xi32, #tpu.memory_space<vmem>> -> memref<128xi32, #tpu.memory_space<vmem>>
      %dma_wait3A_93 = arith.constant 0 : i32
      %dma_wait3A_94 = arith.constant 0 : i32
      %dma_wait3A_95 = tpu.memref_slice %arg11[%dma_wait3A_93, %dma_wait3A_94] : memref<10112x128xf32, #tpu.memory_space<vmem_shared>> -> memref<10112x128xf32, #tpu.memory_space<vmem_shared>>
      tpu.wait_indirect_dma semaphore(%arg15 : memref<!tpu.dma_semaphore, #tpu.memory_space<semaphore_mem>>) src(%arg9 : memref<128x128xf32, #tpu.memory_space<vmem>>) dst(%dma_wait3A_95 : memref<10112x128xf32, #tpu.memory_space<vmem_shared>>)
    }
    %scan3A_36 = arith.constant 20 : i32
    %barrier3A_37 = arith.constant 0 : index
    tpu.barrier barrier_id(%barrier3A_37)
    %mul3A_38 = arith.constant 632 : i32
    %mul3A_39 = arith.muli %arg1, %mul3A_38 : i32
    %mul3A_40 = arith.constant 632 : i32
    %mul3A_41 = arith.muli %arg1, %mul3A_40 : i32
    "tpu.region"() ({
      %run_scoped3A = tpu.sem_alloc : memref<!tpu.dma_semaphore, #tpu.memory_space<semaphore_mem>>
      %dma_start3A_42 = arith.constant 0 : i32
      %dma_start3A_43 = tpu.memref_slice %arg5[%arg0, %mul3A_41, %dma_start3A_42] : memref<2x10112x128xf32, #tpu.memory_space<hbm>> -> memref<1x632x128xf32, #tpu.memory_space<hbm>>
      %dma_start3A_44 = tpu.memref_squeeze %dma_start3A_43 : memref<1x632x128xf32, #tpu.memory_space<hbm>> -> memref<632x128xf32, #tpu.memory_space<hbm>>
      %dma_start3A_45 = arith.constant 0 : i32
      %dma_start3A_46 = tpu.memref_slice %arg11[%mul3A_39, %dma_start3A_45] : memref<10112x128xf32, #tpu.memory_space<vmem_shared>> -> memref<632x128xf32, #tpu.memory_space<vmem_shared>>
      tpu.enqueue_dma source(%dma_start3A_46 : memref<632x128xf32, #tpu.memory_space<vmem_shared>>) target(%dma_start3A_44 : memref<632x128xf32, #tpu.memory_space<hbm>>) target_semaphore(%run_scoped3A : memref<!tpu.dma_semaphore, #tpu.memory_space<semaphore_mem>>)
      %dma_wait3A = arith.constant 0 : i32
      %dma_wait3A_47 = tpu.memref_slice %arg5[%arg0, %mul3A_41, %dma_wait3A] : memref<2x10112x128xf32, #tpu.memory_space<hbm>> -> memref<1x632x128xf32, #tpu.memory_space<hbm>>
      %dma_wait3A_48 = tpu.memref_squeeze %dma_wait3A_47 : memref<1x632x128xf32, #tpu.memory_space<hbm>> -> memref<632x128xf32, #tpu.memory_space<hbm>>
      %dma_wait3A_49 = arith.constant 0 : i32
      %dma_wait3A_50 = tpu.memref_slice %arg11[%mul3A_39, %dma_wait3A_49] : memref<10112x128xf32, #tpu.memory_space<vmem_shared>> -> memref<632x128xf32, #tpu.memory_space<vmem_shared>>
      tpu.wait_dma2 semaphore(%run_scoped3A : memref<!tpu.dma_semaphore, #tpu.memory_space<semaphore_mem>>) src(%dma_wait3A_50 : memref<632x128xf32, #tpu.memory_space<vmem_shared>>) dst(%dma_wait3A_48 : memref<632x128xf32, #tpu.memory_space<hbm>>)
      tpu.yield
    }) : () -> ()
    return
  }
}

#map = affine_map<(d0, d1) -> (0, 0)>
#map1 = affine_map<(d0, d1) -> (0, 0, 0)>
module attributes {stable_mosaic.version = 14 : i64} {
  func.func @_edge_scatter(%arg0: i32, %arg1: i32, %arg2: memref<10000x128xf32, #tpu.memory_space<hbm>>, %arg3: memref<32x80x128xi32, #tpu.memory_space<hbm>>, %arg4: memref<32x80x128xi32, #tpu.memory_space<hbm>>, %arg5: memref<2x10112x128xf32, #tpu.memory_space<hbm>>, %arg6: memref<40x128xi32, #tpu.memory_space<vmem>>, %arg7: memref<40x128xi32, #tpu.memory_space<vmem>>, %arg8: memref<128x128xf32, #tpu.memory_space<vmem>>, %arg9: memref<128x128xf32, #tpu.memory_space<vmem>>, %arg10: memref<8x128xf32, #tpu.memory_space<vmem>>, %arg11: memref<10112x128xf32, #tpu.memory_space<vmem_shared>>, %arg12: memref<!tpu.dma_semaphore, #tpu.memory_space<semaphore_mem>>, %arg13: memref<!tpu.dma_semaphore, #tpu.memory_space<semaphore_mem>>, %arg14: memref<!tpu.dma_semaphore, #tpu.memory_space<semaphore_mem>>, %arg15: memref<!tpu.dma_semaphore, #tpu.memory_space<semaphore_mem>>) attributes {dimension_semantics = [#tpu.dimension_semantics<core_parallel>, #tpu.dimension_semantics<subcore_parallel>], iteration_bounds = array<i64: 2, 16>, scalar_prefetch = 0 : i64, scratch_operands = 10 : i64, tpu.core_type = #tpu.core_type<sc_vector_subcore>, window_params = [{transform_indices = #map}, {transform_indices = #map1}, {transform_indices = #map1}, {transform_indices = #map1}]} {
    %mul3A = arith.constant 2 : i32
    %mul3A_0 = arith.muli %arg1, %mul3A : i32
    %add3A = arith.addi %mul3A_0, %arg0 : i32
    %scan3A = arith.constant 0 : i32
    %scan3A_1 = arith.constant 0 : i32
    %scan3A_2 = arith.constant 64 : i32
    %scan3A_3 = arith.addi %scan3A_1, %scan3A_2 : i32
    %scan3A_4 = arith.constant 1 : i32
    scf.for %scan3A_42 = %scan3A_1 to %scan3A_3 step %scan3A_4  : i32 {
      %jit3A = arith.constant 8 : i32
      %div3A = arith.divsi %scan3A_42, %jit3A : i32
      %sign3A = arith.constant 0 : i32
      %sign3A_43 = arith.cmpi sgt, %scan3A_42, %sign3A : i32
      %sign3A_44 = arith.extui %sign3A_43 : i1 to i32
      %sign3A_45 = arith.constant 0 : i32
      %sign3A_46 = arith.cmpi slt, %scan3A_42, %sign3A_45 : i32
      %sign3A_47 = arith.extui %sign3A_46 : i1 to i32
      %sign3A_48 = arith.subi %sign3A_44, %sign3A_47 : i32
      %sign3A_49 = arith.constant 0 : i32
      %sign3A_50 = arith.cmpi sgt, %jit3A, %sign3A_49 : i32
      %sign3A_51 = arith.extui %sign3A_50 : i1 to i32
      %sign3A_52 = arith.constant 0 : i32
      %sign3A_53 = arith.cmpi slt, %jit3A, %sign3A_52 : i32
      %sign3A_54 = arith.extui %sign3A_53 : i1 to i32
      %sign3A_55 = arith.subi %sign3A_51, %sign3A_54 : i32
      %ne3A = arith.cmpi ne, %sign3A_48, %sign3A_55 : i32
      %rem3A = arith.remsi %scan3A_42, %jit3A : i32
      %ne3A_56 = arith.constant 0 : i32
      %ne3A_57 = arith.cmpi ne, %rem3A, %ne3A_56 : i32
      %and3A = arith.andi %ne3A, %ne3A_57 : i1
      %sub3A = arith.constant 1 : i32
      %sub3A_58 = arith.subi %div3A, %sub3A : i32
      %select_n3A = arith.select %and3A, %sub3A_58, %div3A : i32
      %jit3A_59 = arith.constant 8 : i32
      %eq3A = arith.constant 0 : i32
      %eq3A_60 = arith.cmpi eq, %jit3A_59, %eq3A : i32
      %jit3A_61 = arith.constant 1 : i32
      %select_n3A_62 = arith.select %eq3A_60, %jit3A_61, %jit3A_59 : i32
      %rem3A_63 = arith.remsi %scan3A_42, %select_n3A_62 : i32
      %ne3A_64 = arith.constant 0 : i32
      %ne3A_65 = arith.cmpi ne, %rem3A_63, %ne3A_64 : i32
      %lt3A = arith.constant 0 : i32
      %lt3A_66 = arith.cmpi slt, %rem3A_63, %lt3A : i32
      %lt3A_67 = arith.constant 0 : i32
      %lt3A_68 = arith.cmpi slt, %select_n3A_62, %lt3A_67 : i32
      %ne3A_69 = arith.xori %lt3A_66, %lt3A_68 : i1
      %and3A_70 = arith.andi %ne3A_69, %ne3A_65 : i1
      %add3A_71 = arith.addi %rem3A_63, %select_n3A_62 : i32
      %select_n3A_72 = arith.select %and3A_70, %add3A_71, %rem3A_63 : i32
      %broadcast_in_dim3A = arith.constant 0.000000e+00 : f32
      %broadcast_in_dim3A_73 = vector.broadcast %broadcast_in_dim3A : f32 to vector<16xf32>
      %mul3A_74 = arith.constant 16 : i32
      %mul3A_75 = arith.muli %select_n3A_72, %mul3A_74 : i32
      %swap3A = arith.index_cast %select_n3A : i32 to index
      %swap3A_76 = arith.index_cast %mul3A_75 : i32 to index
      %swap3A_77 = tpu.vector_load %arg10[%swap3A, %swap3A_76] {strides = array<i32>} : memref<8x128xf32, #tpu.memory_space<vmem>>, vector<1x16xf32>,
      %swap3A_78 = vector.shape_cast %swap3A_77 : vector<1x16xf32> to vector<16xf32>
      %swap3A_79 = vector.shape_cast %broadcast_in_dim3A_73 : vector<16xf32> to vector<1x16xf32>
      tpu.vector_store %arg10[%swap3A, %swap3A_76], %swap3A_79 {strides = array<i32>} : memref<8x128xf32, #tpu.memory_space<vmem>>, vector<1x16xf32>,
    }
    %scan3A_5 = arith.constant 64 : i32
    %scan3A_6 = arith.constant 0 : i32
    %scan3A_7 = arith.constant 0 : i32
    %scan3A_8 = arith.constant 79 : i32
    %scan3A_9 = arith.addi %scan3A_7, %scan3A_8 : i32
    %scan3A_10 = arith.constant 1 : i32
    scf.for %scan3A_42 = %scan3A_7 to %scan3A_9 step %scan3A_10  : i32 {
      %mul3A_43 = arith.constant 632 : i32
      %mul3A_44 = arith.muli %arg1, %mul3A_43 : i32
      %mul3A_45 = arith.constant 8 : i32
      %mul3A_46 = arith.muli %scan3A_42, %mul3A_45 : i32
      %add3A_47 = arith.addi %mul3A_44, %mul3A_46 : i32
      "tpu.region"() ({
        %run_scoped3A = tpu.sem_alloc : memref<!tpu.dma_semaphore, #tpu.memory_space<semaphore_mem>>
        %dma_start3A_48 = arith.constant 0 : i32
        %dma_start3A_49 = tpu.memref_slice %arg11[%add3A_47, %dma_start3A_48] : memref<10112x128xf32, #tpu.memory_space<vmem_shared>> -> memref<8x128xf32, #tpu.memory_space<vmem_shared>>
        %dma_start3A_50 = arith.constant 0 : i32
        %dma_start3A_51 = tpu.memref_slice %arg11[%add3A_47, %dma_start3A_50] : memref<10112x128xf32, #tpu.memory_space<vmem_shared>> -> memref<8x128xf32, #tpu.memory_space<vmem_shared>>
        tpu.enqueue_dma source(%arg10 : memref<8x128xf32, #tpu.memory_space<vmem>>) target(%dma_start3A_51 : memref<8x128xf32, #tpu.memory_space<vmem_shared>>) target_semaphore(%run_scoped3A : memref<!tpu.dma_semaphore, #tpu.memory_space<semaphore_mem>>)
        %dma_wait3A = arith.constant 0 : i32
        %dma_wait3A_52 = tpu.memref_slice %arg11[%add3A_47, %dma_wait3A] : memref<10112x128xf32, #tpu.memory_space<vmem_shared>> -> memref<8x128xf32, #tpu.memory_space<vmem_shared>>
        %dma_wait3A_53 = arith.constant 0 : i32
        %dma_wait3A_54 = tpu.memref_slice %arg11[%add3A_47, %dma_wait3A_53] : memref<10112x128xf32, #tpu.memory_space<vmem_shared>> -> memref<8x128xf32, #tpu.memory_space<vmem_shared>>
        tpu.wait_dma2 semaphore(%run_scoped3A : memref<!tpu.dma_semaphore, #tpu.memory_space<semaphore_mem>>) src(%arg10 : memref<8x128xf32, #tpu.memory_space<vmem>>) dst(%dma_wait3A_54 : memref<8x128xf32, #tpu.memory_space<vmem_shared>>)
        tpu.yield
      }) : () -> ()
    }
    %scan3A_11 = arith.constant 79 : i32
    %barrier3A = arith.constant 0 : index
    tpu.barrier barrier_id(%barrier3A)
    "tpu.region"() ({
      %run_scoped3A = tpu.sem_alloc : memref<!tpu.dma_semaphore, #tpu.memory_space<semaphore_mem>>
      %dma_start3A_42 = arith.constant 0 : i32
      %dma_start3A_43 = arith.constant 0 : i32
      %dma_start3A_44 = tpu.memref_slice %arg3[%add3A, %dma_start3A_42, %dma_start3A_43] : memref<32x80x128xi32, #tpu.memory_space<hbm>> -> memref<1x40x128xi32, #tpu.memory_space<hbm>>
      %dma_start3A_45 = tpu.memref_squeeze %dma_start3A_44 : memref<1x40x128xi32, #tpu.memory_space<hbm>> -> memref<40x128xi32, #tpu.memory_space<hbm>>
      %dma_start3A_46 = arith.constant 0 : i32
      %dma_start3A_47 = arith.constant 0 : i32
      %dma_start3A_48 = tpu.memref_slice %arg3[%add3A, %dma_start3A_46, %dma_start3A_47] : memref<32x80x128xi32, #tpu.memory_space<hbm>> -> memref<1x40x128xi32, #tpu.memory_space<hbm>>
      %dma_start3A_49 = tpu.memref_squeeze %dma_start3A_48 : memref<1x40x128xi32, #tpu.memory_space<hbm>> -> memref<40x128xi32, #tpu.memory_space<hbm>>
      tpu.enqueue_dma source(%dma_start3A_49 : memref<40x128xi32, #tpu.memory_space<hbm>>) target(%arg6 : memref<40x128xi32, #tpu.memory_space<vmem>>) target_semaphore(%run_scoped3A : memref<!tpu.dma_semaphore, #tpu.memory_space<semaphore_mem>>)
      %dma_wait3A = arith.constant 0 : i32
      %dma_wait3A_50 = arith.constant 0 : i32
      %dma_wait3A_51 = tpu.memref_slice %arg3[%add3A, %dma_wait3A, %dma_wait3A_50] : memref<32x80x128xi32, #tpu.memory_space<hbm>> -> memref<1x40x128xi32, #tpu.memory_space<hbm>>
      %dma_wait3A_52 = tpu.memref_squeeze %dma_wait3A_51 : memref<1x40x128xi32, #tpu.memory_space<hbm>> -> memref<40x128xi32, #tpu.memory_space<hbm>>
      %dma_wait3A_53 = arith.constant 0 : i32
      %dma_wait3A_54 = arith.constant 0 : i32
      %dma_wait3A_55 = tpu.memref_slice %arg3[%add3A, %dma_wait3A_53, %dma_wait3A_54] : memref<32x80x128xi32, #tpu.memory_space<hbm>> -> memref<1x40x128xi32, #tpu.memory_space<hbm>>
      %dma_wait3A_56 = tpu.memref_squeeze %dma_wait3A_55 : memref<1x40x128xi32, #tpu.memory_space<hbm>> -> memref<40x128xi32, #tpu.memory_space<hbm>>
      tpu.wait_dma2 semaphore(%run_scoped3A : memref<!tpu.dma_semaphore, #tpu.memory_space<semaphore_mem>>) src(%dma_wait3A_56 : memref<40x128xi32, #tpu.memory_space<hbm>>) dst(%arg6 : memref<40x128xi32, #tpu.memory_space<vmem>>)
      tpu.yield
    }) : () -> ()
    "tpu.region"() ({
      %run_scoped3A = tpu.sem_alloc : memref<!tpu.dma_semaphore, #tpu.memory_space<semaphore_mem>>
      %dma_start3A_42 = arith.constant 0 : i32
      %dma_start3A_43 = arith.constant 0 : i32
      %dma_start3A_44 = tpu.memref_slice %arg4[%add3A, %dma_start3A_42, %dma_start3A_43] : memref<32x80x128xi32, #tpu.memory_space<hbm>> -> memref<1x40x128xi32, #tpu.memory_space<hbm>>
      %dma_start3A_45 = tpu.memref_squeeze %dma_start3A_44 : memref<1x40x128xi32, #tpu.memory_space<hbm>> -> memref<40x128xi32, #tpu.memory_space<hbm>>
      %dma_start3A_46 = arith.constant 0 : i32
      %dma_start3A_47 = arith.constant 0 : i32
      %dma_start3A_48 = tpu.memref_slice %arg4[%add3A, %dma_start3A_46, %dma_start3A_47] : memref<32x80x128xi32, #tpu.memory_space<hbm>> -> memref<1x40x128xi32, #tpu.memory_space<hbm>>
      %dma_start3A_49 = tpu.memref_squeeze %dma_start3A_48 : memref<1x40x128xi32, #tpu.memory_space<hbm>> -> memref<40x128xi32, #tpu.memory_space<hbm>>
      tpu.enqueue_dma source(%dma_start3A_49 : memref<40x128xi32, #tpu.memory_space<hbm>>) target(%arg7 : memref<40x128xi32, #tpu.memory_space<vmem>>) target_semaphore(%run_scoped3A : memref<!tpu.dma_semaphore, #tpu.memory_space<semaphore_mem>>)
      %dma_wait3A = arith.constant 0 : i32
      %dma_wait3A_50 = arith.constant 0 : i32
      %dma_wait3A_51 = tpu.memref_slice %arg4[%add3A, %dma_wait3A, %dma_wait3A_50] : memref<32x80x128xi32, #tpu.memory_space<hbm>> -> memref<1x40x128xi32, #tpu.memory_space<hbm>>
      %dma_wait3A_52 = tpu.memref_squeeze %dma_wait3A_51 : memref<1x40x128xi32, #tpu.memory_space<hbm>> -> memref<40x128xi32, #tpu.memory_space<hbm>>
      %dma_wait3A_53 = arith.constant 0 : i32
      %dma_wait3A_54 = arith.constant 0 : i32
      %dma_wait3A_55 = tpu.memref_slice %arg4[%add3A, %dma_wait3A_53, %dma_wait3A_54] : memref<32x80x128xi32, #tpu.memory_space<hbm>> -> memref<1x40x128xi32, #tpu.memory_space<hbm>>
      %dma_wait3A_56 = tpu.memref_squeeze %dma_wait3A_55 : memref<1x40x128xi32, #tpu.memory_space<hbm>> -> memref<40x128xi32, #tpu.memory_space<hbm>>
      tpu.wait_dma2 semaphore(%run_scoped3A : memref<!tpu.dma_semaphore, #tpu.memory_space<semaphore_mem>>) src(%dma_wait3A_56 : memref<40x128xi32, #tpu.memory_space<hbm>>) dst(%arg7 : memref<40x128xi32, #tpu.memory_space<vmem>>)
      tpu.yield
    }) : () -> ()
    %dma_start3A = arith.constant 0 : i32
    %dma_start3A_12 = arith.constant 0 : i32
    %dma_start3A_13 = tpu.memref_slice %arg6[%dma_start3A, %dma_start3A_12] : memref<40x128xi32, #tpu.memory_space<vmem>> -> memref<1x128xi32, #tpu.memory_space<vmem>>
    %dma_start3A_14 = tpu.memref_squeeze %dma_start3A_13 : memref<1x128xi32, #tpu.memory_space<vmem>> -> memref<128xi32, #tpu.memory_space<vmem>>
    %dma_start3A_15 = arith.constant 0 : i32
    %dma_start3A_16 = arith.constant 0 : i32
    %dma_start3A_17 = tpu.memref_slice %arg2[%dma_start3A_15, %dma_start3A_16] : memref<10000x128xf32, #tpu.memory_space<hbm>> -> memref<10000x128xf32, #tpu.memory_space<hbm>>
    tpu.enqueue_indirect_dma source(%dma_start3A_17 : memref<10000x128xf32, #tpu.memory_space<hbm>>) target(%arg8 : memref<128x128xf32, #tpu.memory_space<vmem>>) offsets(%dma_start3A_14 : memref<128xi32, #tpu.memory_space<vmem>>) semaphore(%arg12 : memref<!tpu.dma_semaphore, #tpu.memory_space<semaphore_mem>>)
    %scan3A_18 = arith.constant 0 : i32
    %scan3A_19 = arith.constant 0 : i32
    %scan3A_20 = arith.constant 20 : i32
    %scan3A_21 = arith.addi %scan3A_19, %scan3A_20 : i32
    %scan3A_22 = arith.constant 1 : i32
    scf.for %scan3A_42 = %scan3A_19 to %scan3A_21 step %scan3A_22  : i32 {
      %mul3A_43 = arith.constant 2 : i32
      %mul3A_44 = arith.muli %scan3A_42, %mul3A_43 : i32
      %add3A_45 = arith.constant 1 : i32
      %add3A_46 = arith.addi %mul3A_44, %add3A_45 : i32
      %dma_start3A_47 = arith.constant 0 : i32
      %dma_start3A_48 = tpu.memref_slice %arg6[%add3A_46, %dma_start3A_47] : memref<40x128xi32, #tpu.memory_space<vmem>> -> memref<1x128xi32, #tpu.memory_space<vmem>>
      %dma_start3A_49 = tpu.memref_squeeze %dma_start3A_48 : memref<1x128xi32, #tpu.memory_space<vmem>> -> memref<128xi32, #tpu.memory_space<vmem>>
      %dma_start3A_50 = arith.constant 0 : i32
      %dma_start3A_51 = arith.constant 0 : i32
      %dma_start3A_52 = tpu.memref_slice %arg2[%dma_start3A_50, %dma_start3A_51] : memref<10000x128xf32, #tpu.memory_space<hbm>> -> memref<10000x128xf32, #tpu.memory_space<hbm>>
      tpu.enqueue_indirect_dma source(%dma_start3A_52 : memref<10000x128xf32, #tpu.memory_space<hbm>>) target(%arg9 : memref<128x128xf32, #tpu.memory_space<vmem>>) offsets(%dma_start3A_49 : memref<128xi32, #tpu.memory_space<vmem>>) semaphore(%arg13 : memref<!tpu.dma_semaphore, #tpu.memory_space<semaphore_mem>>)
      %dma_wait3A = arith.constant 0 : i32
      %dma_wait3A_53 = tpu.memref_slice %arg6[%mul3A_44, %dma_wait3A] : memref<40x128xi32, #tpu.memory_space<vmem>> -> memref<1x128xi32, #tpu.memory_space<vmem>>
      %dma_wait3A_54 = tpu.memref_squeeze %dma_wait3A_53 : memref<1x128xi32, #tpu.memory_space<vmem>> -> memref<128xi32, #tpu.memory_space<vmem>>
      %dma_wait3A_55 = arith.constant 0 : i32
      %dma_wait3A_56 = arith.constant 0 : i32
      %dma_wait3A_57 = tpu.memref_slice %arg2[%dma_wait3A_55, %dma_wait3A_56] : memref<10000x128xf32, #tpu.memory_space<hbm>> -> memref<10000x128xf32, #tpu.memory_space<hbm>>
      tpu.wait_indirect_dma semaphore(%arg12 : memref<!tpu.dma_semaphore, #tpu.memory_space<semaphore_mem>>) src(%dma_wait3A_57 : memref<10000x128xf32, #tpu.memory_space<hbm>>) dst(%arg8 : memref<128x128xf32, #tpu.memory_space<vmem>>)
      %dma_start3A_58 = arith.constant 0 : i32
      %dma_start3A_59 = tpu.memref_slice %arg7[%mul3A_44, %dma_start3A_58] : memref<40x128xi32, #tpu.memory_space<vmem>> -> memref<1x128xi32, #tpu.memory_space<vmem>>
      %dma_start3A_60 = tpu.memref_squeeze %dma_start3A_59 : memref<1x128xi32, #tpu.memory_space<vmem>> -> memref<128xi32, #tpu.memory_space<vmem>>
      %dma_start3A_61 = arith.constant 0 : i32
      %dma_start3A_62 = arith.constant 0 : i32
      %dma_start3A_63 = tpu.memref_slice %arg11[%dma_start3A_61, %dma_start3A_62] : memref<10112x128xf32, #tpu.memory_space<vmem_shared>> -> memref<10112x128xf32, #tpu.memory_space<vmem_shared>>
      tpu.enqueue_indirect_dma source(%arg8 : memref<128x128xf32, #tpu.memory_space<vmem>>) target(%dma_start3A_63 : memref<10112x128xf32, #tpu.memory_space<vmem_shared>>) offsets(%dma_start3A_60 : memref<128xi32, #tpu.memory_space<vmem>>) semaphore(%arg14 : memref<!tpu.dma_semaphore, #tpu.memory_space<semaphore_mem>>) {add = true}
      %add3A_64 = arith.constant 1 : i32
      %add3A_65 = arith.addi %mul3A_44, %add3A_64 : i32
      %dma_wait3A_66 = arith.constant 0 : i32
      %dma_wait3A_67 = tpu.memref_slice %arg6[%add3A_65, %dma_wait3A_66] : memref<40x128xi32, #tpu.memory_space<vmem>> -> memref<1x128xi32, #tpu.memory_space<vmem>>
      %dma_wait3A_68 = tpu.memref_squeeze %dma_wait3A_67 : memref<1x128xi32, #tpu.memory_space<vmem>> -> memref<128xi32, #tpu.memory_space<vmem>>
      %dma_wait3A_69 = arith.constant 0 : i32
      %dma_wait3A_70 = arith.constant 0 : i32
      %dma_wait3A_71 = tpu.memref_slice %arg2[%dma_wait3A_69, %dma_wait3A_70] : memref<10000x128xf32, #tpu.memory_space<hbm>> -> memref<10000x128xf32, #tpu.memory_space<hbm>>
      tpu.wait_indirect_dma semaphore(%arg13 : memref<!tpu.dma_semaphore, #tpu.memory_space<semaphore_mem>>) src(%dma_wait3A_71 : memref<10000x128xf32, #tpu.memory_space<hbm>>) dst(%arg9 : memref<128x128xf32, #tpu.memory_space<vmem>>)
      %add3A_72 = arith.constant 1 : i32
      %add3A_73 = arith.addi %mul3A_44, %add3A_72 : i32
      %dma_start3A_74 = arith.constant 0 : i32
      %dma_start3A_75 = tpu.memref_slice %arg7[%add3A_73, %dma_start3A_74] : memref<40x128xi32, #tpu.memory_space<vmem>> -> memref<1x128xi32, #tpu.memory_space<vmem>>
      %dma_start3A_76 = tpu.memref_squeeze %dma_start3A_75 : memref<1x128xi32, #tpu.memory_space<vmem>> -> memref<128xi32, #tpu.memory_space<vmem>>
      %dma_start3A_77 = arith.constant 0 : i32
      %dma_start3A_78 = arith.constant 0 : i32
      %dma_start3A_79 = tpu.memref_slice %arg11[%dma_start3A_77, %dma_start3A_78] : memref<10112x128xf32, #tpu.memory_space<vmem_shared>> -> memref<10112x128xf32, #tpu.memory_space<vmem_shared>>
      tpu.enqueue_indirect_dma source(%arg9 : memref<128x128xf32, #tpu.memory_space<vmem>>) target(%dma_start3A_79 : memref<10112x128xf32, #tpu.memory_space<vmem_shared>>) offsets(%dma_start3A_76 : memref<128xi32, #tpu.memory_space<vmem>>) semaphore(%arg15 : memref<!tpu.dma_semaphore, #tpu.memory_space<semaphore_mem>>) {add = true}
      %dma_wait3A_80 = arith.constant 0 : i32
      %dma_wait3A_81 = tpu.memref_slice %arg7[%mul3A_44, %dma_wait3A_80] : memref<40x128xi32, #tpu.memory_space<vmem>> -> memref<1x128xi32, #tpu.memory_space<vmem>>
      %dma_wait3A_82 = tpu.memref_squeeze %dma_wait3A_81 : memref<1x128xi32, #tpu.memory_space<vmem>> -> memref<128xi32, #tpu.memory_space<vmem>>
      %dma_wait3A_83 = arith.constant 0 : i32
      %dma_wait3A_84 = arith.constant 0 : i32
      %dma_wait3A_85 = tpu.memref_slice %arg11[%dma_wait3A_83, %dma_wait3A_84] : memref<10112x128xf32, #tpu.memory_space<vmem_shared>> -> memref<10112x128xf32, #tpu.memory_space<vmem_shared>>
      tpu.wait_indirect_dma semaphore(%arg14 : memref<!tpu.dma_semaphore, #tpu.memory_space<semaphore_mem>>) src(%arg8 : memref<128x128xf32, #tpu.memory_space<vmem>>) dst(%dma_wait3A_85 : memref<10112x128xf32, #tpu.memory_space<vmem_shared>>)
      %lt3A = arith.constant 19 : i32
      %lt3A_86 = arith.cmpi slt, %scan3A_42, %lt3A : i32
      %convert_element_type3A = arith.extui %lt3A_86 : i1 to i32
      %cond3A = arith.constant 0 : i32
      %cond3A_87 = arith.cmpi ne, %convert_element_type3A, %cond3A : i32
      scf.if %cond3A_87 {
        %add3A_96 = arith.constant 2 : i32
        %add3A_97 = arith.addi %mul3A_44, %add3A_96 : i32
        %dma_start3A_98 = arith.constant 0 : i32
        %dma_start3A_99 = tpu.memref_slice %arg6[%add3A_97, %dma_start3A_98] : memref<40x128xi32, #tpu.memory_space<vmem>> -> memref<1x128xi32, #tpu.memory_space<vmem>>
        %dma_start3A_100 = tpu.memref_squeeze %dma_start3A_99 : memref<1x128xi32, #tpu.memory_space<vmem>> -> memref<128xi32, #tpu.memory_space<vmem>>
        %dma_start3A_101 = arith.constant 0 : i32
        %dma_start3A_102 = arith.constant 0 : i32
        %dma_start3A_103 = tpu.memref_slice %arg2[%dma_start3A_101, %dma_start3A_102] : memref<10000x128xf32, #tpu.memory_space<hbm>> -> memref<10000x128xf32, #tpu.memory_space<hbm>>
        tpu.enqueue_indirect_dma source(%dma_start3A_103 : memref<10000x128xf32, #tpu.memory_space<hbm>>) target(%arg8 : memref<128x128xf32, #tpu.memory_space<vmem>>) offsets(%dma_start3A_100 : memref<128xi32, #tpu.memory_space<vmem>>) semaphore(%arg12 : memref<!tpu.dma_semaphore, #tpu.memory_space<semaphore_mem>>)
      } else {
      }
      %add3A_88 = arith.constant 1 : i32
      %add3A_89 = arith.addi %mul3A_44, %add3A_88 : i32
      %dma_wait3A_90 = arith.constant 0 : i32
      %dma_wait3A_91 = tpu.memref_slice %arg7[%add3A_89, %dma_wait3A_90] : memref<40x128xi32, #tpu.memory_space<vmem>> -> memref<1x128xi32, #tpu.memory_space<vmem>>
      %dma_wait3A_92 = tpu.memref_squeeze %dma_wait3A_91 : memref<1x128xi32, #tpu.memory_space<vmem>> -> memref<128xi32, #tpu.memory_space<vmem>>
      %dma_wait3A_93 = arith.constant 0 : i32
      %dma_wait3A_94 = arith.constant 0 : i32
      %dma_wait3A_95 = tpu.memref_slice %arg11[%dma_wait3A_93, %dma_wait3A_94] : memref<10112x128xf32, #tpu.memory_space<vmem_shared>> -> memref<10112x128xf32, #tpu.memory_space<vmem_shared>>
      tpu.wait_indirect_dma semaphore(%arg15 : memref<!tpu.dma_semaphore, #tpu.memory_space<semaphore_mem>>) src(%arg9 : memref<128x128xf32, #tpu.memory_space<vmem>>) dst(%dma_wait3A_95 : memref<10112x128xf32, #tpu.memory_space<vmem_shared>>)
    }
    %scan3A_23 = arith.constant 20 : i32
    "tpu.region"() ({
      %run_scoped3A = tpu.sem_alloc : memref<!tpu.dma_semaphore, #tpu.memory_space<semaphore_mem>>
      %dma_start3A_42 = arith.constant 40 : i32
      %dma_start3A_43 = arith.constant 0 : i32
      %dma_start3A_44 = tpu.memref_slice %arg3[%add3A, %dma_start3A_42, %dma_start3A_43] : memref<32x80x128xi32, #tpu.memory_space<hbm>> -> memref<1x40x128xi32, #tpu.memory_space<hbm>>
      %dma_start3A_45 = tpu.memref_squeeze %dma_start3A_44 : memref<1x40x128xi32, #tpu.memory_space<hbm>> -> memref<40x128xi32, #tpu.memory_space<hbm>>
      %dma_start3A_46 = arith.constant 40 : i32
      %dma_start3A_47 = arith.constant 0 : i32
      %dma_start3A_48 = tpu.memref_slice %arg3[%add3A, %dma_start3A_46, %dma_start3A_47] : memref<32x80x128xi32, #tpu.memory_space<hbm>> -> memref<1x40x128xi32, #tpu.memory_space<hbm>>
      %dma_start3A_49 = tpu.memref_squeeze %dma_start3A_48 : memref<1x40x128xi32, #tpu.memory_space<hbm>> -> memref<40x128xi32, #tpu.memory_space<hbm>>
      tpu.enqueue_dma source(%dma_start3A_49 : memref<40x128xi32, #tpu.memory_space<hbm>>) target(%arg6 : memref<40x128xi32, #tpu.memory_space<vmem>>) target_semaphore(%run_scoped3A : memref<!tpu.dma_semaphore, #tpu.memory_space<semaphore_mem>>)
      %dma_wait3A = arith.constant 40 : i32
      %dma_wait3A_50 = arith.constant 0 : i32
      %dma_wait3A_51 = tpu.memref_slice %arg3[%add3A, %dma_wait3A, %dma_wait3A_50] : memref<32x80x128xi32, #tpu.memory_space<hbm>> -> memref<1x40x128xi32, #tpu.memory_space<hbm>>
      %dma_wait3A_52 = tpu.memref_squeeze %dma_wait3A_51 : memref<1x40x128xi32, #tpu.memory_space<hbm>> -> memref<40x128xi32, #tpu.memory_space<hbm>>
      %dma_wait3A_53 = arith.constant 40 : i32
      %dma_wait3A_54 = arith.constant 0 : i32
      %dma_wait3A_55 = tpu.memref_slice %arg3[%add3A, %dma_wait3A_53, %dma_wait3A_54] : memref<32x80x128xi32, #tpu.memory_space<hbm>> -> memref<1x40x128xi32, #tpu.memory_space<hbm>>
      %dma_wait3A_56 = tpu.memref_squeeze %dma_wait3A_55 : memref<1x40x128xi32, #tpu.memory_space<hbm>> -> memref<40x128xi32, #tpu.memory_space<hbm>>
      tpu.wait_dma2 semaphore(%run_scoped3A : memref<!tpu.dma_semaphore, #tpu.memory_space<semaphore_mem>>) src(%dma_wait3A_56 : memref<40x128xi32, #tpu.memory_space<hbm>>) dst(%arg6 : memref<40x128xi32, #tpu.memory_space<vmem>>)
      tpu.yield
    }) : () -> ()
    "tpu.region"() ({
      %run_scoped3A = tpu.sem_alloc : memref<!tpu.dma_semaphore, #tpu.memory_space<semaphore_mem>>
      %dma_start3A_42 = arith.constant 40 : i32
      %dma_start3A_43 = arith.constant 0 : i32
      %dma_start3A_44 = tpu.memref_slice %arg4[%add3A, %dma_start3A_42, %dma_start3A_43] : memref<32x80x128xi32, #tpu.memory_space<hbm>> -> memref<1x40x128xi32, #tpu.memory_space<hbm>>
      %dma_start3A_45 = tpu.memref_squeeze %dma_start3A_44 : memref<1x40x128xi32, #tpu.memory_space<hbm>> -> memref<40x128xi32, #tpu.memory_space<hbm>>
      %dma_start3A_46 = arith.constant 40 : i32
      %dma_start3A_47 = arith.constant 0 : i32
      %dma_start3A_48 = tpu.memref_slice %arg4[%add3A, %dma_start3A_46, %dma_start3A_47] : memref<32x80x128xi32, #tpu.memory_space<hbm>> -> memref<1x40x128xi32, #tpu.memory_space<hbm>>
      %dma_start3A_49 = tpu.memref_squeeze %dma_start3A_48 : memref<1x40x128xi32, #tpu.memory_space<hbm>> -> memref<40x128xi32, #tpu.memory_space<hbm>>
      tpu.enqueue_dma source(%dma_start3A_49 : memref<40x128xi32, #tpu.memory_space<hbm>>) target(%arg7 : memref<40x128xi32, #tpu.memory_space<vmem>>) target_semaphore(%run_scoped3A : memref<!tpu.dma_semaphore, #tpu.memory_space<semaphore_mem>>)
      %dma_wait3A = arith.constant 40 : i32
      %dma_wait3A_50 = arith.constant 0 : i32
      %dma_wait3A_51 = tpu.memref_slice %arg4[%add3A, %dma_wait3A, %dma_wait3A_50] : memref<32x80x128xi32, #tpu.memory_space<hbm>> -> memref<1x40x128xi32, #tpu.memory_space<hbm>>
      %dma_wait3A_52 = tpu.memref_squeeze %dma_wait3A_51 : memref<1x40x128xi32, #tpu.memory_space<hbm>> -> memref<40x128xi32, #tpu.memory_space<hbm>>
      %dma_wait3A_53 = arith.constant 40 : i32
      %dma_wait3A_54 = arith.constant 0 : i32
      %dma_wait3A_55 = tpu.memref_slice %arg4[%add3A, %dma_wait3A_53, %dma_wait3A_54] : memref<32x80x128xi32, #tpu.memory_space<hbm>> -> memref<1x40x128xi32, #tpu.memory_space<hbm>>
      %dma_wait3A_56 = tpu.memref_squeeze %dma_wait3A_55 : memref<1x40x128xi32, #tpu.memory_space<hbm>> -> memref<40x128xi32, #tpu.memory_space<hbm>>
      tpu.wait_dma2 semaphore(%run_scoped3A : memref<!tpu.dma_semaphore, #tpu.memory_space<semaphore_mem>>) src(%dma_wait3A_56 : memref<40x128xi32, #tpu.memory_space<hbm>>) dst(%arg7 : memref<40x128xi32, #tpu.memory_space<vmem>>)
      tpu.yield
    }) : () -> ()
    %dma_start3A_24 = arith.constant 0 : i32
    %dma_start3A_25 = arith.constant 0 : i32
    %dma_start3A_26 = tpu.memref_slice %arg6[%dma_start3A_24, %dma_start3A_25] : memref<40x128xi32, #tpu.memory_space<vmem>> -> memref<1x128xi32, #tpu.memory_space<vmem>>
    %dma_start3A_27 = tpu.memref_squeeze %dma_start3A_26 : memref<1x128xi32, #tpu.memory_space<vmem>> -> memref<128xi32, #tpu.memory_space<vmem>>
    %dma_start3A_28 = arith.constant 0 : i32
    %dma_start3A_29 = arith.constant 0 : i32
    %dma_start3A_30 = tpu.memref_slice %arg2[%dma_start3A_28, %dma_start3A_29] : memref<10000x128xf32, #tpu.memory_space<hbm>> -> memref<10000x128xf32, #tpu.memory_space<hbm>>
    tpu.enqueue_indirect_dma source(%dma_start3A_30 : memref<10000x128xf32, #tpu.memory_space<hbm>>) target(%arg8 : memref<128x128xf32, #tpu.memory_space<vmem>>) offsets(%dma_start3A_27 : memref<128xi32, #tpu.memory_space<vmem>>) semaphore(%arg12 : memref<!tpu.dma_semaphore, #tpu.memory_space<semaphore_mem>>)
    %scan3A_31 = arith.constant 0 : i32
    %scan3A_32 = arith.constant 0 : i32
    %scan3A_33 = arith.constant 20 : i32
    %scan3A_34 = arith.addi %scan3A_32, %scan3A_33 : i32
    %scan3A_35 = arith.constant 1 : i32
    scf.for %scan3A_42 = %scan3A_32 to %scan3A_34 step %scan3A_35  : i32 {
      %mul3A_43 = arith.constant 2 : i32
      %mul3A_44 = arith.muli %scan3A_42, %mul3A_43 : i32
      %add3A_45 = arith.constant 1 : i32
      %add3A_46 = arith.addi %mul3A_44, %add3A_45 : i32
      %dma_start3A_47 = arith.constant 0 : i32
      %dma_start3A_48 = tpu.memref_slice %arg6[%add3A_46, %dma_start3A_47] : memref<40x128xi32, #tpu.memory_space<vmem>> -> memref<1x128xi32, #tpu.memory_space<vmem>>
      %dma_start3A_49 = tpu.memref_squeeze %dma_start3A_48 : memref<1x128xi32, #tpu.memory_space<vmem>> -> memref<128xi32, #tpu.memory_space<vmem>>
      %dma_start3A_50 = arith.constant 0 : i32
      %dma_start3A_51 = arith.constant 0 : i32
      %dma_start3A_52 = tpu.memref_slice %arg2[%dma_start3A_50, %dma_start3A_51] : memref<10000x128xf32, #tpu.memory_space<hbm>> -> memref<10000x128xf32, #tpu.memory_space<hbm>>
      tpu.enqueue_indirect_dma source(%dma_start3A_52 : memref<10000x128xf32, #tpu.memory_space<hbm>>) target(%arg9 : memref<128x128xf32, #tpu.memory_space<vmem>>) offsets(%dma_start3A_49 : memref<128xi32, #tpu.memory_space<vmem>>) semaphore(%arg13 : memref<!tpu.dma_semaphore, #tpu.memory_space<semaphore_mem>>)
      %dma_wait3A = arith.constant 0 : i32
      %dma_wait3A_53 = tpu.memref_slice %arg6[%mul3A_44, %dma_wait3A] : memref<40x128xi32, #tpu.memory_space<vmem>> -> memref<1x128xi32, #tpu.memory_space<vmem>>
      %dma_wait3A_54 = tpu.memref_squeeze %dma_wait3A_53 : memref<1x128xi32, #tpu.memory_space<vmem>> -> memref<128xi32, #tpu.memory_space<vmem>>
      %dma_wait3A_55 = arith.constant 0 : i32
      %dma_wait3A_56 = arith.constant 0 : i32
      %dma_wait3A_57 = tpu.memref_slice %arg2[%dma_wait3A_55, %dma_wait3A_56] : memref<10000x128xf32, #tpu.memory_space<hbm>> -> memref<10000x128xf32, #tpu.memory_space<hbm>>
      tpu.wait_indirect_dma semaphore(%arg12 : memref<!tpu.dma_semaphore, #tpu.memory_space<semaphore_mem>>) src(%dma_wait3A_57 : memref<10000x128xf32, #tpu.memory_space<hbm>>) dst(%arg8 : memref<128x128xf32, #tpu.memory_space<vmem>>)
      %dma_start3A_58 = arith.constant 0 : i32
      %dma_start3A_59 = tpu.memref_slice %arg7[%mul3A_44, %dma_start3A_58] : memref<40x128xi32, #tpu.memory_space<vmem>> -> memref<1x128xi32, #tpu.memory_space<vmem>>
      %dma_start3A_60 = tpu.memref_squeeze %dma_start3A_59 : memref<1x128xi32, #tpu.memory_space<vmem>> -> memref<128xi32, #tpu.memory_space<vmem>>
      %dma_start3A_61 = arith.constant 0 : i32
      %dma_start3A_62 = arith.constant 0 : i32
      %dma_start3A_63 = tpu.memref_slice %arg11[%dma_start3A_61, %dma_start3A_62] : memref<10112x128xf32, #tpu.memory_space<vmem_shared>> -> memref<10112x128xf32, #tpu.memory_space<vmem_shared>>
      tpu.enqueue_indirect_dma source(%arg8 : memref<128x128xf32, #tpu.memory_space<vmem>>) target(%dma_start3A_63 : memref<10112x128xf32, #tpu.memory_space<vmem_shared>>) offsets(%dma_start3A_60 : memref<128xi32, #tpu.memory_space<vmem>>) semaphore(%arg14 : memref<!tpu.dma_semaphore, #tpu.memory_space<semaphore_mem>>) {add = true}
      %add3A_64 = arith.constant 1 : i32
      %add3A_65 = arith.addi %mul3A_44, %add3A_64 : i32
      %dma_wait3A_66 = arith.constant 0 : i32
      %dma_wait3A_67 = tpu.memref_slice %arg6[%add3A_65, %dma_wait3A_66] : memref<40x128xi32, #tpu.memory_space<vmem>> -> memref<1x128xi32, #tpu.memory_space<vmem>>
      %dma_wait3A_68 = tpu.memref_squeeze %dma_wait3A_67 : memref<1x128xi32, #tpu.memory_space<vmem>> -> memref<128xi32, #tpu.memory_space<vmem>>
      %dma_wait3A_69 = arith.constant 0 : i32
      %dma_wait3A_70 = arith.constant 0 : i32
      %dma_wait3A_71 = tpu.memref_slice %arg2[%dma_wait3A_69, %dma_wait3A_70] : memref<10000x128xf32, #tpu.memory_space<hbm>> -> memref<10000x128xf32, #tpu.memory_space<hbm>>
      tpu.wait_indirect_dma semaphore(%arg13 : memref<!tpu.dma_semaphore, #tpu.memory_space<semaphore_mem>>) src(%dma_wait3A_71 : memref<10000x128xf32, #tpu.memory_space<hbm>>) dst(%arg9 : memref<128x128xf32, #tpu.memory_space<vmem>>)
      %add3A_72 = arith.constant 1 : i32
      %add3A_73 = arith.addi %mul3A_44, %add3A_72 : i32
      %dma_start3A_74 = arith.constant 0 : i32
      %dma_start3A_75 = tpu.memref_slice %arg7[%add3A_73, %dma_start3A_74] : memref<40x128xi32, #tpu.memory_space<vmem>> -> memref<1x128xi32, #tpu.memory_space<vmem>>
      %dma_start3A_76 = tpu.memref_squeeze %dma_start3A_75 : memref<1x128xi32, #tpu.memory_space<vmem>> -> memref<128xi32, #tpu.memory_space<vmem>>
      %dma_start3A_77 = arith.constant 0 : i32
      %dma_start3A_78 = arith.constant 0 : i32
      %dma_start3A_79 = tpu.memref_slice %arg11[%dma_start3A_77, %dma_start3A_78] : memref<10112x128xf32, #tpu.memory_space<vmem_shared>> -> memref<10112x128xf32, #tpu.memory_space<vmem_shared>>
      tpu.enqueue_indirect_dma source(%arg9 : memref<128x128xf32, #tpu.memory_space<vmem>>) target(%dma_start3A_79 : memref<10112x128xf32, #tpu.memory_space<vmem_shared>>) offsets(%dma_start3A_76 : memref<128xi32, #tpu.memory_space<vmem>>) semaphore(%arg15 : memref<!tpu.dma_semaphore, #tpu.memory_space<semaphore_mem>>) {add = true}
      %dma_wait3A_80 = arith.constant 0 : i32
      %dma_wait3A_81 = tpu.memref_slice %arg7[%mul3A_44, %dma_wait3A_80] : memref<40x128xi32, #tpu.memory_space<vmem>> -> memref<1x128xi32, #tpu.memory_space<vmem>>
      %dma_wait3A_82 = tpu.memref_squeeze %dma_wait3A_81 : memref<1x128xi32, #tpu.memory_space<vmem>> -> memref<128xi32, #tpu.memory_space<vmem>>
      %dma_wait3A_83 = arith.constant 0 : i32
      %dma_wait3A_84 = arith.constant 0 : i32
      %dma_wait3A_85 = tpu.memref_slice %arg11[%dma_wait3A_83, %dma_wait3A_84] : memref<10112x128xf32, #tpu.memory_space<vmem_shared>> -> memref<10112x128xf32, #tpu.memory_space<vmem_shared>>
      tpu.wait_indirect_dma semaphore(%arg14 : memref<!tpu.dma_semaphore, #tpu.memory_space<semaphore_mem>>) src(%arg8 : memref<128x128xf32, #tpu.memory_space<vmem>>) dst(%dma_wait3A_85 : memref<10112x128xf32, #tpu.memory_space<vmem_shared>>)
      %lt3A = arith.constant 19 : i32
      %lt3A_86 = arith.cmpi slt, %scan3A_42, %lt3A : i32
      %convert_element_type3A = arith.extui %lt3A_86 : i1 to i32
      %cond3A = arith.constant 0 : i32
      %cond3A_87 = arith.cmpi ne, %convert_element_type3A, %cond3A : i32
      scf.if %cond3A_87 {
        %add3A_96 = arith.constant 2 : i32
        %add3A_97 = arith.addi %mul3A_44, %add3A_96 : i32
        %dma_start3A_98 = arith.constant 0 : i32
        %dma_start3A_99 = tpu.memref_slice %arg6[%add3A_97, %dma_start3A_98] : memref<40x128xi32, #tpu.memory_space<vmem>> -> memref<1x128xi32, #tpu.memory_space<vmem>>
        %dma_start3A_100 = tpu.memref_squeeze %dma_start3A_99 : memref<1x128xi32, #tpu.memory_space<vmem>> -> memref<128xi32, #tpu.memory_space<vmem>>
        %dma_start3A_101 = arith.constant 0 : i32
        %dma_start3A_102 = arith.constant 0 : i32
        %dma_start3A_103 = tpu.memref_slice %arg2[%dma_start3A_101, %dma_start3A_102] : memref<10000x128xf32, #tpu.memory_space<hbm>> -> memref<10000x128xf32, #tpu.memory_space<hbm>>
        tpu.enqueue_indirect_dma source(%dma_start3A_103 : memref<10000x128xf32, #tpu.memory_space<hbm>>) target(%arg8 : memref<128x128xf32, #tpu.memory_space<vmem>>) offsets(%dma_start3A_100 : memref<128xi32, #tpu.memory_space<vmem>>) semaphore(%arg12 : memref<!tpu.dma_semaphore, #tpu.memory_space<semaphore_mem>>)
      } else {
      }
      %add3A_88 = arith.constant 1 : i32
      %add3A_89 = arith.addi %mul3A_44, %add3A_88 : i32
      %dma_wait3A_90 = arith.constant 0 : i32
      %dma_wait3A_91 = tpu.memref_slice %arg7[%add3A_89, %dma_wait3A_90] : memref<40x128xi32, #tpu.memory_space<vmem>> -> memref<1x128xi32, #tpu.memory_space<vmem>>
      %dma_wait3A_92 = tpu.memref_squeeze %dma_wait3A_91 : memref<1x128xi32, #tpu.memory_space<vmem>> -> memref<128xi32, #tpu.memory_space<vmem>>
      %dma_wait3A_93 = arith.constant 0 : i32
      %dma_wait3A_94 = arith.constant 0 : i32
      %dma_wait3A_95 = tpu.memref_slice %arg11[%dma_wait3A_93, %dma_wait3A_94] : memref<10112x128xf32, #tpu.memory_space<vmem_shared>> -> memref<10112x128xf32, #tpu.memory_space<vmem_shared>>
      tpu.wait_indirect_dma semaphore(%arg15 : memref<!tpu.dma_semaphore, #tpu.memory_space<semaphore_mem>>) src(%arg9 : memref<128x128xf32, #tpu.memory_space<vmem>>) dst(%dma_wait3A_95 : memref<10112x128xf32, #tpu.memory_space<vmem_shared>>)
    }
    %scan3A_36 = arith.constant 20 : i32
    %barrier3A_37 = arith.constant 0 : index
    tpu.barrier barrier_id(%barrier3A_37)
    %mul3A_38 = arith.constant 632 : i32
    %mul3A_39 = arith.muli %arg1, %mul3A_38 : i32
    %mul3A_40 = arith.constant 632 : i32
    %mul3A_41 = arith.muli %arg1, %mul3A_40 : i32
    "tpu.region"() ({
      %run_scoped3A = tpu.sem_alloc : memref<!tpu.dma_semaphore, #tpu.memory_space<semaphore_mem>>
      %dma_start3A_42 = arith.constant 0 : i32
      %dma_start3A_43 = tpu.memref_slice %arg5[%arg0, %mul3A_41, %dma_start3A_42] : memref<2x10112x128xf32, #tpu.memory_space<hbm>> -> memref<1x632x128xf32, #tpu.memory_space<hbm>>
      %dma_start3A_44 = tpu.memref_squeeze %dma_start3A_43 : memref<1x632x128xf32, #tpu.memory_space<hbm>> -> memref<632x128xf32, #tpu.memory_space<hbm>>
      %dma_start3A_45 = arith.constant 0 : i32
      %dma_start3A_46 = tpu.memref_slice %arg11[%mul3A_39, %dma_start3A_45] : memref<10112x128xf32, #tpu.memory_space<vmem_shared>> -> memref<632x128xf32, #tpu.memory_space<vmem_shared>>
      tpu.enqueue_dma source(%dma_start3A_46 : memref<632x128xf32, #tpu.memory_space<vmem_shared>>) target(%dma_start3A_44 : memref<632x128xf32, #tpu.memory_space<hbm>>) target_semaphore(%run_scoped3A : memref<!tpu.dma_semaphore, #tpu.memory_space<semaphore_mem>>)
      %dma_wait3A = arith.constant 0 : i32
      %dma_wait3A_47 = tpu.memref_slice %arg5[%arg0, %mul3A_41, %dma_wait3A] : memref<2x10112x128xf32, #tpu.memory_space<hbm>> -> memref<1x632x128xf32, #tpu.memory_space<hbm>>
      %dma_wait3A_48 = tpu.memref_squeeze %dma_wait3A_47 : memref<1x632x128xf32, #tpu.memory_space<hbm>> -> memref<632x128xf32, #tpu.memory_space<hbm>>
      %dma_wait3A_49 = arith.constant 0 : i32
      %dma_wait3A_50 = tpu.memref_slice %arg11[%mul3A_39, %dma_wait3A_49] : memref<10112x128xf32, #tpu.memory_space<vmem_shared>> -> memref<632x128xf32, #tpu.memory_space<vmem_shared>>
      tpu.wait_dma2 semaphore(%run_scoped3A : memref<!tpu.dma_semaphore, #tpu.memory_space<semaphore_mem>>) src(%dma_wait3A_50 : memref<632x128xf32, #tpu.memory_space<vmem_shared>>) dst(%dma_wait3A_48 : memref<632x128xf32, #tpu.memory_space<hbm>>)
      tpu.yield
    }) : () -> ()
    return
  }
}

#map = affine_map<(d0, d1) -> (0, 0)>
#map1 = affine_map<(d0, d1) -> (0, 0, 0)>
module attributes {stable_mosaic.version = 14 : i64} {
  func.func @_edge_scatter(%arg0: i32, %arg1: i32, %arg2: memref<10000x128xf32, #tpu.memory_space<hbm>>, %arg3: memref<32x80x128xi32, #tpu.memory_space<hbm>>, %arg4: memref<32x80x128xi32, #tpu.memory_space<hbm>>, %arg5: memref<2x10112x128xf32, #tpu.memory_space<hbm>>, %arg6: memref<40x128xi32, #tpu.memory_space<vmem>>, %arg7: memref<40x128xi32, #tpu.memory_space<vmem>>, %arg8: memref<128x128xf32, #tpu.memory_space<vmem>>, %arg9: memref<128x128xf32, #tpu.memory_space<vmem>>, %arg10: memref<8x128xf32, #tpu.memory_space<vmem>>, %arg11: memref<10112x128xf32, #tpu.memory_space<vmem_shared>>, %arg12: memref<!tpu.dma_semaphore, #tpu.memory_space<semaphore_mem>>, %arg13: memref<!tpu.dma_semaphore, #tpu.memory_space<semaphore_mem>>, %arg14: memref<!tpu.dma_semaphore, #tpu.memory_space<semaphore_mem>>, %arg15: memref<!tpu.dma_semaphore, #tpu.memory_space<semaphore_mem>>) attributes {dimension_semantics = [#tpu.dimension_semantics<core_parallel>, #tpu.dimension_semantics<subcore_parallel>], iteration_bounds = array<i64: 2, 16>, scalar_prefetch = 0 : i64, scratch_operands = 10 : i64, tpu.core_type = #tpu.core_type<sc_vector_subcore>, window_params = [{transform_indices = #map}, {transform_indices = #map1}, {transform_indices = #map1}, {transform_indices = #map1}]} {
    %mul3A = arith.constant 2 : i32
    %mul3A_0 = arith.muli %arg1, %mul3A : i32
    %add3A = arith.addi %mul3A_0, %arg0 : i32
    %scan3A = arith.constant 0 : i32
    %scan3A_1 = arith.constant 0 : i32
    %scan3A_2 = arith.constant 64 : i32
    %scan3A_3 = arith.addi %scan3A_1, %scan3A_2 : i32
    %scan3A_4 = arith.constant 1 : i32
    scf.for %scan3A_42 = %scan3A_1 to %scan3A_3 step %scan3A_4  : i32 {
      %jit3A = arith.constant 8 : i32
      %div3A = arith.divsi %scan3A_42, %jit3A : i32
      %sign3A = arith.constant 0 : i32
      %sign3A_43 = arith.cmpi sgt, %scan3A_42, %sign3A : i32
      %sign3A_44 = arith.extui %sign3A_43 : i1 to i32
      %sign3A_45 = arith.constant 0 : i32
      %sign3A_46 = arith.cmpi slt, %scan3A_42, %sign3A_45 : i32
      %sign3A_47 = arith.extui %sign3A_46 : i1 to i32
      %sign3A_48 = arith.subi %sign3A_44, %sign3A_47 : i32
      %sign3A_49 = arith.constant 0 : i32
      %sign3A_50 = arith.cmpi sgt, %jit3A, %sign3A_49 : i32
      %sign3A_51 = arith.extui %sign3A_50 : i1 to i32
      %sign3A_52 = arith.constant 0 : i32
      %sign3A_53 = arith.cmpi slt, %jit3A, %sign3A_52 : i32
      %sign3A_54 = arith.extui %sign3A_53 : i1 to i32
      %sign3A_55 = arith.subi %sign3A_51, %sign3A_54 : i32
      %ne3A = arith.cmpi ne, %sign3A_48, %sign3A_55 : i32
      %rem3A = arith.remsi %scan3A_42, %jit3A : i32
      %ne3A_56 = arith.constant 0 : i32
      %ne3A_57 = arith.cmpi ne, %rem3A, %ne3A_56 : i32
      %and3A = arith.andi %ne3A, %ne3A_57 : i1
      %sub3A = arith.constant 1 : i32
      %sub3A_58 = arith.subi %div3A, %sub3A : i32
      %select_n3A = arith.select %and3A, %sub3A_58, %div3A : i32
      %jit3A_59 = arith.constant 8 : i32
      %eq3A = arith.constant 0 : i32
      %eq3A_60 = arith.cmpi eq, %jit3A_59, %eq3A : i32
      %jit3A_61 = arith.constant 1 : i32
      %select_n3A_62 = arith.select %eq3A_60, %jit3A_61, %jit3A_59 : i32
      %rem3A_63 = arith.remsi %scan3A_42, %select_n3A_62 : i32
      %ne3A_64 = arith.constant 0 : i32
      %ne3A_65 = arith.cmpi ne, %rem3A_63, %ne3A_64 : i32
      %lt3A = arith.constant 0 : i32
      %lt3A_66 = arith.cmpi slt, %rem3A_63, %lt3A : i32
      %lt3A_67 = arith.constant 0 : i32
      %lt3A_68 = arith.cmpi slt, %select_n3A_62, %lt3A_67 : i32
      %ne3A_69 = arith.xori %lt3A_66, %lt3A_68 : i1
      %and3A_70 = arith.andi %ne3A_69, %ne3A_65 : i1
      %add3A_71 = arith.addi %rem3A_63, %select_n3A_62 : i32
      %select_n3A_72 = arith.select %and3A_70, %add3A_71, %rem3A_63 : i32
      %broadcast_in_dim3A = arith.constant 0.000000e+00 : f32
      %broadcast_in_dim3A_73 = vector.broadcast %broadcast_in_dim3A : f32 to vector<16xf32>
      %mul3A_74 = arith.constant 16 : i32
      %mul3A_75 = arith.muli %select_n3A_72, %mul3A_74 : i32
      %swap3A = arith.index_cast %select_n3A : i32 to index
      %swap3A_76 = arith.index_cast %mul3A_75 : i32 to index
      %swap3A_77 = tpu.vector_load %arg10[%swap3A, %swap3A_76] {strides = array<i32>} : memref<8x128xf32, #tpu.memory_space<vmem>>, vector<1x16xf32>,
      %swap3A_78 = vector.shape_cast %swap3A_77 : vector<1x16xf32> to vector<16xf32>
      %swap3A_79 = vector.shape_cast %broadcast_in_dim3A_73 : vector<16xf32> to vector<1x16xf32>
      tpu.vector_store %arg10[%swap3A, %swap3A_76], %swap3A_79 {strides = array<i32>} : memref<8x128xf32, #tpu.memory_space<vmem>>, vector<1x16xf32>,
    }
    %scan3A_5 = arith.constant 64 : i32
    %scan3A_6 = arith.constant 0 : i32
    %scan3A_7 = arith.constant 0 : i32
    %scan3A_8 = arith.constant 79 : i32
    %scan3A_9 = arith.addi %scan3A_7, %scan3A_8 : i32
    %scan3A_10 = arith.constant 1 : i32
    scf.for %scan3A_42 = %scan3A_7 to %scan3A_9 step %scan3A_10  : i32 {
      %mul3A_43 = arith.constant 632 : i32
      %mul3A_44 = arith.muli %arg1, %mul3A_43 : i32
      %mul3A_45 = arith.constant 8 : i32
      %mul3A_46 = arith.muli %scan3A_42, %mul3A_45 : i32
      %add3A_47 = arith.addi %mul3A_44, %mul3A_46 : i32
      "tpu.region"() ({
        %run_scoped3A = tpu.sem_alloc : memref<!tpu.dma_semaphore, #tpu.memory_space<semaphore_mem>>
        %dma_start3A_48 = arith.constant 0 : i32
        %dma_start3A_49 = tpu.memref_slice %arg11[%add3A_47, %dma_start3A_48] : memref<10112x128xf32, #tpu.memory_space<vmem_shared>> -> memref<8x128xf32, #tpu.memory_space<vmem_shared>>
        %dma_start3A_50 = arith.constant 0 : i32
        %dma_start3A_51 = tpu.memref_slice %arg11[%add3A_47, %dma_start3A_50] : memref<10112x128xf32, #tpu.memory_space<vmem_shared>> -> memref<8x128xf32, #tpu.memory_space<vmem_shared>>
        tpu.enqueue_dma source(%arg10 : memref<8x128xf32, #tpu.memory_space<vmem>>) target(%dma_start3A_51 : memref<8x128xf32, #tpu.memory_space<vmem_shared>>) target_semaphore(%run_scoped3A : memref<!tpu.dma_semaphore, #tpu.memory_space<semaphore_mem>>)
        %dma_wait3A = arith.constant 0 : i32
        %dma_wait3A_52 = tpu.memref_slice %arg11[%add3A_47, %dma_wait3A] : memref<10112x128xf32, #tpu.memory_space<vmem_shared>> -> memref<8x128xf32, #tpu.memory_space<vmem_shared>>
        %dma_wait3A_53 = arith.constant 0 : i32
        %dma_wait3A_54 = tpu.memref_slice %arg11[%add3A_47, %dma_wait3A_53] : memref<10112x128xf32, #tpu.memory_space<vmem_shared>> -> memref<8x128xf32, #tpu.memory_space<vmem_shared>>
        tpu.wait_dma2 semaphore(%run_scoped3A : memref<!tpu.dma_semaphore, #tpu.memory_space<semaphore_mem>>) src(%arg10 : memref<8x128xf32, #tpu.memory_space<vmem>>) dst(%dma_wait3A_54 : memref<8x128xf32, #tpu.memory_space<vmem_shared>>)
        tpu.yield
      }) : () -> ()
    }
    %scan3A_11 = arith.constant 79 : i32
    %barrier3A = arith.constant 0 : index
    tpu.barrier barrier_id(%barrier3A)
    "tpu.region"() ({
      %run_scoped3A = tpu.sem_alloc : memref<!tpu.dma_semaphore, #tpu.memory_space<semaphore_mem>>
      %dma_start3A_42 = arith.constant 0 : i32
      %dma_start3A_43 = arith.constant 0 : i32
      %dma_start3A_44 = tpu.memref_slice %arg3[%add3A, %dma_start3A_42, %dma_start3A_43] : memref<32x80x128xi32, #tpu.memory_space<hbm>> -> memref<1x40x128xi32, #tpu.memory_space<hbm>>
      %dma_start3A_45 = tpu.memref_squeeze %dma_start3A_44 : memref<1x40x128xi32, #tpu.memory_space<hbm>> -> memref<40x128xi32, #tpu.memory_space<hbm>>
      %dma_start3A_46 = arith.constant 0 : i32
      %dma_start3A_47 = arith.constant 0 : i32
      %dma_start3A_48 = tpu.memref_slice %arg3[%add3A, %dma_start3A_46, %dma_start3A_47] : memref<32x80x128xi32, #tpu.memory_space<hbm>> -> memref<1x40x128xi32, #tpu.memory_space<hbm>>
      %dma_start3A_49 = tpu.memref_squeeze %dma_start3A_48 : memref<1x40x128xi32, #tpu.memory_space<hbm>> -> memref<40x128xi32, #tpu.memory_space<hbm>>
      tpu.enqueue_dma source(%dma_start3A_49 : memref<40x128xi32, #tpu.memory_space<hbm>>) target(%arg6 : memref<40x128xi32, #tpu.memory_space<vmem>>) target_semaphore(%run_scoped3A : memref<!tpu.dma_semaphore, #tpu.memory_space<semaphore_mem>>)
      %dma_wait3A = arith.constant 0 : i32
      %dma_wait3A_50 = arith.constant 0 : i32
      %dma_wait3A_51 = tpu.memref_slice %arg3[%add3A, %dma_wait3A, %dma_wait3A_50] : memref<32x80x128xi32, #tpu.memory_space<hbm>> -> memref<1x40x128xi32, #tpu.memory_space<hbm>>
      %dma_wait3A_52 = tpu.memref_squeeze %dma_wait3A_51 : memref<1x40x128xi32, #tpu.memory_space<hbm>> -> memref<40x128xi32, #tpu.memory_space<hbm>>
      %dma_wait3A_53 = arith.constant 0 : i32
      %dma_wait3A_54 = arith.constant 0 : i32
      %dma_wait3A_55 = tpu.memref_slice %arg3[%add3A, %dma_wait3A_53, %dma_wait3A_54] : memref<32x80x128xi32, #tpu.memory_space<hbm>> -> memref<1x40x128xi32, #tpu.memory_space<hbm>>
      %dma_wait3A_56 = tpu.memref_squeeze %dma_wait3A_55 : memref<1x40x128xi32, #tpu.memory_space<hbm>> -> memref<40x128xi32, #tpu.memory_space<hbm>>
      tpu.wait_dma2 semaphore(%run_scoped3A : memref<!tpu.dma_semaphore, #tpu.memory_space<semaphore_mem>>) src(%dma_wait3A_56 : memref<40x128xi32, #tpu.memory_space<hbm>>) dst(%arg6 : memref<40x128xi32, #tpu.memory_space<vmem>>)
      tpu.yield
    }) : () -> ()
    "tpu.region"() ({
      %run_scoped3A = tpu.sem_alloc : memref<!tpu.dma_semaphore, #tpu.memory_space<semaphore_mem>>
      %dma_start3A_42 = arith.constant 0 : i32
      %dma_start3A_43 = arith.constant 0 : i32
      %dma_start3A_44 = tpu.memref_slice %arg4[%add3A, %dma_start3A_42, %dma_start3A_43] : memref<32x80x128xi32, #tpu.memory_space<hbm>> -> memref<1x40x128xi32, #tpu.memory_space<hbm>>
      %dma_start3A_45 = tpu.memref_squeeze %dma_start3A_44 : memref<1x40x128xi32, #tpu.memory_space<hbm>> -> memref<40x128xi32, #tpu.memory_space<hbm>>
      %dma_start3A_46 = arith.constant 0 : i32
      %dma_start3A_47 = arith.constant 0 : i32
      %dma_start3A_48 = tpu.memref_slice %arg4[%add3A, %dma_start3A_46, %dma_start3A_47] : memref<32x80x128xi32, #tpu.memory_space<hbm>> -> memref<1x40x128xi32, #tpu.memory_space<hbm>>
      %dma_start3A_49 = tpu.memref_squeeze %dma_start3A_48 : memref<1x40x128xi32, #tpu.memory_space<hbm>> -> memref<40x128xi32, #tpu.memory_space<hbm>>
      tpu.enqueue_dma source(%dma_start3A_49 : memref<40x128xi32, #tpu.memory_space<hbm>>) target(%arg7 : memref<40x128xi32, #tpu.memory_space<vmem>>) target_semaphore(%run_scoped3A : memref<!tpu.dma_semaphore, #tpu.memory_space<semaphore_mem>>)
      %dma_wait3A = arith.constant 0 : i32
      %dma_wait3A_50 = arith.constant 0 : i32
      %dma_wait3A_51 = tpu.memref_slice %arg4[%add3A, %dma_wait3A, %dma_wait3A_50] : memref<32x80x128xi32, #tpu.memory_space<hbm>> -> memref<1x40x128xi32, #tpu.memory_space<hbm>>
      %dma_wait3A_52 = tpu.memref_squeeze %dma_wait3A_51 : memref<1x40x128xi32, #tpu.memory_space<hbm>> -> memref<40x128xi32, #tpu.memory_space<hbm>>
      %dma_wait3A_53 = arith.constant 0 : i32
      %dma_wait3A_54 = arith.constant 0 : i32
      %dma_wait3A_55 = tpu.memref_slice %arg4[%add3A, %dma_wait3A_53, %dma_wait3A_54] : memref<32x80x128xi32, #tpu.memory_space<hbm>> -> memref<1x40x128xi32, #tpu.memory_space<hbm>>
      %dma_wait3A_56 = tpu.memref_squeeze %dma_wait3A_55 : memref<1x40x128xi32, #tpu.memory_space<hbm>> -> memref<40x128xi32, #tpu.memory_space<hbm>>
      tpu.wait_dma2 semaphore(%run_scoped3A : memref<!tpu.dma_semaphore, #tpu.memory_space<semaphore_mem>>) src(%dma_wait3A_56 : memref<40x128xi32, #tpu.memory_space<hbm>>) dst(%arg7 : memref<40x128xi32, #tpu.memory_space<vmem>>)
      tpu.yield
    }) : () -> ()
    %dma_start3A = arith.constant 0 : i32
    %dma_start3A_12 = arith.constant 0 : i32
    %dma_start3A_13 = tpu.memref_slice %arg6[%dma_start3A, %dma_start3A_12] : memref<40x128xi32, #tpu.memory_space<vmem>> -> memref<1x128xi32, #tpu.memory_space<vmem>>
    %dma_start3A_14 = tpu.memref_squeeze %dma_start3A_13 : memref<1x128xi32, #tpu.memory_space<vmem>> -> memref<128xi32, #tpu.memory_space<vmem>>
    %dma_start3A_15 = arith.constant 0 : i32
    %dma_start3A_16 = arith.constant 0 : i32
    %dma_start3A_17 = tpu.memref_slice %arg2[%dma_start3A_15, %dma_start3A_16] : memref<10000x128xf32, #tpu.memory_space<hbm>> -> memref<10000x128xf32, #tpu.memory_space<hbm>>
    tpu.enqueue_indirect_dma source(%dma_start3A_17 : memref<10000x128xf32, #tpu.memory_space<hbm>>) target(%arg8 : memref<128x128xf32, #tpu.memory_space<vmem>>) offsets(%dma_start3A_14 : memref<128xi32, #tpu.memory_space<vmem>>) semaphore(%arg12 : memref<!tpu.dma_semaphore, #tpu.memory_space<semaphore_mem>>)
    %scan3A_18 = arith.constant 0 : i32
    %scan3A_19 = arith.constant 0 : i32
    %scan3A_20 = arith.constant 20 : i32
    %scan3A_21 = arith.addi %scan3A_19, %scan3A_20 : i32
    %scan3A_22 = arith.constant 1 : i32
    scf.for %scan3A_42 = %scan3A_19 to %scan3A_21 step %scan3A_22  : i32 {
      %mul3A_43 = arith.constant 2 : i32
      %mul3A_44 = arith.muli %scan3A_42, %mul3A_43 : i32
      %add3A_45 = arith.constant 1 : i32
      %add3A_46 = arith.addi %mul3A_44, %add3A_45 : i32
      %dma_start3A_47 = arith.constant 0 : i32
      %dma_start3A_48 = tpu.memref_slice %arg6[%add3A_46, %dma_start3A_47] : memref<40x128xi32, #tpu.memory_space<vmem>> -> memref<1x128xi32, #tpu.memory_space<vmem>>
      %dma_start3A_49 = tpu.memref_squeeze %dma_start3A_48 : memref<1x128xi32, #tpu.memory_space<vmem>> -> memref<128xi32, #tpu.memory_space<vmem>>
      %dma_start3A_50 = arith.constant 0 : i32
      %dma_start3A_51 = arith.constant 0 : i32
      %dma_start3A_52 = tpu.memref_slice %arg2[%dma_start3A_50, %dma_start3A_51] : memref<10000x128xf32, #tpu.memory_space<hbm>> -> memref<10000x128xf32, #tpu.memory_space<hbm>>
      tpu.enqueue_indirect_dma source(%dma_start3A_52 : memref<10000x128xf32, #tpu.memory_space<hbm>>) target(%arg9 : memref<128x128xf32, #tpu.memory_space<vmem>>) offsets(%dma_start3A_49 : memref<128xi32, #tpu.memory_space<vmem>>) semaphore(%arg13 : memref<!tpu.dma_semaphore, #tpu.memory_space<semaphore_mem>>)
      %dma_wait3A = arith.constant 0 : i32
      %dma_wait3A_53 = tpu.memref_slice %arg6[%mul3A_44, %dma_wait3A] : memref<40x128xi32, #tpu.memory_space<vmem>> -> memref<1x128xi32, #tpu.memory_space<vmem>>
      %dma_wait3A_54 = tpu.memref_squeeze %dma_wait3A_53 : memref<1x128xi32, #tpu.memory_space<vmem>> -> memref<128xi32, #tpu.memory_space<vmem>>
      %dma_wait3A_55 = arith.constant 0 : i32
      %dma_wait3A_56 = arith.constant 0 : i32
      %dma_wait3A_57 = tpu.memref_slice %arg2[%dma_wait3A_55, %dma_wait3A_56] : memref<10000x128xf32, #tpu.memory_space<hbm>> -> memref<10000x128xf32, #tpu.memory_space<hbm>>
      tpu.wait_indirect_dma semaphore(%arg12 : memref<!tpu.dma_semaphore, #tpu.memory_space<semaphore_mem>>) src(%dma_wait3A_57 : memref<10000x128xf32, #tpu.memory_space<hbm>>) dst(%arg8 : memref<128x128xf32, #tpu.memory_space<vmem>>)
      %dma_start3A_58 = arith.constant 0 : i32
      %dma_start3A_59 = tpu.memref_slice %arg7[%mul3A_44, %dma_start3A_58] : memref<40x128xi32, #tpu.memory_space<vmem>> -> memref<1x128xi32, #tpu.memory_space<vmem>>
      %dma_start3A_60 = tpu.memref_squeeze %dma_start3A_59 : memref<1x128xi32, #tpu.memory_space<vmem>> -> memref<128xi32, #tpu.memory_space<vmem>>
      %dma_start3A_61 = arith.constant 0 : i32
      %dma_start3A_62 = arith.constant 0 : i32
      %dma_start3A_63 = tpu.memref_slice %arg11[%dma_start3A_61, %dma_start3A_62] : memref<10112x128xf32, #tpu.memory_space<vmem_shared>> -> memref<10112x128xf32, #tpu.memory_space<vmem_shared>>
      tpu.enqueue_indirect_dma source(%arg8 : memref<128x128xf32, #tpu.memory_space<vmem>>) target(%dma_start3A_63 : memref<10112x128xf32, #tpu.memory_space<vmem_shared>>) offsets(%dma_start3A_60 : memref<128xi32, #tpu.memory_space<vmem>>) semaphore(%arg14 : memref<!tpu.dma_semaphore, #tpu.memory_space<semaphore_mem>>) {add = true}
      %add3A_64 = arith.constant 1 : i32
      %add3A_65 = arith.addi %mul3A_44, %add3A_64 : i32
      %dma_wait3A_66 = arith.constant 0 : i32
      %dma_wait3A_67 = tpu.memref_slice %arg6[%add3A_65, %dma_wait3A_66] : memref<40x128xi32, #tpu.memory_space<vmem>> -> memref<1x128xi32, #tpu.memory_space<vmem>>
      %dma_wait3A_68 = tpu.memref_squeeze %dma_wait3A_67 : memref<1x128xi32, #tpu.memory_space<vmem>> -> memref<128xi32, #tpu.memory_space<vmem>>
      %dma_wait3A_69 = arith.constant 0 : i32
      %dma_wait3A_70 = arith.constant 0 : i32
      %dma_wait3A_71 = tpu.memref_slice %arg2[%dma_wait3A_69, %dma_wait3A_70] : memref<10000x128xf32, #tpu.memory_space<hbm>> -> memref<10000x128xf32, #tpu.memory_space<hbm>>
      tpu.wait_indirect_dma semaphore(%arg13 : memref<!tpu.dma_semaphore, #tpu.memory_space<semaphore_mem>>) src(%dma_wait3A_71 : memref<10000x128xf32, #tpu.memory_space<hbm>>) dst(%arg9 : memref<128x128xf32, #tpu.memory_space<vmem>>)
      %add3A_72 = arith.constant 1 : i32
      %add3A_73 = arith.addi %mul3A_44, %add3A_72 : i32
      %dma_start3A_74 = arith.constant 0 : i32
      %dma_start3A_75 = tpu.memref_slice %arg7[%add3A_73, %dma_start3A_74] : memref<40x128xi32, #tpu.memory_space<vmem>> -> memref<1x128xi32, #tpu.memory_space<vmem>>
      %dma_start3A_76 = tpu.memref_squeeze %dma_start3A_75 : memref<1x128xi32, #tpu.memory_space<vmem>> -> memref<128xi32, #tpu.memory_space<vmem>>
      %dma_start3A_77 = arith.constant 0 : i32
      %dma_start3A_78 = arith.constant 0 : i32
      %dma_start3A_79 = tpu.memref_slice %arg11[%dma_start3A_77, %dma_start3A_78] : memref<10112x128xf32, #tpu.memory_space<vmem_shared>> -> memref<10112x128xf32, #tpu.memory_space<vmem_shared>>
      tpu.enqueue_indirect_dma source(%arg9 : memref<128x128xf32, #tpu.memory_space<vmem>>) target(%dma_start3A_79 : memref<10112x128xf32, #tpu.memory_space<vmem_shared>>) offsets(%dma_start3A_76 : memref<128xi32, #tpu.memory_space<vmem>>) semaphore(%arg15 : memref<!tpu.dma_semaphore, #tpu.memory_space<semaphore_mem>>) {add = true}
      %dma_wait3A_80 = arith.constant 0 : i32
      %dma_wait3A_81 = tpu.memref_slice %arg7[%mul3A_44, %dma_wait3A_80] : memref<40x128xi32, #tpu.memory_space<vmem>> -> memref<1x128xi32, #tpu.memory_space<vmem>>
      %dma_wait3A_82 = tpu.memref_squeeze %dma_wait3A_81 : memref<1x128xi32, #tpu.memory_space<vmem>> -> memref<128xi32, #tpu.memory_space<vmem>>
      %dma_wait3A_83 = arith.constant 0 : i32
      %dma_wait3A_84 = arith.constant 0 : i32
      %dma_wait3A_85 = tpu.memref_slice %arg11[%dma_wait3A_83, %dma_wait3A_84] : memref<10112x128xf32, #tpu.memory_space<vmem_shared>> -> memref<10112x128xf32, #tpu.memory_space<vmem_shared>>
      tpu.wait_indirect_dma semaphore(%arg14 : memref<!tpu.dma_semaphore, #tpu.memory_space<semaphore_mem>>) src(%arg8 : memref<128x128xf32, #tpu.memory_space<vmem>>) dst(%dma_wait3A_85 : memref<10112x128xf32, #tpu.memory_space<vmem_shared>>)
      %lt3A = arith.constant 19 : i32
      %lt3A_86 = arith.cmpi slt, %scan3A_42, %lt3A : i32
      %convert_element_type3A = arith.extui %lt3A_86 : i1 to i32
      %cond3A = arith.constant 0 : i32
      %cond3A_87 = arith.cmpi ne, %convert_element_type3A, %cond3A : i32
      scf.if %cond3A_87 {
        %add3A_96 = arith.constant 2 : i32
        %add3A_97 = arith.addi %mul3A_44, %add3A_96 : i32
        %dma_start3A_98 = arith.constant 0 : i32
        %dma_start3A_99 = tpu.memref_slice %arg6[%add3A_97, %dma_start3A_98] : memref<40x128xi32, #tpu.memory_space<vmem>> -> memref<1x128xi32, #tpu.memory_space<vmem>>
        %dma_start3A_100 = tpu.memref_squeeze %dma_start3A_99 : memref<1x128xi32, #tpu.memory_space<vmem>> -> memref<128xi32, #tpu.memory_space<vmem>>
        %dma_start3A_101 = arith.constant 0 : i32
        %dma_start3A_102 = arith.constant 0 : i32
        %dma_start3A_103 = tpu.memref_slice %arg2[%dma_start3A_101, %dma_start3A_102] : memref<10000x128xf32, #tpu.memory_space<hbm>> -> memref<10000x128xf32, #tpu.memory_space<hbm>>
        tpu.enqueue_indirect_dma source(%dma_start3A_103 : memref<10000x128xf32, #tpu.memory_space<hbm>>) target(%arg8 : memref<128x128xf32, #tpu.memory_space<vmem>>) offsets(%dma_start3A_100 : memref<128xi32, #tpu.memory_space<vmem>>) semaphore(%arg12 : memref<!tpu.dma_semaphore, #tpu.memory_space<semaphore_mem>>)
      } else {
      }
      %add3A_88 = arith.constant 1 : i32
      %add3A_89 = arith.addi %mul3A_44, %add3A_88 : i32
      %dma_wait3A_90 = arith.constant 0 : i32
      %dma_wait3A_91 = tpu.memref_slice %arg7[%add3A_89, %dma_wait3A_90] : memref<40x128xi32, #tpu.memory_space<vmem>> -> memref<1x128xi32, #tpu.memory_space<vmem>>
      %dma_wait3A_92 = tpu.memref_squeeze %dma_wait3A_91 : memref<1x128xi32, #tpu.memory_space<vmem>> -> memref<128xi32, #tpu.memory_space<vmem>>
      %dma_wait3A_93 = arith.constant 0 : i32
      %dma_wait3A_94 = arith.constant 0 : i32
      %dma_wait3A_95 = tpu.memref_slice %arg11[%dma_wait3A_93, %dma_wait3A_94] : memref<10112x128xf32, #tpu.memory_space<vmem_shared>> -> memref<10112x128xf32, #tpu.memory_space<vmem_shared>>
      tpu.wait_indirect_dma semaphore(%arg15 : memref<!tpu.dma_semaphore, #tpu.memory_space<semaphore_mem>>) src(%arg9 : memref<128x128xf32, #tpu.memory_space<vmem>>) dst(%dma_wait3A_95 : memref<10112x128xf32, #tpu.memory_space<vmem_shared>>)
    }
    %scan3A_23 = arith.constant 20 : i32
    "tpu.region"() ({
      %run_scoped3A = tpu.sem_alloc : memref<!tpu.dma_semaphore, #tpu.memory_space<semaphore_mem>>
      %dma_start3A_42 = arith.constant 40 : i32
      %dma_start3A_43 = arith.constant 0 : i32
      %dma_start3A_44 = tpu.memref_slice %arg3[%add3A, %dma_start3A_42, %dma_start3A_43] : memref<32x80x128xi32, #tpu.memory_space<hbm>> -> memref<1x40x128xi32, #tpu.memory_space<hbm>>
      %dma_start3A_45 = tpu.memref_squeeze %dma_start3A_44 : memref<1x40x128xi32, #tpu.memory_space<hbm>> -> memref<40x128xi32, #tpu.memory_space<hbm>>
      %dma_start3A_46 = arith.constant 40 : i32
      %dma_start3A_47 = arith.constant 0 : i32
      %dma_start3A_48 = tpu.memref_slice %arg3[%add3A, %dma_start3A_46, %dma_start3A_47] : memref<32x80x128xi32, #tpu.memory_space<hbm>> -> memref<1x40x128xi32, #tpu.memory_space<hbm>>
      %dma_start3A_49 = tpu.memref_squeeze %dma_start3A_48 : memref<1x40x128xi32, #tpu.memory_space<hbm>> -> memref<40x128xi32, #tpu.memory_space<hbm>>
      tpu.enqueue_dma source(%dma_start3A_49 : memref<40x128xi32, #tpu.memory_space<hbm>>) target(%arg6 : memref<40x128xi32, #tpu.memory_space<vmem>>) target_semaphore(%run_scoped3A : memref<!tpu.dma_semaphore, #tpu.memory_space<semaphore_mem>>)
      %dma_wait3A = arith.constant 40 : i32
      %dma_wait3A_50 = arith.constant 0 : i32
      %dma_wait3A_51 = tpu.memref_slice %arg3[%add3A, %dma_wait3A, %dma_wait3A_50] : memref<32x80x128xi32, #tpu.memory_space<hbm>> -> memref<1x40x128xi32, #tpu.memory_space<hbm>>
      %dma_wait3A_52 = tpu.memref_squeeze %dma_wait3A_51 : memref<1x40x128xi32, #tpu.memory_space<hbm>> -> memref<40x128xi32, #tpu.memory_space<hbm>>
      %dma_wait3A_53 = arith.constant 40 : i32
      %dma_wait3A_54 = arith.constant 0 : i32
      %dma_wait3A_55 = tpu.memref_slice %arg3[%add3A, %dma_wait3A_53, %dma_wait3A_54] : memref<32x80x128xi32, #tpu.memory_space<hbm>> -> memref<1x40x128xi32, #tpu.memory_space<hbm>>
      %dma_wait3A_56 = tpu.memref_squeeze %dma_wait3A_55 : memref<1x40x128xi32, #tpu.memory_space<hbm>> -> memref<40x128xi32, #tpu.memory_space<hbm>>
      tpu.wait_dma2 semaphore(%run_scoped3A : memref<!tpu.dma_semaphore, #tpu.memory_space<semaphore_mem>>) src(%dma_wait3A_56 : memref<40x128xi32, #tpu.memory_space<hbm>>) dst(%arg6 : memref<40x128xi32, #tpu.memory_space<vmem>>)
      tpu.yield
    }) : () -> ()
    "tpu.region"() ({
      %run_scoped3A = tpu.sem_alloc : memref<!tpu.dma_semaphore, #tpu.memory_space<semaphore_mem>>
      %dma_start3A_42 = arith.constant 40 : i32
      %dma_start3A_43 = arith.constant 0 : i32
      %dma_start3A_44 = tpu.memref_slice %arg4[%add3A, %dma_start3A_42, %dma_start3A_43] : memref<32x80x128xi32, #tpu.memory_space<hbm>> -> memref<1x40x128xi32, #tpu.memory_space<hbm>>
      %dma_start3A_45 = tpu.memref_squeeze %dma_start3A_44 : memref<1x40x128xi32, #tpu.memory_space<hbm>> -> memref<40x128xi32, #tpu.memory_space<hbm>>
      %dma_start3A_46 = arith.constant 40 : i32
      %dma_start3A_47 = arith.constant 0 : i32
      %dma_start3A_48 = tpu.memref_slice %arg4[%add3A, %dma_start3A_46, %dma_start3A_47] : memref<32x80x128xi32, #tpu.memory_space<hbm>> -> memref<1x40x128xi32, #tpu.memory_space<hbm>>
      %dma_start3A_49 = tpu.memref_squeeze %dma_start3A_48 : memref<1x40x128xi32, #tpu.memory_space<hbm>> -> memref<40x128xi32, #tpu.memory_space<hbm>>
      tpu.enqueue_dma source(%dma_start3A_49 : memref<40x128xi32, #tpu.memory_space<hbm>>) target(%arg7 : memref<40x128xi32, #tpu.memory_space<vmem>>) target_semaphore(%run_scoped3A : memref<!tpu.dma_semaphore, #tpu.memory_space<semaphore_mem>>)
      %dma_wait3A = arith.constant 40 : i32
      %dma_wait3A_50 = arith.constant 0 : i32
      %dma_wait3A_51 = tpu.memref_slice %arg4[%add3A, %dma_wait3A, %dma_wait3A_50] : memref<32x80x128xi32, #tpu.memory_space<hbm>> -> memref<1x40x128xi32, #tpu.memory_space<hbm>>
      %dma_wait3A_52 = tpu.memref_squeeze %dma_wait3A_51 : memref<1x40x128xi32, #tpu.memory_space<hbm>> -> memref<40x128xi32, #tpu.memory_space<hbm>>
      %dma_wait3A_53 = arith.constant 40 : i32
      %dma_wait3A_54 = arith.constant 0 : i32
      %dma_wait3A_55 = tpu.memref_slice %arg4[%add3A, %dma_wait3A_53, %dma_wait3A_54] : memref<32x80x128xi32, #tpu.memory_space<hbm>> -> memref<1x40x128xi32, #tpu.memory_space<hbm>>
      %dma_wait3A_56 = tpu.memref_squeeze %dma_wait3A_55 : memref<1x40x128xi32, #tpu.memory_space<hbm>> -> memref<40x128xi32, #tpu.memory_space<hbm>>
      tpu.wait_dma2 semaphore(%run_scoped3A : memref<!tpu.dma_semaphore, #tpu.memory_space<semaphore_mem>>) src(%dma_wait3A_56 : memref<40x128xi32, #tpu.memory_space<hbm>>) dst(%arg7 : memref<40x128xi32, #tpu.memory_space<vmem>>)
      tpu.yield
    }) : () -> ()
    %dma_start3A_24 = arith.constant 0 : i32
    %dma_start3A_25 = arith.constant 0 : i32
    %dma_start3A_26 = tpu.memref_slice %arg6[%dma_start3A_24, %dma_start3A_25] : memref<40x128xi32, #tpu.memory_space<vmem>> -> memref<1x128xi32, #tpu.memory_space<vmem>>
    %dma_start3A_27 = tpu.memref_squeeze %dma_start3A_26 : memref<1x128xi32, #tpu.memory_space<vmem>> -> memref<128xi32, #tpu.memory_space<vmem>>
    %dma_start3A_28 = arith.constant 0 : i32
    %dma_start3A_29 = arith.constant 0 : i32
    %dma_start3A_30 = tpu.memref_slice %arg2[%dma_start3A_28, %dma_start3A_29] : memref<10000x128xf32, #tpu.memory_space<hbm>> -> memref<10000x128xf32, #tpu.memory_space<hbm>>
    tpu.enqueue_indirect_dma source(%dma_start3A_30 : memref<10000x128xf32, #tpu.memory_space<hbm>>) target(%arg8 : memref<128x128xf32, #tpu.memory_space<vmem>>) offsets(%dma_start3A_27 : memref<128xi32, #tpu.memory_space<vmem>>) semaphore(%arg12 : memref<!tpu.dma_semaphore, #tpu.memory_space<semaphore_mem>>)
    %scan3A_31 = arith.constant 0 : i32
    %scan3A_32 = arith.constant 0 : i32
    %scan3A_33 = arith.constant 20 : i32
    %scan3A_34 = arith.addi %scan3A_32, %scan3A_33 : i32
    %scan3A_35 = arith.constant 1 : i32
    scf.for %scan3A_42 = %scan3A_32 to %scan3A_34 step %scan3A_35  : i32 {
      %mul3A_43 = arith.constant 2 : i32
      %mul3A_44 = arith.muli %scan3A_42, %mul3A_43 : i32
      %add3A_45 = arith.constant 1 : i32
      %add3A_46 = arith.addi %mul3A_44, %add3A_45 : i32
      %dma_start3A_47 = arith.constant 0 : i32
      %dma_start3A_48 = tpu.memref_slice %arg6[%add3A_46, %dma_start3A_47] : memref<40x128xi32, #tpu.memory_space<vmem>> -> memref<1x128xi32, #tpu.memory_space<vmem>>
      %dma_start3A_49 = tpu.memref_squeeze %dma_start3A_48 : memref<1x128xi32, #tpu.memory_space<vmem>> -> memref<128xi32, #tpu.memory_space<vmem>>
      %dma_start3A_50 = arith.constant 0 : i32
      %dma_start3A_51 = arith.constant 0 : i32
      %dma_start3A_52 = tpu.memref_slice %arg2[%dma_start3A_50, %dma_start3A_51] : memref<10000x128xf32, #tpu.memory_space<hbm>> -> memref<10000x128xf32, #tpu.memory_space<hbm>>
      tpu.enqueue_indirect_dma source(%dma_start3A_52 : memref<10000x128xf32, #tpu.memory_space<hbm>>) target(%arg9 : memref<128x128xf32, #tpu.memory_space<vmem>>) offsets(%dma_start3A_49 : memref<128xi32, #tpu.memory_space<vmem>>) semaphore(%arg13 : memref<!tpu.dma_semaphore, #tpu.memory_space<semaphore_mem>>)
      %dma_wait3A = arith.constant 0 : i32
      %dma_wait3A_53 = tpu.memref_slice %arg6[%mul3A_44, %dma_wait3A] : memref<40x128xi32, #tpu.memory_space<vmem>> -> memref<1x128xi32, #tpu.memory_space<vmem>>
      %dma_wait3A_54 = tpu.memref_squeeze %dma_wait3A_53 : memref<1x128xi32, #tpu.memory_space<vmem>> -> memref<128xi32, #tpu.memory_space<vmem>>
      %dma_wait3A_55 = arith.constant 0 : i32
      %dma_wait3A_56 = arith.constant 0 : i32
      %dma_wait3A_57 = tpu.memref_slice %arg2[%dma_wait3A_55, %dma_wait3A_56] : memref<10000x128xf32, #tpu.memory_space<hbm>> -> memref<10000x128xf32, #tpu.memory_space<hbm>>
      tpu.wait_indirect_dma semaphore(%arg12 : memref<!tpu.dma_semaphore, #tpu.memory_space<semaphore_mem>>) src(%dma_wait3A_57 : memref<10000x128xf32, #tpu.memory_space<hbm>>) dst(%arg8 : memref<128x128xf32, #tpu.memory_space<vmem>>)
      %dma_start3A_58 = arith.constant 0 : i32
      %dma_start3A_59 = tpu.memref_slice %arg7[%mul3A_44, %dma_start3A_58] : memref<40x128xi32, #tpu.memory_space<vmem>> -> memref<1x128xi32, #tpu.memory_space<vmem>>
      %dma_start3A_60 = tpu.memref_squeeze %dma_start3A_59 : memref<1x128xi32, #tpu.memory_space<vmem>> -> memref<128xi32, #tpu.memory_space<vmem>>
      %dma_start3A_61 = arith.constant 0 : i32
      %dma_start3A_62 = arith.constant 0 : i32
      %dma_start3A_63 = tpu.memref_slice %arg11[%dma_start3A_61, %dma_start3A_62] : memref<10112x128xf32, #tpu.memory_space<vmem_shared>> -> memref<10112x128xf32, #tpu.memory_space<vmem_shared>>
      tpu.enqueue_indirect_dma source(%arg8 : memref<128x128xf32, #tpu.memory_space<vmem>>) target(%dma_start3A_63 : memref<10112x128xf32, #tpu.memory_space<vmem_shared>>) offsets(%dma_start3A_60 : memref<128xi32, #tpu.memory_space<vmem>>) semaphore(%arg14 : memref<!tpu.dma_semaphore, #tpu.memory_space<semaphore_mem>>) {add = true}
      %add3A_64 = arith.constant 1 : i32
      %add3A_65 = arith.addi %mul3A_44, %add3A_64 : i32
      %dma_wait3A_66 = arith.constant 0 : i32
      %dma_wait3A_67 = tpu.memref_slice %arg6[%add3A_65, %dma_wait3A_66] : memref<40x128xi32, #tpu.memory_space<vmem>> -> memref<1x128xi32, #tpu.memory_space<vmem>>
      %dma_wait3A_68 = tpu.memref_squeeze %dma_wait3A_67 : memref<1x128xi32, #tpu.memory_space<vmem>> -> memref<128xi32, #tpu.memory_space<vmem>>
      %dma_wait3A_69 = arith.constant 0 : i32
      %dma_wait3A_70 = arith.constant 0 : i32
      %dma_wait3A_71 = tpu.memref_slice %arg2[%dma_wait3A_69, %dma_wait3A_70] : memref<10000x128xf32, #tpu.memory_space<hbm>> -> memref<10000x128xf32, #tpu.memory_space<hbm>>
      tpu.wait_indirect_dma semaphore(%arg13 : memref<!tpu.dma_semaphore, #tpu.memory_space<semaphore_mem>>) src(%dma_wait3A_71 : memref<10000x128xf32, #tpu.memory_space<hbm>>) dst(%arg9 : memref<128x128xf32, #tpu.memory_space<vmem>>)
      %add3A_72 = arith.constant 1 : i32
      %add3A_73 = arith.addi %mul3A_44, %add3A_72 : i32
      %dma_start3A_74 = arith.constant 0 : i32
      %dma_start3A_75 = tpu.memref_slice %arg7[%add3A_73, %dma_start3A_74] : memref<40x128xi32, #tpu.memory_space<vmem>> -> memref<1x128xi32, #tpu.memory_space<vmem>>
      %dma_start3A_76 = tpu.memref_squeeze %dma_start3A_75 : memref<1x128xi32, #tpu.memory_space<vmem>> -> memref<128xi32, #tpu.memory_space<vmem>>
      %dma_start3A_77 = arith.constant 0 : i32
      %dma_start3A_78 = arith.constant 0 : i32
      %dma_start3A_79 = tpu.memref_slice %arg11[%dma_start3A_77, %dma_start3A_78] : memref<10112x128xf32, #tpu.memory_space<vmem_shared>> -> memref<10112x128xf32, #tpu.memory_space<vmem_shared>>
      tpu.enqueue_indirect_dma source(%arg9 : memref<128x128xf32, #tpu.memory_space<vmem>>) target(%dma_start3A_79 : memref<10112x128xf32, #tpu.memory_space<vmem_shared>>) offsets(%dma_start3A_76 : memref<128xi32, #tpu.memory_space<vmem>>) semaphore(%arg15 : memref<!tpu.dma_semaphore, #tpu.memory_space<semaphore_mem>>) {add = true}
      %dma_wait3A_80 = arith.constant 0 : i32
      %dma_wait3A_81 = tpu.memref_slice %arg7[%mul3A_44, %dma_wait3A_80] : memref<40x128xi32, #tpu.memory_space<vmem>> -> memref<1x128xi32, #tpu.memory_space<vmem>>
      %dma_wait3A_82 = tpu.memref_squeeze %dma_wait3A_81 : memref<1x128xi32, #tpu.memory_space<vmem>> -> memref<128xi32, #tpu.memory_space<vmem>>
      %dma_wait3A_83 = arith.constant 0 : i32
      %dma_wait3A_84 = arith.constant 0 : i32
      %dma_wait3A_85 = tpu.memref_slice %arg11[%dma_wait3A_83, %dma_wait3A_84] : memref<10112x128xf32, #tpu.memory_space<vmem_shared>> -> memref<10112x128xf32, #tpu.memory_space<vmem_shared>>
      tpu.wait_indirect_dma semaphore(%arg14 : memref<!tpu.dma_semaphore, #tpu.memory_space<semaphore_mem>>) src(%arg8 : memref<128x128xf32, #tpu.memory_space<vmem>>) dst(%dma_wait3A_85 : memref<10112x128xf32, #tpu.memory_space<vmem_shared>>)
      %lt3A = arith.constant 19 : i32
      %lt3A_86 = arith.cmpi slt, %scan3A_42, %lt3A : i32
      %convert_element_type3A = arith.extui %lt3A_86 : i1 to i32
      %cond3A = arith.constant 0 : i32
      %cond3A_87 = arith.cmpi ne, %convert_element_type3A, %cond3A : i32
      scf.if %cond3A_87 {
        %add3A_96 = arith.constant 2 : i32
        %add3A_97 = arith.addi %mul3A_44, %add3A_96 : i32
        %dma_start3A_98 = arith.constant 0 : i32
        %dma_start3A_99 = tpu.memref_slice %arg6[%add3A_97, %dma_start3A_98] : memref<40x128xi32, #tpu.memory_space<vmem>> -> memref<1x128xi32, #tpu.memory_space<vmem>>
        %dma_start3A_100 = tpu.memref_squeeze %dma_start3A_99 : memref<1x128xi32, #tpu.memory_space<vmem>> -> memref<128xi32, #tpu.memory_space<vmem>>
        %dma_start3A_101 = arith.constant 0 : i32
        %dma_start3A_102 = arith.constant 0 : i32
        %dma_start3A_103 = tpu.memref_slice %arg2[%dma_start3A_101, %dma_start3A_102] : memref<10000x128xf32, #tpu.memory_space<hbm>> -> memref<10000x128xf32, #tpu.memory_space<hbm>>
        tpu.enqueue_indirect_dma source(%dma_start3A_103 : memref<10000x128xf32, #tpu.memory_space<hbm>>) target(%arg8 : memref<128x128xf32, #tpu.memory_space<vmem>>) offsets(%dma_start3A_100 : memref<128xi32, #tpu.memory_space<vmem>>) semaphore(%arg12 : memref<!tpu.dma_semaphore, #tpu.memory_space<semaphore_mem>>)
      } else {
      }
      %add3A_88 = arith.constant 1 : i32
      %add3A_89 = arith.addi %mul3A_44, %add3A_88 : i32
      %dma_wait3A_90 = arith.constant 0 : i32
      %dma_wait3A_91 = tpu.memref_slice %arg7[%add3A_89, %dma_wait3A_90] : memref<40x128xi32, #tpu.memory_space<vmem>> -> memref<1x128xi32, #tpu.memory_space<vmem>>
      %dma_wait3A_92 = tpu.memref_squeeze %dma_wait3A_91 : memref<1x128xi32, #tpu.memory_space<vmem>> -> memref<128xi32, #tpu.memory_space<vmem>>
      %dma_wait3A_93 = arith.constant 0 : i32
      %dma_wait3A_94 = arith.constant 0 : i32
      %dma_wait3A_95 = tpu.memref_slice %arg11[%dma_wait3A_93, %dma_wait3A_94] : memref<10112x128xf32, #tpu.memory_space<vmem_shared>> -> memref<10112x128xf32, #tpu.memory_space<vmem_shared>>
      tpu.wait_indirect_dma semaphore(%arg15 : memref<!tpu.dma_semaphore, #tpu.memory_space<semaphore_mem>>) src(%arg9 : memref<128x128xf32, #tpu.memory_space<vmem>>) dst(%dma_wait3A_95 : memref<10112x128xf32, #tpu.memory_space<vmem_shared>>)
    }
    %scan3A_36 = arith.constant 20 : i32
    %barrier3A_37 = arith.constant 0 : index
    tpu.barrier barrier_id(%barrier3A_37)
    %mul3A_38 = arith.constant 632 : i32
    %mul3A_39 = arith.muli %arg1, %mul3A_38 : i32
    %mul3A_40 = arith.constant 632 : i32
    %mul3A_41 = arith.muli %arg1, %mul3A_40 : i32
    "tpu.region"() ({
      %run_scoped3A = tpu.sem_alloc : memref<!tpu.dma_semaphore, #tpu.memory_space<semaphore_mem>>
      %dma_start3A_42 = arith.constant 0 : i32
      %dma_start3A_43 = tpu.memref_slice %arg5[%arg0, %mul3A_41, %dma_start3A_42] : memref<2x10112x128xf32, #tpu.memory_space<hbm>> -> memref<1x632x128xf32, #tpu.memory_space<hbm>>
      %dma_start3A_44 = tpu.memref_squeeze %dma_start3A_43 : memref<1x632x128xf32, #tpu.memory_space<hbm>> -> memref<632x128xf32, #tpu.memory_space<hbm>>
      %dma_start3A_45 = arith.constant 0 : i32
      %dma_start3A_46 = tpu.memref_slice %arg11[%mul3A_39, %dma_start3A_45] : memref<10112x128xf32, #tpu.memory_space<vmem_shared>> -> memref<632x128xf32, #tpu.memory_space<vmem_shared>>
      tpu.enqueue_dma source(%dma_start3A_46 : memref<632x128xf32, #tpu.memory_space<vmem_shared>>) target(%dma_start3A_44 : memref<632x128xf32, #tpu.memory_space<hbm>>) target_semaphore(%run_scoped3A : memref<!tpu.dma_semaphore, #tpu.memory_space<semaphore_mem>>)
      %dma_wait3A = arith.constant 0 : i32
      %dma_wait3A_47 = tpu.memref_slice %arg5[%arg0, %mul3A_41, %dma_wait3A] : memref<2x10112x128xf32, #tpu.memory_space<hbm>> -> memref<1x632x128xf32, #tpu.memory_space<hbm>>
      %dma_wait3A_48 = tpu.memref_squeeze %dma_wait3A_47 : memref<1x632x128xf32, #tpu.memory_space<hbm>> -> memref<632x128xf32, #tpu.memory_space<hbm>>
      %dma_wait3A_49 = arith.constant 0 : i32
      %dma_wait3A_50 = tpu.memref_slice %arg11[%mul3A_39, %dma_wait3A_49] : memref<10112x128xf32, #tpu.memory_space<vmem_shared>> -> memref<632x128xf32, #tpu.memory_space<vmem_shared>>
      tpu.wait_dma2 semaphore(%run_scoped3A : memref<!tpu.dma_semaphore, #tpu.memory_space<semaphore_mem>>) src(%dma_wait3A_50 : memref<632x128xf32, #tpu.memory_space<vmem_shared>>) dst(%dma_wait3A_48 : memref<632x128xf32, #tpu.memory_space<hbm>>)
      tpu.yield
    }) : () -> ()
    return
  }
}

module attributes {stable_mosaic.version = 14 : i64} {
  func.func @_lin_body(%arg0: i32, %arg1: memref<1x1xf32, #tpu.memory_space<smem>>, %arg2: memref<400x128xf32, #tpu.memory_space<vmem>>, %arg3: memref<2x400x128xf32, #tpu.memory_space<vmem>>, %arg4: memref<128x128xf32, #tpu.memory_space<vmem>>, %arg5: memref<1x128xf32, #tpu.memory_space<vmem>>, %arg6: memref<400x128xf32, #tpu.memory_space<vmem>>) attributes {dimension_semantics = [#tpu.dimension_semantics<arbitrary>], iteration_bounds = array<i64: 25>, scalar_prefetch = 0 : i64, scratch_operands = 0 : i64, tpu.core_type = #tpu.core_type<tc>, window_params = [{transform_indices = @transform_0, window_bounds = array<i64: 1, 1>}, {transform_indices = @transform_1, window_bounds = array<i64: 400, 128>}, {transform_indices = @transform_2, window_bounds = array<i64: 2, 400, 128>}, {pipeline_mode = #tpu.pipeline_mode<synchronous>, transform_indices = @transform_3, window_bounds = array<i64: 128, 128>}, {pipeline_mode = #tpu.pipeline_mode<synchronous>, transform_indices = @transform_4, window_bounds = array<i64: 1, 128>}, {transform_indices = @transform_5, window_bounds = array<i64: 400, 128>}]} {
    %get3A = arith.constant 0 : index
    %get3A_0 = arith.constant 0 : index
    %get3A_1 = vector.load %arg2[%get3A, %get3A_0] : memref<400x128xf32, #tpu.memory_space<vmem>>, vector<400x128xf32>
    %get3A_2 = arith.constant 0 : index
    %get3A_3 = arith.constant 0 : index
    %get3A_4 = memref.load %arg1[%get3A_2, %get3A_3] : memref<1x1xf32, #tpu.memory_space<smem>>
    %mul3A = vector.broadcast %get3A_4 : f32 to vector<400x128xf32>
    %mul3A_5 = arith.mulf %get3A_1, %mul3A : vector<400x128xf32>
    %get3A_6 = arith.constant 0 : index
    %get3A_7 = arith.constant 0 : index
    %get3A_8 = arith.constant 0 : index
    %get3A_9 = vector.load %arg3[%get3A_6, %get3A_7, %get3A_8] : memref<2x400x128xf32, #tpu.memory_space<vmem>>, vector<1x400x128xf32>
    %get3A_10 = vector.shape_cast %get3A_9 : vector<1x400x128xf32> to vector<400x128xf32>
    %add3A = arith.addf %mul3A_5, %get3A_10 : vector<400x128xf32>
    %get3A_11 = arith.constant 1 : index
    %get3A_12 = arith.constant 0 : index
    %get3A_13 = arith.constant 0 : index
    %get3A_14 = vector.load %arg3[%get3A_11, %get3A_12, %get3A_13] : memref<2x400x128xf32, #tpu.memory_space<vmem>>, vector<1x400x128xf32>
    %get3A_15 = vector.shape_cast %get3A_14 : vector<1x400x128xf32> to vector<400x128xf32>
    %add3A_16 = arith.addf %add3A, %get3A_15 : vector<400x128xf32>
    %get3A_17 = arith.constant 0 : index
    %get3A_18 = arith.constant 0 : index
    %get3A_19 = vector.load %arg4[%get3A_17, %get3A_18] : memref<128x128xf32, #tpu.memory_space<vmem>>, vector<128x128xf32>
    %dot_general3A = arith.constant dense<0.000000e+00> : vector<400x128xf32>
    %dot_general3A_20 = tpu.matmul %add3A_16, %get3A_19, %dot_general3A {dimension_numbers = #tpu.dot_dimension_numbers<[1], [0], [0], [1], [0, 0, 1, 1], [], []>, transpose_lhs_hint = false} : vector<400x128xf32>, vector<128x128xf32>, vector<400x128xf32> -> vector<400x128xf32>
    %get3A_21 = arith.constant 0 : index
    %get3A_22 = arith.constant 0 : index
    %get3A_23 = vector.load %arg5[%get3A_21, %get3A_22] : memref<1x128xf32, #tpu.memory_space<vmem>>, vector<1x128xf32>
    %add3A_24 = vector.broadcast %get3A_23 : vector<1x128xf32> to vector<400x128xf32>
    %add3A_25 = arith.addf %dot_general3A_20, %add3A_24 : vector<400x128xf32>
    %ge3A = arith.constant 0.000000e+00 : f32
    %ge3A_26 = vector.broadcast %ge3A : f32 to vector<400x128xf32>
    %ge3A_27 = arith.cmpf oge, %add3A_25, %ge3A_26 : vector<400x128xf32>
    %mul3A_28 = arith.constant 2.000000e-01 : f32
    %mul3A_29 = vector.broadcast %mul3A_28 : f32 to vector<400x128xf32>
    %mul3A_30 = arith.mulf %mul3A_29, %add3A_25 : vector<400x128xf32>
    %select_n3A = arith.select %ge3A_27, %add3A_25, %mul3A_30 : vector<400x128xi1>, vector<400x128xf32>
    %swap3A = arith.constant 0 : index
    %swap3A_31 = arith.constant 0 : index
    %swap3A_32 = vector.load %arg6[%swap3A, %swap3A_31] : memref<400x128xf32, #tpu.memory_space<vmem>>, vector<400x128xf32>
    tpu.vector_store %arg6[%swap3A, %swap3A_31], %select_n3A {strides = array<i32>} : memref<400x128xf32, #tpu.memory_space<vmem>>, vector<400x128xf32>,
    return
  }
  func.func @transform_0(%arg0: i32) -> (i32, i32) {
    %c0_i32 = arith.constant 0 : i32
    %c0_i32_0 = arith.constant 0 : i32
    %c0_i32_1 = arith.constant 0 : i32
    return %c0_i32, %c0_i32_0 : i32, i32
  }
  func.func @transform_1(%arg0: i32) -> (i32, i32) {
    %c0_i32 = arith.constant 0 : i32
    %c0_i32_0 = arith.constant 0 : i32
    return %arg0, %c0_i32 : i32, i32
  }
  func.func @transform_2(%arg0: i32) -> (i32, i32, i32) {
    %c0_i32 = arith.constant 0 : i32
    %c0_i32_0 = arith.constant 0 : i32
    %c0_i32_1 = arith.constant 0 : i32
    return %c0_i32, %arg0, %c0_i32_0 : i32, i32, i32
  }
  func.func @transform_3(%arg0: i32) -> (i32, i32) {
    %c0_i32 = arith.constant 0 : i32
    %c0_i32_0 = arith.constant 0 : i32
    %c0_i32_1 = arith.constant 0 : i32
    return %c0_i32, %c0_i32_0 : i32, i32
  }
  func.func @transform_4(%arg0: i32) -> (i32, i32) {
    %c0_i32 = arith.constant 0 : i32
    %c0_i32_0 = arith.constant 0 : i32
    %c0_i32_1 = arith.constant 0 : i32
    return %c0_i32, %c0_i32_0 : i32, i32
  }
  func.func @transform_5(%arg0: i32) -> (i32, i32) {
    %c0_i32 = arith.constant 0 : i32
    %c0_i32_0 = arith.constant 0 : i32
    return %arg0, %c0_i32 : i32, i32
  }
}

module attributes {stable_mosaic.version = 14 : i64} {
  func.func @_merge_body(%arg0: i32, %arg1: memref<400x128xf32, #tpu.memory_space<vmem>>, %arg2: memref<400x128xf32, #tpu.memory_space<vmem>>, %arg3: memref<128x128xf32, #tpu.memory_space<vmem>>, %arg4: memref<128x128xf32, #tpu.memory_space<vmem>>, %arg5: memref<1x128xf32, #tpu.memory_space<vmem>>, %arg6: memref<400x128xf32, #tpu.memory_space<vmem>>) attributes {dimension_semantics = [#tpu.dimension_semantics<arbitrary>], iteration_bounds = array<i64: 25>, scalar_prefetch = 0 : i64, scratch_operands = 0 : i64, tpu.core_type = #tpu.core_type<tc>, window_params = [{transform_indices = @transform_0, window_bounds = array<i64: 400, 128>}, {transform_indices = @transform_1, window_bounds = array<i64: 400, 128>}, {pipeline_mode = #tpu.pipeline_mode<synchronous>, transform_indices = @transform_2, window_bounds = array<i64: 128, 128>}, {pipeline_mode = #tpu.pipeline_mode<synchronous>, transform_indices = @transform_3, window_bounds = array<i64: 128, 128>}, {pipeline_mode = #tpu.pipeline_mode<synchronous>, transform_indices = @transform_4, window_bounds = array<i64: 1, 128>}, {transform_indices = @transform_5, window_bounds = array<i64: 400, 128>}]} {
    %get3A = arith.constant 0 : index
    %get3A_0 = arith.constant 0 : index
    %get3A_1 = vector.load %arg1[%get3A, %get3A_0] : memref<400x128xf32, #tpu.memory_space<vmem>>, vector<400x128xf32>
    %get3A_2 = arith.constant 0 : index
    %get3A_3 = arith.constant 0 : index
    %get3A_4 = vector.load %arg3[%get3A_2, %get3A_3] : memref<128x128xf32, #tpu.memory_space<vmem>>, vector<128x128xf32>
    %dot_general3A = arith.constant dense<0.000000e+00> : vector<400x128xf32>
    %dot_general3A_5 = tpu.matmul %get3A_1, %get3A_4, %dot_general3A {dimension_numbers = #tpu.dot_dimension_numbers<[1], [0], [0], [1], [0, 0, 1, 1], [], []>, transpose_lhs_hint = false} : vector<400x128xf32>, vector<128x128xf32>, vector<400x128xf32> -> vector<400x128xf32>
    %get3A_6 = arith.constant 0 : index
    %get3A_7 = arith.constant 0 : index
    %get3A_8 = vector.load %arg2[%get3A_6, %get3A_7] : memref<400x128xf32, #tpu.memory_space<vmem>>, vector<400x128xf32>
    %get3A_9 = arith.constant 0 : index
    %get3A_10 = arith.constant 0 : index
    %get3A_11 = vector.load %arg4[%get3A_9, %get3A_10] : memref<128x128xf32, #tpu.memory_space<vmem>>, vector<128x128xf32>
    %dot_general3A_12 = arith.constant dense<0.000000e+00> : vector<400x128xf32>
    %dot_general3A_13 = tpu.matmul %get3A_8, %get3A_11, %dot_general3A_12 {dimension_numbers = #tpu.dot_dimension_numbers<[1], [0], [0], [1], [0, 0, 1, 1], [], []>, transpose_lhs_hint = false} : vector<400x128xf32>, vector<128x128xf32>, vector<400x128xf32> -> vector<400x128xf32>
    %add3A = arith.addf %dot_general3A_5, %dot_general3A_13 : vector<400x128xf32>
    %get3A_14 = arith.constant 0 : index
    %get3A_15 = arith.constant 0 : index
    %get3A_16 = vector.load %arg5[%get3A_14, %get3A_15] : memref<1x128xf32, #tpu.memory_space<vmem>>, vector<1x128xf32>
    %add3A_17 = vector.broadcast %get3A_16 : vector<1x128xf32> to vector<400x128xf32>
    %add3A_18 = arith.addf %add3A, %add3A_17 : vector<400x128xf32>
    %ge3A = arith.constant 0.000000e+00 : f32
    %ge3A_19 = vector.broadcast %ge3A : f32 to vector<400x128xf32>
    %ge3A_20 = arith.cmpf oge, %add3A_18, %ge3A_19 : vector<400x128xf32>
    %mul3A = arith.constant 2.000000e-01 : f32
    %mul3A_21 = vector.broadcast %mul3A : f32 to vector<400x128xf32>
    %mul3A_22 = arith.mulf %mul3A_21, %add3A_18 : vector<400x128xf32>
    %select_n3A = arith.select %ge3A_20, %add3A_18, %mul3A_22 : vector<400x128xi1>, vector<400x128xf32>
    %swap3A = arith.constant 0 : index
    %swap3A_23 = arith.constant 0 : index
    %swap3A_24 = vector.load %arg6[%swap3A, %swap3A_23] : memref<400x128xf32, #tpu.memory_space<vmem>>, vector<400x128xf32>
    tpu.vector_store %arg6[%swap3A, %swap3A_23], %select_n3A {strides = array<i32>} : memref<400x128xf32, #tpu.memory_space<vmem>>, vector<400x128xf32>,
    return
  }
  func.func @transform_0(%arg0: i32) -> (i32, i32) {
    %c0_i32 = arith.constant 0 : i32
    %c0_i32_0 = arith.constant 0 : i32
    return %arg0, %c0_i32 : i32, i32
  }
  func.func @transform_1(%arg0: i32) -> (i32, i32) {
    %c0_i32 = arith.constant 0 : i32
    %c0_i32_0 = arith.constant 0 : i32
    return %arg0, %c0_i32 : i32, i32
  }
  func.func @transform_2(%arg0: i32) -> (i32, i32) {
    %c0_i32 = arith.constant 0 : i32
    %c0_i32_0 = arith.constant 0 : i32
    %c0_i32_1 = arith.constant 0 : i32
    return %c0_i32, %c0_i32_0 : i32, i32
  }
  func.func @transform_3(%arg0: i32) -> (i32, i32) {
    %c0_i32 = arith.constant 0 : i32
    %c0_i32_0 = arith.constant 0 : i32
    %c0_i32_1 = arith.constant 0 : i32
    return %c0_i32, %c0_i32_0 : i32, i32
  }
  func.func @transform_4(%arg0: i32) -> (i32, i32) {
    %c0_i32 = arith.constant 0 : i32
    %c0_i32_0 = arith.constant 0 : i32
    %c0_i32_1 = arith.constant 0 : i32
    return %c0_i32, %c0_i32_0 : i32, i32
  }
  func.func @transform_5(%arg0: i32) -> (i32, i32) {
    %c0_i32 = arith.constant 0 : i32
    %c0_i32_0 = arith.constant 0 : i32
    return %arg0, %c0_i32 : i32, i32
  }
}

module attributes {stable_mosaic.version = 14 : i64} {
  func.func @_head_body(%arg0: i32, %arg1: memref<1x1x400xi32, #tpu.memory_space<vmem>>, %arg2: memref<400x128xf32, #tpu.memory_space<vmem>>, %arg3: memref<128x128xf32, #tpu.memory_space<vmem>>, %arg4: memref<1x128xf32, #tpu.memory_space<vmem>>, %arg5: memref<128x128xf32, #tpu.memory_space<vmem>>, %arg6: memref<1x128xf32, #tpu.memory_space<vmem>>, %arg7: memref<64x128xf32, #tpu.memory_space<vmem>>, %arg8: memref<64x128xf32, #tpu.memory_space<vmem>>, %arg9: memref<64x128xf32, #tpu.memory_space<vmem>>) attributes {dimension_semantics = [#tpu.dimension_semantics<arbitrary>], iteration_bounds = array<i64: 25>, scalar_prefetch = 0 : i64, scratch_operands = 1 : i64, tpu.core_type = #tpu.core_type<tc>, window_params = [{transform_indices = @transform_0, window_bounds = array<i64: 1, 1, 400>}, {transform_indices = @transform_1, window_bounds = array<i64: 400, 128>}, {pipeline_mode = #tpu.pipeline_mode<synchronous>, transform_indices = @transform_2, window_bounds = array<i64: 128, 128>}, {pipeline_mode = #tpu.pipeline_mode<synchronous>, transform_indices = @transform_3, window_bounds = array<i64: 1, 128>}, {pipeline_mode = #tpu.pipeline_mode<synchronous>, transform_indices = @transform_4, window_bounds = array<i64: 128, 128>}, {pipeline_mode = #tpu.pipeline_mode<synchronous>, transform_indices = @transform_5, window_bounds = array<i64: 1, 128>}, {pipeline_mode = #tpu.pipeline_mode<synchronous>, transform_indices = @transform_6, window_bounds = array<i64: 64, 128>}, {pipeline_mode = #tpu.pipeline_mode<synchronous>, transform_indices = @transform_7, window_bounds = array<i64: 64, 128>}]} {
    %eq3A = arith.constant 0 : i32
    %eq3A_0 = arith.cmpi eq, %arg0, %eq3A : i32
    %convert_element_type3A = arith.extui %eq3A_0 : i1 to i32
    %cond3A = arith.constant 0 : i32
    %cond3A_1 = arith.cmpi ne, %convert_element_type3A, %cond3A : i32
    scf.if %cond3A_1 {
      %broadcast_in_dim3A_66 = arith.constant 0.000000e+00 : f32
      %broadcast_in_dim3A_67 = vector.broadcast %broadcast_in_dim3A_66 : f32 to vector<64x128xf32>
      %swap3A_68 = arith.constant 0 : index
      %swap3A_69 = arith.constant 0 : index
      %swap3A_70 = vector.load %arg7[%swap3A_68, %swap3A_69] : memref<64x128xf32, #tpu.memory_space<vmem>>, vector<64x128xf32>
      tpu.vector_store %arg7[%swap3A_68, %swap3A_69], %broadcast_in_dim3A_67 {strides = array<i32>} : memref<64x128xf32, #tpu.memory_space<vmem>>, vector<64x128xf32>,
      %broadcast_in_dim3A_71 = arith.constant 0.000000e+00 : f32
      %broadcast_in_dim3A_72 = vector.broadcast %broadcast_in_dim3A_71 : f32 to vector<64x128xf32>
      %swap3A_73 = arith.constant 0 : index
      %swap3A_74 = arith.constant 0 : index
      %swap3A_75 = vector.load %arg8[%swap3A_73, %swap3A_74] : memref<64x128xf32, #tpu.memory_space<vmem>>, vector<64x128xf32>
      tpu.vector_store %arg8[%swap3A_73, %swap3A_74], %broadcast_in_dim3A_72 {strides = array<i32>} : memref<64x128xf32, #tpu.memory_space<vmem>>, vector<64x128xf32>,
      %broadcast_in_dim3A_76 = arith.constant 0.000000e+00 : f32
      %broadcast_in_dim3A_77 = vector.broadcast %broadcast_in_dim3A_76 : f32 to vector<64x128xf32>
      %swap3A_78 = arith.constant 0 : index
      %swap3A_79 = arith.constant 0 : index
      %swap3A_80 = vector.load %arg9[%swap3A_78, %swap3A_79] : memref<64x128xf32, #tpu.memory_space<vmem>>, vector<64x128xf32>
      tpu.vector_store %arg9[%swap3A_78, %swap3A_79], %broadcast_in_dim3A_77 {strides = array<i32>} : memref<64x128xf32, #tpu.memory_space<vmem>>, vector<64x128xf32>,
    } else {
    }
    %get3A = arith.constant 0 : index
    %get3A_2 = arith.constant 0 : index
    %get3A_3 = arith.constant 0 : index
    %get3A_4 = vector.load %arg1[%get3A, %get3A_2, %get3A_3] : memref<1x1x400xi32, #tpu.memory_space<vmem>>, vector<1x1x400xi32>
    %get3A_5 = vector.shape_cast %get3A_4 : vector<1x1x400xi32> to vector<400xi32>
    %iota3A = tpu.iota {dimensions = array<i32: 0>} : vector<64x400xi32>
    %broadcast_in_dim3A = vector.shape_cast %get3A_5 : vector<400xi32> to vector<1x400xi32>
    %eq3A_6 = vector.broadcast %broadcast_in_dim3A : vector<1x400xi32> to vector<64x400xi32>
    %eq3A_7 = arith.cmpi eq, %iota3A, %eq3A_6 : vector<64x400xi32>
    %convert_element_type3A_8 = arith.extui %eq3A_7 : vector<64x400xi1> to vector<64x400xi32>
    %convert_element_type3A_9 = arith.sitofp %convert_element_type3A_8 : vector<64x400xi32> to vector<64x400xf32>
    %get3A_10 = arith.constant 0 : index
    %get3A_11 = arith.constant 0 : index
    %get3A_12 = vector.load %arg2[%get3A_10, %get3A_11] : memref<400x128xf32, #tpu.memory_space<vmem>>, vector<400x128xf32>
    %get3A_13 = arith.constant 0 : index
    %get3A_14 = arith.constant 0 : index
    %get3A_15 = vector.load %arg7[%get3A_13, %get3A_14] : memref<64x128xf32, #tpu.memory_space<vmem>>, vector<64x128xf32>
    %dot_general3A = arith.constant dense<0.000000e+00> : vector<64x128xf32>
    %dot_general3A_16 = tpu.matmul %convert_element_type3A_9, %get3A_12, %dot_general3A {dimension_numbers = #tpu.dot_dimension_numbers<[1], [0], [0], [1], [0, 0, 1, 1], [], []>, transpose_lhs_hint = false} : vector<64x400xf32>, vector<400x128xf32>, vector<64x128xf32> -> vector<64x128xf32>
    %add3A = arith.addf %get3A_15, %dot_general3A_16 : vector<64x128xf32>
    %swap3A = arith.constant 0 : index
    %swap3A_17 = arith.constant 0 : index
    %swap3A_18 = vector.load %arg7[%swap3A, %swap3A_17] : memref<64x128xf32, #tpu.memory_space<vmem>>, vector<64x128xf32>
    tpu.vector_store %arg7[%swap3A, %swap3A_17], %add3A {strides = array<i32>} : memref<64x128xf32, #tpu.memory_space<vmem>>, vector<64x128xf32>,
    %get3A_19 = arith.constant 0 : index
    %get3A_20 = arith.constant 0 : index
    %get3A_21 = vector.load %arg3[%get3A_19, %get3A_20] : memref<128x128xf32, #tpu.memory_space<vmem>>, vector<128x128xf32>
    %dot_general3A_22 = arith.constant dense<0.000000e+00> : vector<400x128xf32>
    %dot_general3A_23 = tpu.matmul %get3A_12, %get3A_21, %dot_general3A_22 {dimension_numbers = #tpu.dot_dimension_numbers<[1], [0], [0], [1], [0, 0, 1, 1], [], []>, transpose_lhs_hint = false} : vector<400x128xf32>, vector<128x128xf32>, vector<400x128xf32> -> vector<400x128xf32>
    %get3A_24 = arith.constant 0 : index
    %get3A_25 = arith.constant 0 : index
    %get3A_26 = vector.load %arg4[%get3A_24, %get3A_25] : memref<1x128xf32, #tpu.memory_space<vmem>>, vector<1x128xf32>
    %add3A_27 = vector.broadcast %get3A_26 : vector<1x128xf32> to vector<400x128xf32>
    %add3A_28 = arith.addf %dot_general3A_23, %add3A_27 : vector<400x128xf32>
    %max3A = arith.constant 0.000000e+00 : f32
    %max3A_29 = vector.broadcast %max3A : f32 to vector<400x128xf32>
    %max3A_30 = arith.maximumf %add3A_28, %max3A_29 : vector<400x128xf32>
    %get3A_31 = arith.constant 0 : index
    %get3A_32 = arith.constant 0 : index
    %get3A_33 = vector.load %arg5[%get3A_31, %get3A_32] : memref<128x128xf32, #tpu.memory_space<vmem>>, vector<128x128xf32>
    %dot_general3A_34 = arith.constant dense<0.000000e+00> : vector<400x128xf32>
    %dot_general3A_35 = tpu.matmul %max3A_30, %get3A_33, %dot_general3A_34 {dimension_numbers = #tpu.dot_dimension_numbers<[1], [0], [0], [1], [0, 0, 1, 1], [], []>, transpose_lhs_hint = false} : vector<400x128xf32>, vector<128x128xf32>, vector<400x128xf32> -> vector<400x128xf32>
    %get3A_36 = arith.constant 0 : index
    %get3A_37 = arith.constant 0 : index
    %get3A_38 = vector.load %arg6[%get3A_36, %get3A_37] : memref<1x128xf32, #tpu.memory_space<vmem>>, vector<1x128xf32>
    %add3A_39 = vector.broadcast %get3A_38 : vector<1x128xf32> to vector<400x128xf32>
    %add3A_40 = arith.addf %dot_general3A_35, %add3A_39 : vector<400x128xf32>
    %get3A_41 = arith.constant 0 : index
    %get3A_42 = arith.constant 0 : index
    %get3A_43 = vector.load %arg8[%get3A_41, %get3A_42] : memref<64x128xf32, #tpu.memory_space<vmem>>, vector<64x128xf32>
    %dot_general3A_44 = arith.constant dense<0.000000e+00> : vector<64x128xf32>
    %dot_general3A_45 = tpu.matmul %convert_element_type3A_9, %add3A_40, %dot_general3A_44 {dimension_numbers = #tpu.dot_dimension_numbers<[1], [0], [0], [1], [0, 0, 1, 1], [], []>, transpose_lhs_hint = false} : vector<64x400xf32>, vector<400x128xf32>, vector<64x128xf32> -> vector<64x128xf32>
    %add3A_46 = arith.addf %get3A_43, %dot_general3A_45 : vector<64x128xf32>
    %swap3A_47 = arith.constant 0 : index
    %swap3A_48 = arith.constant 0 : index
    %swap3A_49 = vector.load %arg8[%swap3A_47, %swap3A_48] : memref<64x128xf32, #tpu.memory_space<vmem>>, vector<64x128xf32>
    tpu.vector_store %arg8[%swap3A_47, %swap3A_48], %add3A_46 {strides = array<i32>} : memref<64x128xf32, #tpu.memory_space<vmem>>, vector<64x128xf32>,
    %get3A_50 = arith.constant 0 : index
    %get3A_51 = arith.constant 0 : index
    %get3A_52 = vector.load %arg9[%get3A_50, %get3A_51] : memref<64x128xf32, #tpu.memory_space<vmem>>, vector<64x128xf32>
    %reduce_sum3A = arith.constant dense<0.000000e+00> : vector<64xf32>
    %reduce_sum3A_53 = vector.multi_reduction <add>, %convert_element_type3A_9, %reduce_sum3A [1] : vector<64x400xf32> to vector<64xf32>
    %broadcast_in_dim3A_54 = vector.shape_cast %reduce_sum3A_53 : vector<64xf32> to vector<64x1xf32>
    %broadcast_in_dim3A_55 = vector.shape_cast %broadcast_in_dim3A_54 : vector<64x1xf32> to vector<64x1xf32>
    %broadcast_in_dim3A_56 = vector.broadcast %broadcast_in_dim3A_55 : vector<64x1xf32> to vector<64x128xf32>
    %add3A_57 = arith.addf %get3A_52, %broadcast_in_dim3A_56 : vector<64x128xf32>
    %swap3A_58 = arith.constant 0 : index
    %swap3A_59 = arith.constant 0 : index
    %swap3A_60 = vector.load %arg9[%swap3A_58, %swap3A_59] : memref<64x128xf32, #tpu.memory_space<vmem>>, vector<64x128xf32>
    tpu.vector_store %arg9[%swap3A_58, %swap3A_59], %add3A_57 {strides = array<i32>} : memref<64x128xf32, #tpu.memory_space<vmem>>, vector<64x128xf32>,
    %eq3A_61 = arith.constant 24 : i32
    %eq3A_62 = arith.cmpi eq, %arg0, %eq3A_61 : i32
    %convert_element_type3A_63 = arith.extui %eq3A_62 : i1 to i32
    %cond3A_64 = arith.constant 0 : i32
    %cond3A_65 = arith.cmpi ne, %convert_element_type3A_63, %cond3A_64 : i32
    scf.if %cond3A_65 {
      %get3A_66 = arith.constant 0 : index
      %get3A_67 = arith.constant 0 : index
      %get3A_68 = vector.load %arg9[%get3A_66, %get3A_67] : memref<64x128xf32, #tpu.memory_space<vmem>>, vector<64x128xf32>
      %max3A_69 = arith.constant 1.000000e+00 : f32
      %max3A_70 = vector.broadcast %max3A_69 : f32 to vector<64x128xf32>
      %max3A_71 = arith.maximumf %get3A_68, %max3A_70 : vector<64x128xf32>
      %get3A_72 = arith.constant 0 : index
      %get3A_73 = arith.constant 0 : index
      %get3A_74 = vector.load %arg7[%get3A_72, %get3A_73] : memref<64x128xf32, #tpu.memory_space<vmem>>, vector<64x128xf32>
      %div3A = arith.divf %get3A_74, %max3A_71 : vector<64x128xf32>
      %swap3A_75 = arith.constant 0 : index
      %swap3A_76 = arith.constant 0 : index
      %swap3A_77 = vector.load %arg7[%swap3A_75, %swap3A_76] : memref<64x128xf32, #tpu.memory_space<vmem>>, vector<64x128xf32>
      tpu.vector_store %arg7[%swap3A_75, %swap3A_76], %div3A {strides = array<i32>} : memref<64x128xf32, #tpu.memory_space<vmem>>, vector<64x128xf32>,
      %get3A_78 = arith.constant 0 : index
      %get3A_79 = arith.constant 0 : index
      %get3A_80 = vector.load %arg8[%get3A_78, %get3A_79] : memref<64x128xf32, #tpu.memory_space<vmem>>, vector<64x128xf32>
      %div3A_81 = arith.divf %get3A_80, %max3A_71 : vector<64x128xf32>
      %swap3A_82 = arith.constant 0 : index
      %swap3A_83 = arith.constant 0 : index
      %swap3A_84 = vector.load %arg8[%swap3A_82, %swap3A_83] : memref<64x128xf32, #tpu.memory_space<vmem>>, vector<64x128xf32>
      tpu.vector_store %arg8[%swap3A_82, %swap3A_83], %div3A_81 {strides = array<i32>} : memref<64x128xf32, #tpu.memory_space<vmem>>, vector<64x128xf32>,
    } else {
    }
    return
  }
  func.func @transform_0(%arg0: i32) -> (i32, i32, i32) {
    %c0_i32 = arith.constant 0 : i32
    %c0_i32_0 = arith.constant 0 : i32
    %c0_i32_1 = arith.constant 0 : i32
    return %arg0, %c0_i32, %c0_i32_0 : i32, i32, i32
  }
  func.func @transform_1(%arg0: i32) -> (i32, i32) {
    %c0_i32 = arith.constant 0 : i32
    %c0_i32_0 = arith.constant 0 : i32
    return %arg0, %c0_i32 : i32, i32
  }
  func.func @transform_2(%arg0: i32) -> (i32, i32) {
    %c0_i32 = arith.constant 0 : i32
    %c0_i32_0 = arith.constant 0 : i32
    %c0_i32_1 = arith.constant 0 : i32
    return %c0_i32, %c0_i32_0 : i32, i32
  }
  func.func @transform_3(%arg0: i32) -> (i32, i32) {
    %c0_i32 = arith.constant 0 : i32
    %c0_i32_0 = arith.constant 0 : i32
    %c0_i32_1 = arith.constant 0 : i32
    return %c0_i32, %c0_i32_0 : i32, i32
  }
  func.func @transform_4(%arg0: i32) -> (i32, i32) {
    %c0_i32 = arith.constant 0 : i32
    %c0_i32_0 = arith.constant 0 : i32
    %c0_i32_1 = arith.constant 0 : i32
    return %c0_i32, %c0_i32_0 : i32, i32
  }
  func.func @transform_5(%arg0: i32) -> (i32, i32) {
    %c0_i32 = arith.constant 0 : i32
    %c0_i32_0 = arith.constant 0 : i32
    %c0_i32_1 = arith.constant 0 : i32
    return %c0_i32, %c0_i32_0 : i32, i32
  }
  func.func @transform_6(%arg0: i32) -> (i32, i32) {
    %c0_i32 = arith.constant 0 : i32
    %c0_i32_0 = arith.constant 0 : i32
    %c0_i32_1 = arith.constant 0 : i32
    return %c0_i32, %c0_i32_0 : i32, i32
  }
  func.func @transform_7(%arg0: i32) -> (i32, i32) {
    %c0_i32 = arith.constant 0 : i32
    %c0_i32_0 = arith.constant 0 : i32
    %c0_i32_1 = arith.constant 0 : i32
    return %c0_i32, %c0_i32_0 : i32, i32
  }
}

</mosaic_0001>

<sc_bundles>
// kernel: kernel.12.cloned.1.call-start
scs
__scs_entry_jumppad:
0x0: {  	(pc) =	sbr.rel $0x88, $3  }
0x1: {  	(tag) =	ssettag $0x0;
	lr =	simm.s32 $0x1  }
0x2: {  	[smem:$0x3F8E] =	sst lr;
	_ =	strace $0xD0000000  }
0x3: {  	_ = 	snop  }
0x4: {  	_ = 	snop  }
0x5: {  	_ = 	snop  }
0x6: {  	_ = 	snop  }
0x7: {  	_ = 	snop  }
__scs_overlays_trampoline_lowered:
0x8: {  	[smem:$0x3F9D] =	sst s0  }
0x9: {  	[smem:$0x3F9E] =	sst s1  }
0xa: {  	[smem:$0x3F9F] =	sst s2  }
0xb: {  	[smem:$0x3FA0] =	sst s3  }
0xc: {  	[smem:$0x3FA1] =	sst s4  }
0xd: {  	[smem:$0x3FA2] =	sst s5  }
0xe: {  	[smem:$0x3FA3] =	sst s6  }
0xf: {  	[smem:$0x3FA4] =	sst s7  }
0x10: {  	[smem:$0x3FA5] =	sst s8  }
0x11: {  	[smem:$0x3FA6] =	sst s9;
	s0 =	simm.s32 @!p0 $0x0  }
0x12: {  	s1 =	sld [smem:$0x3F8C];
	s0 =	simm.s32 @p0 $0x1  }
0x13: {  	[smem:$0x3FA7] =	sst s0;
	s0 =	simm.s32 @!p1 $0x0  }
0x14: {  	s2 =	sld [smem:$0x3F8B];
	s0 =	simm.s32 @p1 $0x1  }
0x15: {  	[smem:$0x3FA8] =	sst s0;
	s0 =	simm.s32 @!p2 $0x0  }
0x16: {  	s3 =	sld [smem:$0x3FDB];
	s0 =	simm.s32 @p2 $0x1  }
0x17: {  	s4 =	simm.s32 $0x1BF5;
	[smem:$0x3FAA] =	sst s0  }
0x18: {  	s0 =	sld [smem:$0x3F8D];
	_ =	swait.ge [sflag:s4], $0x0  }
0x19: {  	s7 =	sld [smem:$0x3F8E]  }
0x1a: {  	s8 =	sadd.s32 $0xFFFFE003, lr  }
0x1b: {  	s9 =	sadd.s32 $0xFFFFFEF7, lr;
	s5 =	simm.s32 $0xFFFFFFFF;
	p2 =	slt.u32 s8, $0xFFFFF086  }
0x1c: {  	p1 =	slt.u32 s9, $0xF7A;
	s5 =	simm.s32 @!p2 $0x0  }
0x1d: {  	s5 =	simm.s32 @p1 $0x1;
	p0 =	seq.s32 s7, s2  }
0x1e: {  	s7 =	smul.u32 @!p0 $0xF7A, s2;
	p2 =	seq.s32 @!p0 s5, $0x0  }
0x1f: {  	s9 =	smul.u32 $0xF7A, s1;
	s8 =	simm.s32 @!p0 $0x1BF5;
	p2 =	por !p2, p0  }
0x20: {  	[sflag:s8] =	ssyncset.s32 @!p0 $0xFFFFF086;
	s6 =	sadd.s32 @!p0 s3, s7;
	s7 =	simm.s32 @!p0 $0x108  }
0x21: {  	s3 =	sadd.s32 s3, s9;
	s6 =	sadd.s32 @!p0 $0x88, s6;
	s7 =	simm.s32 @p2 $0x1082  }
0x22: {  	[simem:s7], [sflag:s8] =	dma.local @!p0 [hbm:s6], $0xF7A  }
0x23: {  	s9 =	sor.u32 $0xD0000000, s2;
	s6 =	simm.s32 $0x108;
	_ =	swait.ge @!p0 [sflag:s8], $0x0  }
0x24: {  	s3 =	sadd.s32 $0x88, s3;
	s6 =	simm.s32 @!p1 $0x1082;
	[sflag:s4] =	ssyncset.s32 $0xFFFFF086  }
0x25: {  	[simem:s6], [sflag:s4] =	dma.local [hbm:s3], $0xF7A  }
0x26: {  	[smem:$0x3F8E] =	sst s1;
	(tag) =	ssettag s2;
	_ =	strace s9  }
0x27: {  	s1 =	sld [smem:$0x3F9E]  }
0x28: {  	s2 =	sld [smem:$0x3F9F]  }
0x29: {  	s4 =	sld [smem:$0x3FA1]  }
0x2a: {  	p0 =	seq.s32 s5, $0x0;
	s5 =	sld [smem:$0x3FA2]  }
0x2b: {  	s6 =	sld [smem:$0x3FA3]  }
0x2c: {  	s7 =	sld [smem:$0x3FA4]  }
0x2d: {  	s3 =	simm.s32 $0x108;
	s8 =	sld [smem:$0x3FA5]  }
0x2e: {  	s3 =	simm.s32 @!p0 $0x1082;
	s9 =	sld [smem:$0x3FA6]  }
0x2f: {  	lr =	sadd.s32 s0, s3;
	s0 =	sld [smem:$0x3F9D]  }
0x30: {  	s3 =	sld [smem:$0x3FA0]  }
0x31: {  	[smem:$0x3FA9] =	sst s10  }
0x32: {  	s10 =	sld [smem:$0x3FA7];
	_ =	sdelay $0x3  }
0x33: {  	p0 =	seq.s32 s10, $0x1;
	s10 =	sld [smem:$0x3FA9];
	_ =	sdelay $0x3  }
0x34: {  	[smem:$0x3FA9] =	sst s10  }
0x35: {  	s10 =	sld [smem:$0x3FA8];
	_ =	sdelay $0x3  }
0x36: {  	p1 =	seq.s32 s10, $0x1;
	s10 =	sld [smem:$0x3FA9];
	_ =	sdelay $0x3  }
0x37: {  	[smem:$0x3FA9] =	sst s10  }
0x38: {  	s10 =	sld [smem:$0x3FAA]  }
0x39: {  	_ = 	snop;
	(pc) =	sbr.ind lr, $3  }
0x3a: {  	_ = 	snop  }
0x3b: {  	_ = 	snop  }
0x3c: {  	p2 =	seq.s32 s10, $0x1;
	s10 =	sld [smem:$0x3FA9]  }
0x3d: {  	_ =	shalt  }
0x3e: {  	_ =	shalt  }
0x3f: {  	_ =	shalt  }
0x40: {  	_ =	shalt  }
0x41: {  	_ =	shalt  }
0x42: {  	_ =	shalt  }
0x43: {  	_ =	shalt  }
0x44: {  	_ =	shalt  }
0x45: {  	_ =	shalt  }
0x46: {  	_ =	shalt  }
0x47: {  	_ =	shalt  }
0x48: {  	_ =	shalt  }
0x49: {  	_ =	shalt  }
0x4a: {  	_ =	shalt  }
0x4b: {  	_ =	shalt  }
0x4c: {  	_ =	shalt  }
0x4d: {  	_ =	shalt  }
0x4e: {  	_ =	shalt  }
0x4f: {  	_ =	shalt  }
0x50: {  	_ =	shalt  }
0x51: {  	_ =	shalt  }
0x52: {  	_ =	shalt  }
0x53: {  	_ =	shalt  }
0x54: {  	_ =	shalt  }
0x55: {  	_ =	shalt  }
0x56: {  	_ =	shalt  }
0x57: {  	_ =	shalt  }
0x58: {  	_ =	shalt  }
0x59: {  	_ =	shalt  }
0x5a: {  	_ =	shalt  }
0x5b: {  	_ =	shalt  }
0x5c: {  	_ =	shalt  }
0x5d: {  	_ =	shalt  }
0x5e: {  	_ =	shalt  }
0x5f: {  	_ =	shalt  }
0x60: {  	_ =	shalt  }
0x61: {  	_ =	shalt  }
0x62: {  	_ =	shalt  }
0x63: {  	_ =	shalt  }
0x64: {  	_ =	shalt  }
0x65: {  	_ =	shalt  }
0x66: {  	_ =	shalt  }
0x67: {  	_ =	shalt  }
0x68: {  	_ =	shalt  }
0x69: {  	_ =	shalt  }
0x6a: {  	_ =	shalt  }
0x6b: {  	_ =	shalt  }
0x6c: {  	_ =	shalt  }
0x6d: {  	_ =	shalt  }
0x6e: {  	_ =	shalt  }
0x6f: {  	_ =	shalt  }
0x70: {  	_ =	shalt  }
0x71: {  	_ =	shalt  }
0x72: {  	_ =	shalt  }
0x73: {  	_ =	shalt  }
0x74: {  	_ =	shalt  }
0x75: {  	_ =	shalt  }
0x76: {  	_ =	shalt  }
0x77: {  	_ =	shalt  }
0x78: {  	_ =	shalt  }
0x79: {  	_ =	shalt  }
0x7a: {  	_ =	shalt  }
0x7b: {  	_ =	shalt  }
0x7c: {  	_ =	shalt  }
0x7d: {  	_ =	shalt  }
0x7e: {  	_ =	shalt  }
0x7f: {  	_ =	shalt  }
0x80: {  	_ =	shalt  }
0x81: {  	_ =	shalt  }
0x82: {  	_ =	shalt  }
0x83: {  	_ =	shalt  }
0x84: {  	_ =	shalt  }
0x85: {  	_ =	shalt  }
0x86: {  	_ =	shalt  }
0x87: {  	_ =	shalt  }
.Lfunc_end0:
.L_simem_size_0:
called_computation_lowered:
.L_overlay_start_0:
0x88: {  	s2 =	sld [smem:$0x3FD9]  }
0x89: {  	s3 =	sld [smem:$0x3FFE];
	_ =	sdelay $0x1  }
0x8a: {  	s1 =	srdreg.scid  }
0x8b: {  	s0 =	sand.u32 $0x1, s1  }
0x8c: {  	s17 =	sshll.u32 s0, $0xA;
	s2 =	sadd.s32 s3, s2  }
0x8d: {  	s2 =	sadd.s32 s2, s17  }
0x8e: {  	[smem:$0x3FB5] =	sst s2  }
0x8f: {  	_ = 	snop  }
0x90: {  	s18 =	sld [smem:$0x3FC9];
	(tm) =	ssettm $0x1  }
0x91: {  	s19 =	sld [smem:$0x3FFB];
	_ =	sdelay $0x3  }
0x92: {  	_ =	strace s19  }
0x93: {  	s2 =	sld [smem:$0x3FFC];
	_ =	sdelay $0x3  }
0x94: {  	_ =	strace s2  }
0x95: {  	s2 =	sld [smem:$0x3FFD];
	_ =	sdelay $0x3  }
0x96: {  	_ =	strace s2  }
0x97: {  	_ =	strace $0x8FFFFFFF  }
0x98: {  	s20 =	sld [smem:$0x3FDB];
	_ =	sdelay $0x1  }
0x99: {  	s4 =	simm.s32 $_scs_section_size  }
0x9a: {  	s5 =	simm.s32 $_size__tile_overlayer_lowered;
	s6 =	simm.s32 $_tile_overlayer_lowered  }
0x9b: {  	s7 =	simm.s32 $0x1BFF;
	s21 =	sshll.u32 s6, $0x1;
	s4 =	sadd.s32 s4, s20  }
0x9c: {  	s22 =	simm.s32 $0x0;
	s5 =	sshll.u32 s5, $0x1;
	s6 =	sadd.s32 s21, s4  }
0x9d: {  	[timem:s22], [sflag:s7] =	dma.local [hbm:s6], s5  }
0x9e: {  	_ =	swait.ge [sflag:s7], s5  }
0x9f: {  	s5 =	ssub.s32 $0x0, s5;
	[sflag:s7] =	ssyncset.done $0x0  }
0xa0: {  	[sflag:s7] =	ssyncadd.s32 s5;
	_ =	sdelay $0x1  }
0xa1: {  	s23 =	simm.s32 $0x1B8B  }
0xa2: {  	_ =	swait.ge [sflag:s23], $0x1  }
0xa3: {  	[sflag:s23] =	ssyncset.done $0x0  }
0xa4: {  	[sflag:s23] =	ssyncadd.s32 $0xFFFFFFFF  }
0xa5: {  	s5 =	sld [smem:$0x0]  }
0xa6: {  	s6 =	sand.u32 $0xFFFFFFFE, s1  }
0xa7: {  	p0 =	sne.s32 s1, s6  }
0xa8: {  	s6 =	sshll.u32 @p0 s6, $0xE  }
0xa9: {  	s6 =	sadd.s32 @p0 $0x11B8D, s6;
	s7 =	sshll.u32 @p0 s5, $0x11  }
0xaa: {  	s6 =	sor.u32 @p0 s7, s6  }
0xab: {  	[sflag:s6] =	ssyncadd.remote.s32 @p0 $0x1;
	_ =	sdelay $0x1  }
0xac: {  	s6 =	simm.s32 @p0 $0x1B8D  }
0xad: {  	_ =	swait.eq @p0 [sflag:s6], $0x1  }
0xae: {  	[sflag:s6] =	ssyncadd.s32 @p0 $0xFFFFFFFF  }
0xaf: {  	s7 =	sshll.u32 @!p0 s1, $0xE  }
0xb0: {  	s7 =	sor.u32 @!p0 $0x4000, s7;
	s6 =	simm.s32 @!p0 $0x1B8D  }
0xb1: {  	s5 =	sshll.u32 @!p0 s5, $0x11;
	s7 =	sadd.s32 @!p0 $0x11B8D, s7;
	_ =	swait.eq @!p0 [sflag:s6], $0x1  }
0xb2: {  	s5 =	sor.u32 @!p0 s5, s7;
	[sflag:s6] =	ssyncadd.s32 @!p0 $0xFFFFFFFF  }
0xb3: {  	s25 =	simm.s32 $0x1B8E;
	s24 =	sld [smem:$0x3FFE];
	[sflag:s5] =	ssyncadd.remote.s32 @!p0 $0x1  }
0xb4: {  	s26 =	simm.s32 $execute0_lowered;
	[smem:$0x3FD2] =	sst s25  }
0xb5: {  	s6 =	sshll.u32 s26, $0x1;
	_ =	strace $0x80000049;
	[dreg:$0x1] =	wrdreg $0xFFFFFFFF  }
0xb6: {  	s28 =	simm.s32 $_size_execute0_lowered;
	s4 =	sadd.s32 s4, s6;
	[dreg:$0x0] =	wrdreg $0x0  }
0xb7: {  	s6 =	sshll.u32 s28, $0x1;
	[dreg:$0x2] =	wrdreg s4  }
0xb8: {  	[dreg:$0x3] =	wrdreg s6  }
0xb9: {  	[dreg:$0x4] =	wrdreg $0xC0  }
0xba: {  	_ =	task [dreg:s22], $0x5FFFF  }
0xbb: {  	[dreg:$0x1] =	wrdreg $0xFFFFFFFF  }
0xbc: {  	[dreg:$0x0] =	wrdreg $0x60  }
0xbd: {  	[dreg:$0x2] =	wrdreg s18  }
0xbe: {  	[dreg:$0x3] =	wrdreg s24  }
0xbf: {  	[dreg:$0x4] =	wrdreg $0xAC000  }
0xc0: {  	[dreg:$0x5] =	wrdreg $0x9  }
0xc1: {  	_ =	task.clear_ibuf [dreg:s22], $0x6FFFF;
	_ =	strace $0x90000049  }
0xc2: {  	s29 =	simm.s32 $0x9;
	_ =	strace $0x8000004B  }
0xc3: {  	_ =	swait.ge [sflag:s29], $0x1  }
0xc4: {  	[sflag:s29] =	ssyncadd.s32 $0xFFFFFFFF  }
0xc5: {  	_ =	strace $0x9000004B  }
0xc6: {  	_ =	sfence  }
0xc7: {  	s30 =	sld [smem:$0x0];
	_ =	sdelay $0x2  }
0xc8: {  	s31 =	sshll.u32 s1, $0xD;
	s1 =	sshrl.u32 s1, $0x2  }
0xc9: {  	s4 =	sand.u32 $0x4000, s31;
	s1 =	sadd.s32 s1, s30  }
0xca: {  	s0 =	sor.u32 s4, s0;
	s1 =	sshll.u32 s1, $0x11  }
0xcb: {  	s0 =	sor.u32 s1, s0  }
0xcc: {  	s0 =	sadd.s32 $0x8F2B, s0  }
0xcd: {  	[sflag:s0] =	ssyncadd.remote.s32 $0x1  }
0xce: {  	_ =	sfence.sel $0xFFFF  }
0xcf: {  	[dreg:$0x0] =	wrdreg $0xFFFFFFFF;
	(pc) =	sbr.abs _section_cstart, $3  }
0xd0: {  	[dreg:$0x1] =	wrdreg $0xFFFFFFFF  }
0xd1: {  	_ =	task.clear_ibuf [dreg:s22], $0x2FFFF;
	_ =	strace $0x9FFFFFFF  }
0xd2: {  	(tm) =	ssettm $0x7FFFFFFF  }
0xd3: {  	_ =	shalt  }
tec
execute0_lowered:
.L_overlay_start_1:
0x0: {  	(tag) =	ssettag $0x1  }
0x1: {  	s1 =	rddreg [dreg:$0x0]  }
0x2: {  	s5 =	rddreg [dreg:$0x1]  }
0x3: {  	s2 =	rddreg [dreg:$0x2]  }
0x4: {  	s3 =	srdreg.scid;
	s0 =	rddreg [dreg:$0x3]  }
0x5: {  	s4 =	simm.s32 $0x0;
	s14 =	simm.s32 $0x1400;
	s15 =	simm.s32 $0x80  }
0x6: {  	s16 =	simm.s32 $0x2800;
	s17 =	simm.s32 $0x6800;
	s18 =	simm.s32 $0x1  }
0x7: {  	s19 =	simm.s32 $0x2;
	s20 =	simm.s32 $0x3;
	s21 =	simm.s32 $0x4  }
0x8: {  	s22 =	simm.s32 $0x1380;
	s23 =	simm.s32 $0x2700;
	s24 =	simm.s32 $0x2780  }
0x9: {  	s6 =	sand.u32 $0x1, s3;
	s3 =	stileid.u32;
	[smem:$0x7FF] =	sst s4  }
0xa: {  	s9 =	sadd.s32 $0x4E00, s5;
	s11 =	sadd.s32 $0xEE00, s5;
	s7 =	smul.u32 $0x13C000, s6  }
0xb: {  	s8 =	smul.u32 $0x13C00, s3;
	_ =	strace $0x8000004A;
	s10 =	sshll.u32 s3, $0x1  }
0xc: {  	s26 =	smul.u32 $0x4F000, s3;
	s25 =	sor.u32 s6, s10;
	s6 =	ssub.s32 $0x2, s6  }
0xd: {  	s7 =	sadd.s32 s8, s7;
	s8 =	smul.u32 $0x2800, s25;
	s28 =	sshrl.u32 s6, $0x1  }
0xe: {  	s29 =	sshrl.u32 s26, $0x2;
	s7 =	sshrl.u32 s7, $0x3;
	s13 =	ssub.s32 s6, s28  }
0xf: {  	s12 =	sadd.s32 s7, s5;
	s30 =	sshrl.u32 s8, $0x3;
	s5 =	sadd.s32 s29, s2  }
0x10: {  	s6 =	sadd.s32 s9, s30;
	s31 =	sadd.s32 $0x280, s30;
	s7 =	sadd.s32 s11, s30  }
0x11: {  	s10 =	sadd.s32 $0x67E00, s12;
	s12 =	simm.s32 $0xA800;
	s8 =	sadd.s32 s9, s31  }
0x12: {  	v0 =	vimm.f32 $0.0e+00;
	s9 =	sadd.s32 s11, s31;
	s11 =	smax.u32 s13, $0x1;
	s13 =	simm.s32 $0x5  }
.LBB2_1:
0x13: {  	s25 =	simm.s32 $0x0;
	s26 =	simm.s32 $0x0  }
.LBB2_2:
0x14: {  	p0 =	sne.s32 s26, $0xFC0  }
.Ltmp0:
0x15: {  	_ = 	snop;
	(pc) =	sbr.rel @p0 .LBB2_2-.Ltmp0, $4  }
0x16: {  	s28 =	sand.u32 $0xE00, s26  }
0x17: {  	s29 =	sand.u32 $0x70, s25;
	s28 =	sshrl.u32 s28, $0x2  }
0x18: {  	s28 =	sor.u32 s29, s28  }
0x19: {  	s25 =	sadd.s32 $0x10, s25;
	s26 =	sadd.s32 $0x40, s26;
	[tilespmem:s28+$0xA800] =	vst v0  }
0x1a: {  	s25 =	sadd.s32 $0x0, s5  }
0x1b: {  	[spmem:s25] =	stream.linear.scatter [tilespmem:s12], [sflag:$0x5], $0x400, $0x38;
	[tilespmem:$0x1E800] =	vst v63  }
0x1c: {  	s25 =	simm.s32 $0x1000;
	_ =	swait.ge [sflag:s13], $0x400  }
.LBB2_4:
0x1d: {  	s26 =	sshra.s32 s25, $0x2;
	[sflag:s13] =	ssyncset.done $0x0;
	p0 =	sne.s32 s25, $0x4E000  }
.Ltmp1:
0x1e: {  	s26 =	sadd.s32 s26, s5;
	[sflag:s13] =	ssyncadd.s32 $0xFFFFFC00;
	(pc) =	sbr.rel @p0 .LBB2_4-.Ltmp1, $3  }
0x1f: {  	[spmem:s26] =	stream.linear.scatter [tilespmem:s12], [sflag:$0x5], $0x400, $0x38;
	[tilespmem:$0x1E800] =	vst v63  }
0x20: {  	s25 =	sadd.s32 $0x1000, s25;
	_ =	sdelay $0x1  }
0x21: {  	_ =	swait.ge [sflag:s13], $0x400  }
0x22: {  	[sflag:s13] =	ssyncset.done $0x0  }
0x23: {  	[sflag:s13] =	ssyncadd.s32 $0xFFFFFC00  }
0x24: {  	s25 =	simm.s32 $0x0;
	[bflag:$0x0] =	sbarrier.arrive $0xFFFF  }
0x25: {  	[tilespmem:s25], [sflag:$0x5] =	stream.linear.gather [hbm4b:s6+s25], $0x1400, $0x38;
	[tilespmem:$0x1E800] =	vst v63  }
0x26: {  	_ =	swait.ge [sflag:s13], $0x1400  }
0x27: {  	[sflag:s13] =	ssyncset.done $0x0  }
0x28: {  	[sflag:s13] =	ssyncadd.s32 $0xFFFFEC00  }
0x29: {  	[tilespmem:s14], [sflag:$0x5] =	stream.linear.gather [hbm4b:s7+s25], $0x1400, $0x38;
	[tilespmem:$0x1E800] =	vst v63  }
0x2a: {  	_ =	swait.ge [sflag:s13], $0x1400  }
0x2b: {  	[sflag:s13] =	ssyncset.done $0x0  }
0x2c: {  	[sflag:s13] =	ssyncadd.s32 $0xFFFFEC00  }
0x2d: {  	[tilespmem:s16], [sflag:$0x1] =	stream.indirect.gather [hbm4b:s1+s15], $0x80, s25, s15, $0xb8;
	[tilespmem:$0x1E800] =	vst v63  }
0x2e: {  	s28 =	simm.s32 $0x80  }
0x2f: {  	[tilespmem:s17], [sflag:$0x2] =	stream.indirect.gather [hbm4b:s1+s15], $0x80, s28, s15, $0xb8;
	[tilespmem:$0x1E800] =	vst v63  }
0x30: {  	_ =	swait.ge [sflag:s18], $0x4000  }
0x31: {  	[sflag:s18] =	ssyncset.done $0x0  }
0x32: {  	s29 =	simm.s32 $0x1400;
	[sflag:s18] =	ssyncadd.s32 $0xFFFFC000  }
0x33: {  	[spmem:s2] =	stream.indirect.scatter.add.f32 [tilespmem:s16], [sflag:$0x3], $0x80, s29, s15, $0xb8;
	[tilespmem:$0x1E800] =	vst v63  }
0x34: {  	_ =	swait.ge [sflag:s19], $0x4000  }
0x35: {  	[sflag:s19] =	ssyncset.done $0x0  }
0x36: {  	s30 =	simm.s32 $0x1480;
	[sflag:s19] =	ssyncadd.s32 $0xFFFFC000  }
0x37: {  	[spmem:s2] =	stream.indirect.scatter.add.f32 [tilespmem:s17], [sflag:$0x4], $0x80, s30, s15, $0xb8;
	[tilespmem:$0x1E800] =	vst v63  }
0x38: {  	_ =	swait.ge [sflag:s20], $0x4000  }
0x39: {  	[sflag:s20] =	ssyncset.done $0x0  }
0x3a: {  	s31 =	simm.s32 $0x100;
	[sflag:s20] =	ssyncadd.s32 $0xFFFFC000  }
0x3b: {  	[tilespmem:s16], [sflag:$0x1] =	stream.indirect.gather [hbm4b:s1+s15], $0x80, s31, s15, $0xb8;
	[tilespmem:$0x1E800] =	vst v63  }
0x3c: {  	_ =	swait.ge [sflag:s21], $0x4000  }
0x3d: {  	s26 =	simm.s32 $0x800;
	s25 =	simm.s32 $0x100;
	[sflag:s21] =	ssyncset.done $0x0  }
.LBB2_6:
0x3e: {  	s28 =	sadd.s32 $0x80, s25  }
0x3f: {  	[sflag:s21] =	ssyncadd.s32 $0xFFFFC000;
	s29 =	smov.u32 s26;
	s30 =	sadd.s32 $0x400, s26  }
0x40: {  	[tilespmem:s17], [sflag:$0x2] =	stream.indirect.gather [hbm4b:s1+s15], $0x80, s28, s15, $0xb8;
	[tilespmem:$0x1E800] =	vst v63  }
0x41: {  	p0 =	sne.s32 s26, $0x4800;
	_ =	swait.ge [sflag:s18], $0x4000  }
0x42: {  	[sflag:s18] =	ssyncset.done $0x0  }
0x43: {  	s26 =	sadd.s32 $0x1400, s25;
	[sflag:s18] =	ssyncadd.s32 $0xFFFFC000  }
0x44: {  	[spmem:s2] =	stream.indirect.scatter.add.f32 [tilespmem:s16], [sflag:$0x3], $0x80, s26, s15, $0xb8;
	[tilespmem:$0x1E800] =	vst v63  }
0x45: {  	_ =	swait.ge [sflag:s19], $0x4000  }
0x46: {  	[sflag:s19] =	ssyncset.done $0x0  }
0x47: {  	s26 =	sadd.s32 $0x1480, s25;
	[sflag:s19] =	ssyncadd.s32 $0xFFFFC000  }
0x48: {  	[spmem:s2] =	stream.indirect.scatter.add.f32 [tilespmem:s17], [sflag:$0x4], $0x80, s26, s15, $0xb8;
	[tilespmem:$0x1E800] =	vst v63  }
0x49: {  	_ =	swait.ge [sflag:s20], $0x4000  }
.Ltmp2:
0x4a: {  	[sflag:s20] =	ssyncset.done $0x0;
	(pc) =	sbr.rel @p0 .LBB2_6-.Ltmp2, $4  }
0x4b: {  	s25 =	sadd.s32 $0x100, s25;
	[sflag:s20] =	ssyncadd.s32 $0xFFFFC000  }
0x4c: {  	[tilespmem:s16], [sflag:$0x1] =	stream.indirect.gather [hbm4b:s1+s15], $0x80, s25, s15, $0xb8;
	[tilespmem:$0x1E800] =	vst v63  }
0x4d: {  	_ =	swait.ge [sflag:s21], $0x4000  }
0x4e: {  	s26 =	smov.u32 s30;
	s25 =	sshra.s32 s29, $0x2;
	[sflag:s21] =	ssyncset.done $0x0  }
0x4f: {  	s26 =	sadd.s32 $0x80, s25;
	[sflag:s21] =	ssyncadd.s32 $0xFFFFC000  }
0x50: {  	[tilespmem:s17], [sflag:$0x2] =	stream.indirect.gather [hbm4b:s1+s15], $0x80, s26, s15, $0xb8;
	[tilespmem:$0x1E800] =	vst v63  }
0x51: {  	_ =	swait.ge [sflag:s18], $0x4000  }
0x52: {  	[sflag:s18] =	ssyncset.done $0x0  }
0x53: {  	s29 =	sadd.s32 $0x1400, s25;
	[sflag:s18] =	ssyncadd.s32 $0xFFFFC000  }
0x54: {  	[spmem:s2] =	stream.indirect.scatter.add.f32 [tilespmem:s16], [sflag:$0x3], $0x80, s29, s15, $0xb8;
	[tilespmem:$0x1E800] =	vst v63  }
0x55: {  	_ =	swait.ge [sflag:s19], $0x4000  }
0x56: {  	[sflag:s19] =	ssyncset.done $0x0  }
0x57: {  	s30 =	sadd.s32 $0x1480, s25;
	[sflag:s19] =	ssyncadd.s32 $0xFFFFC000  }
0x58: {  	[spmem:s2] =	stream.indirect.scatter.add.f32 [tilespmem:s17], [sflag:$0x4], $0x80, s30, s15, $0xb8;
	[tilespmem:$0x1E800] =	vst v63  }
0x59: {  	_ =	swait.ge [sflag:s20], $0x4000  }
0x5a: {  	[sflag:s20] =	ssyncset.done $0x0  }
0x5b: {  	s31 =	sadd.s32 $0x100, s25;
	[sflag:s20] =	ssyncadd.s32 $0xFFFFC000  }
0x5c: {  	[tilespmem:s16], [sflag:$0x1] =	stream.indirect.gather [hbm4b:s1+s15], $0x80, s31, s15, $0xb8;
	[tilespmem:$0x1E800] =	vst v63  }
0x5d: {  	_ =	swait.ge [sflag:s21], $0x4000  }
0x5e: {  	[sflag:s21] =	ssyncset.done $0x0  }
0x5f: {  	[sflag:s21] =	ssyncadd.s32 $0xFFFFC000  }
0x60: {  	[tilespmem:s17], [sflag:$0x2] =	stream.indirect.gather [hbm4b:s1+s15], $0x80, s22, s15, $0xb8;
	[tilespmem:$0x1E800] =	vst v63  }
0x61: {  	_ =	swait.ge [sflag:s18], $0x4000  }
0x62: {  	[sflag:s18] =	ssyncset.done $0x0  }
0x63: {  	[sflag:s18] =	ssyncadd.s32 $0xFFFFC000  }
0x64: {  	[spmem:s2] =	stream.indirect.scatter.add.f32 [tilespmem:s16], [sflag:$0x3], $0x80, s23, s15, $0xb8;
	[tilespmem:$0x1E800] =	vst v63  }
0x65: {  	_ =	swait.ge [sflag:s19], $0x4000  }
0x66: {  	[sflag:s19] =	ssyncset.done $0x0  }
0x67: {  	[sflag:s19] =	ssyncadd.s32 $0xFFFFC000  }
0x68: {  	[spmem:s2] =	stream.indirect.scatter.add.f32 [tilespmem:s17], [sflag:$0x4], $0x80, s24, s15, $0xb8;
	[tilespmem:$0x1E800] =	vst v63  }
0x69: {  	_ =	swait.ge [sflag:s20], $0x4000  }
0x6a: {  	[sflag:s20] =	ssyncset.done $0x0  }
0x6b: {  	[sflag:s20] =	ssyncadd.s32 $0xFFFFC000  }
0x6c: {  	_ =	swait.ge [sflag:s21], $0x4000  }
0x6d: {  	[sflag:s21] =	ssyncset.done $0x0  }
0x6e: {  	s26 =	simm.s32 $0x0;
	[sflag:s21] =	ssyncadd.s32 $0xFFFFC000  }
0x6f: {  	[tilespmem:s26], [sflag:$0x5] =	stream.linear.gather [hbm4b:s8+s26], $0x1400, $0x38;
	[tilespmem:$0x1E800] =	vst v63  }
0x70: {  	_ =	swait.ge [sflag:s13], $0x1400  }
0x71: {  	[sflag:s13] =	ssyncset.done $0x0  }
0x72: {  	[sflag:s13] =	ssyncadd.s32 $0xFFFFEC00  }
0x73: {  	[tilespmem:s14], [sflag:$0x5] =	stream.linear.gather [hbm4b:s9+s26], $0x1400, $0x38;
	[tilespmem:$0x1E800] =	vst v63  }
0x74: {  	_ =	swait.ge [sflag:s13], $0x1400  }
0x75: {  	[sflag:s13] =	ssyncset.done $0x0  }
0x76: {  	[sflag:s13] =	ssyncadd.s32 $0xFFFFEC00  }
0x77: {  	[tilespmem:s16], [sflag:$0x1] =	stream.indirect.gather [hbm4b:s1+s15], $0x80, s26, s15, $0xb8;
	[tilespmem:$0x1E800] =	vst v63  }
0x78: {  	s28 =	simm.s32 $0x80  }
0x79: {  	[tilespmem:s17], [sflag:$0x2] =	stream.indirect.gather [hbm4b:s1+s15], $0x80, s28, s15, $0xb8;
	[tilespmem:$0x1E800] =	vst v63  }
0x7a: {  	_ =	swait.ge [sflag:s18], $0x4000  }
0x7b: {  	[sflag:s18] =	ssyncset.done $0x0  }
0x7c: {  	s29 =	simm.s32 $0x1400;
	[sflag:s18] =	ssyncadd.s32 $0xFFFFC000  }
0x7d: {  	[spmem:s2] =	stream.indirect.scatter.add.f32 [tilespmem:s16], [sflag:$0x3], $0x80, s29, s15, $0xb8;
	[tilespmem:$0x1E800] =	vst v63  }
0x7e: {  	_ =	swait.ge [sflag:s19], $0x4000  }
0x7f: {  	[sflag:s19] =	ssyncset.done $0x0  }
0x80: {  	s30 =	simm.s32 $0x1480;
	[sflag:s19] =	ssyncadd.s32 $0xFFFFC000  }
0x81: {  	[spmem:s2] =	stream.indirect.scatter.add.f32 [tilespmem:s17], [sflag:$0x4], $0x80, s30, s15, $0xb8;
	[tilespmem:$0x1E800] =	vst v63  }
0x82: {  	_ =	swait.ge [sflag:s20], $0x4000  }
0x83: {  	[sflag:s20] =	ssyncset.done $0x0  }
0x84: {  	s31 =	simm.s32 $0x100;
	[sflag:s20] =	ssyncadd.s32 $0xFFFFC000  }
0x85: {  	[tilespmem:s16], [sflag:$0x1] =	stream.indirect.gather [hbm4b:s1+s15], $0x80, s31, s15, $0xb8;
	[tilespmem:$0x1E800] =	vst v63  }
0x86: {  	_ =	swait.ge [sflag:s21], $0x4000  }
0x87: {  	s25 =	simm.s32 $0x100;
	s26 =	simm.s32 $0x800;
	[sflag:s21] =	ssyncset.done $0x0  }
.LBB2_8:
0x88: {  	s28 =	sadd.s32 $0x80, s25  }
0x89: {  	[sflag:s21] =	ssyncadd.s32 $0xFFFFC000;
	s29 =	smov.u32 s26;
	s30 =	sadd.s32 $0x400, s26  }
0x8a: {  	[tilespmem:s17], [sflag:$0x2] =	stream.indirect.gather [hbm4b:s1+s15], $0x80, s28, s15, $0xb8;
	[tilespmem:$0x1E800] =	vst v63  }
0x8b: {  	p0 =	sne.s32 s26, $0x4800;
	_ =	swait.ge [sflag:s18], $0x4000  }
0x8c: {  	[sflag:s18] =	ssyncset.done $0x0  }
0x8d: {  	s26 =	sadd.s32 $0x1400, s25;
	[sflag:s18] =	ssyncadd.s32 $0xFFFFC000  }
0x8e: {  	[spmem:s2] =	stream.indirect.scatter.add.f32 [tilespmem:s16], [sflag:$0x3], $0x80, s26, s15, $0xb8;
	[tilespmem:$0x1E800] =	vst v63  }
0x8f: {  	_ =	swait.ge [sflag:s19], $0x4000  }
0x90: {  	[sflag:s19] =	ssyncset.done $0x0  }
0x91: {  	s26 =	sadd.s32 $0x1480, s25;
	[sflag:s19] =	ssyncadd.s32 $0xFFFFC000  }
0x92: {  	[spmem:s2] =	stream.indirect.scatter.add.f32 [tilespmem:s17], [sflag:$0x4], $0x80, s26, s15, $0xb8;
	[tilespmem:$0x1E800] =	vst v63  }
0x93: {  	_ =	swait.ge [sflag:s20], $0x4000  }
.Ltmp3:
0x94: {  	[sflag:s20] =	ssyncset.done $0x0;
	(pc) =	sbr.rel @p0 .LBB2_8-.Ltmp3, $4  }
0x95: {  	s25 =	sadd.s32 $0x100, s25;
	[sflag:s20] =	ssyncadd.s32 $0xFFFFC000  }
0x96: {  	[tilespmem:s16], [sflag:$0x1] =	stream.indirect.gather [hbm4b:s1+s15], $0x80, s25, s15, $0xb8;
	[tilespmem:$0x1E800] =	vst v63  }
0x97: {  	_ =	swait.ge [sflag:s21], $0x4000  }
0x98: {  	s26 =	smov.u32 s30;
	s25 =	sshra.s32 s29, $0x2;
	[sflag:s21] =	ssyncset.done $0x0  }
0x99: {  	s26 =	sadd.s32 $0x80, s25;
	[sflag:s21] =	ssyncadd.s32 $0xFFFFC000  }
0x9a: {  	[tilespmem:s17], [sflag:$0x2] =	stream.indirect.gather [hbm4b:s1+s15], $0x80, s26, s15, $0xb8;
	[tilespmem:$0x1E800] =	vst v63  }
0x9b: {  	_ =	swait.ge [sflag:s18], $0x4000  }
0x9c: {  	[sflag:s18] =	ssyncset.done $0x0  }
0x9d: {  	s31 =	sadd.s32 $0x1400, s25;
	[sflag:s18] =	ssyncadd.s32 $0xFFFFC000  }
0x9e: {  	[spmem:s2] =	stream.indirect.scatter.add.f32 [tilespmem:s16], [sflag:$0x3], $0x80, s31, s15, $0xb8;
	[tilespmem:$0x1E800] =	vst v63  }
0x9f: {  	_ =	swait.ge [sflag:s19], $0x4000  }
0xa0: {  	[sflag:s19] =	ssyncset.done $0x0  }
0xa1: {  	s28 =	sadd.s32 $0x1480, s25;
	[sflag:s19] =	ssyncadd.s32 $0xFFFFC000  }
0xa2: {  	[spmem:s2] =	stream.indirect.scatter.add.f32 [tilespmem:s17], [sflag:$0x4], $0x80, s28, s15, $0xb8;
	[tilespmem:$0x1E800] =	vst v63  }
0xa3: {  	_ =	swait.ge [sflag:s20], $0x4000  }
0xa4: {  	[sflag:s20] =	ssyncset.done $0x0  }
0xa5: {  	s29 =	sadd.s32 $0x100, s25;
	[sflag:s20] =	ssyncadd.s32 $0xFFFFC000  }
0xa6: {  	[tilespmem:s16], [sflag:$0x1] =	stream.indirect.gather [hbm4b:s1+s15], $0x80, s29, s15, $0xb8;
	[tilespmem:$0x1E800] =	vst v63  }
0xa7: {  	_ =	swait.ge [sflag:s21], $0x4000  }
0xa8: {  	[sflag:s21] =	ssyncset.done $0x0  }
0xa9: {  	[sflag:s21] =	ssyncadd.s32 $0xFFFFC000  }
0xaa: {  	[tilespmem:s17], [sflag:$0x2] =	stream.indirect.gather [hbm4b:s1+s15], $0x80, s22, s15, $0xb8;
	[tilespmem:$0x1E800] =	vst v63  }
0xab: {  	_ =	swait.ge [sflag:s18], $0x4000  }
0xac: {  	[sflag:s18] =	ssyncset.done $0x0  }
0xad: {  	[sflag:s18] =	ssyncadd.s32 $0xFFFFC000  }
0xae: {  	[spmem:s2] =	stream.indirect.scatter.add.f32 [tilespmem:s16], [sflag:$0x3], $0x80, s23, s15, $0xb8;
	[tilespmem:$0x1E800] =	vst v63  }
0xaf: {  	_ =	swait.ge [sflag:s19], $0x4000  }
0xb0: {  	[sflag:s19] =	ssyncset.done $0x0  }
0xb1: {  	[sflag:s19] =	ssyncadd.s32 $0xFFFFC000  }
0xb2: {  	[spmem:s2] =	stream.indirect.scatter.add.f32 [tilespmem:s17], [sflag:$0x4], $0x80, s24, s15, $0xb8;
	[tilespmem:$0x1E800] =	vst v63  }
0xb3: {  	_ =	swait.ge [sflag:s20], $0x4000  }
0xb4: {  	[sflag:s20] =	ssyncset.done $0x0  }
0xb5: {  	[sflag:s20] =	ssyncadd.s32 $0xFFFFC000  }
0xb6: {  	_ =	swait.ge [sflag:s21], $0x4000  }
0xb7: {  	s30 =	sshll.u32 s3, $0x6;
	s4 =	sadd.s32 $0x1, s4;
	[sflag:s21] =	ssyncset.done $0x0  }
0xb8: {  	s25 =	sor.u32 $0x1C05, s30;
	p0 =	sne.s32 s4, s11;
	[sflag:s21] =	ssyncadd.s32 $0xFFFFC000  }
.Ltmp4:
0xb9: {  	s31 =	sshrl.u32 s5, $0x3;
	[bflag:$0x0] =	sbarrier.arrive $0xFFFF;
	(pc) =	sbr.rel @p0 .LBB2_1-.Ltmp4, $4  }
0xba: {  	[hbm:s10], [sflag:s25] =	dma.local [spmem:s31], $0x2780  }
0xbb: {  	_ =	swait.ge [sflag:s13], $0x2780  }
0xbc: {  	[sflag:s13] =	ssyncset.done $0x0  }
0xbd: {  	[sflag:s13] =	ssyncadd.s32 $0xFFFFD880  }
0xbe: {  	_ =	sfence.sel $0x180000  }
0xbf: {  	[bflag:$0x0] =	sbarrier.arrive $0xFFFF  }
0xc0: {  	p0 =	sne.s32 s3, $0x0;
	_ =	strace $0x9000004A  }
0xc1: {  	s0 =	sadd.s32 @!p0 $0x100000, s0;
	[bflag:$0x2] =	sbarrier.arrive $0xFFFF  }
0xc2: {  	[sflag:s0] =	ssyncadd.tile.s32 @!p0 $0x1;
	_ =	shalt  }
.Lfunc_end2:
_tile_overlayer_lowered:
.L_overlay_start_2:
0xc3: {  	(tag) =	ssettag $0x2  }
0xc4: {  	s0 =	rddreg [dreg:$0x0];
	s2 =	stileid.u32  }
0xc5: {  	s1 =	rddreg [dreg:$0x1];
	p0 =	sne.s32 s2, $0x0  }
0xc6: {  	s3 =	rddreg [dreg:$0x2];
	[bflag:$0x3] =	sbarrier.arrive $0xFFFF;
	s2 =	simm.s32 @!p0 $0x1C05  }
0xc7: {  	[timem:s3], [sflag:s2] =	dma.local @!p0 [hbm:s0], s1  }
0xc8: {  	s0 =	simm.s32 @!p0 $0x5  }
0xc9: {  	_ =	swait.ge @!p0 [sflag:s0], s1  }
0xca: {  	s1 =	ssub.s32 @!p0 $0x0, s1;
	[sflag:s0] =	ssyncset.done @!p0 $0x0  }
0xcb: {  	[sflag:s0] =	ssyncadd.s32 @!p0 s1  }
0xcc: {  	[bflag:$0x3] =	sbarrier.arrive $0xFFFF  }
0xcd: {  	_ =	shalt  }

// kernel: kernel.15.cloned.1.call-start
scs
__scs_entry_jumppad:
0x0: {  	(pc) =	sbr.rel $0x88, $3  }
0x1: {  	(tag) =	ssettag $0x0;
	lr =	simm.s32 $0x1  }
0x2: {  	[smem:$0x3F8E] =	sst lr;
	_ =	strace $0xD0000000  }
0x3: {  	_ = 	snop  }
0x4: {  	_ = 	snop  }
0x5: {  	_ = 	snop  }
0x6: {  	_ = 	snop  }
0x7: {  	_ = 	snop  }
__scs_overlays_trampoline_lowered:
0x8: {  	[smem:$0x3F9D] =	sst s0  }
0x9: {  	[smem:$0x3F9E] =	sst s1  }
0xa: {  	[smem:$0x3F9F] =	sst s2  }
0xb: {  	[smem:$0x3FA0] =	sst s3  }
0xc: {  	[smem:$0x3FA1] =	sst s4  }
0xd: {  	[smem:$0x3FA2] =	sst s5  }
0xe: {  	[smem:$0x3FA3] =	sst s6  }
0xf: {  	[smem:$0x3FA4] =	sst s7  }
0x10: {  	[smem:$0x3FA5] =	sst s8  }
0x11: {  	[smem:$0x3FA6] =	sst s9;
	s0 =	simm.s32 @!p0 $0x0  }
0x12: {  	s1 =	sld [smem:$0x3F8C];
	s0 =	simm.s32 @p0 $0x1  }
0x13: {  	[smem:$0x3FA7] =	sst s0;
	s0 =	simm.s32 @!p1 $0x0  }
0x14: {  	s2 =	sld [smem:$0x3F8B];
	s0 =	simm.s32 @p1 $0x1  }
0x15: {  	[smem:$0x3FA8] =	sst s0;
	s0 =	simm.s32 @!p2 $0x0  }
0x16: {  	s3 =	sld [smem:$0x3FDB];
	s0 =	simm.s32 @p2 $0x1  }
0x17: {  	s4 =	simm.s32 $0x1BF5;
	[smem:$0x3FAA] =	sst s0  }
0x18: {  	s0 =	sld [smem:$0x3F8D];
	_ =	swait.ge [sflag:s4], $0x0  }
0x19: {  	s7 =	sld [smem:$0x3F8E]  }
0x1a: {  	s8 =	sadd.s32 $0xFFFFE003, lr  }
0x1b: {  	s9 =	sadd.s32 $0xFFFFFEF7, lr;
	s5 =	simm.s32 $0xFFFFFFFF;
	p2 =	slt.u32 s8, $0xFFFFF086  }
0x1c: {  	p1 =	slt.u32 s9, $0xF7A;
	s5 =	simm.s32 @!p2 $0x0  }
0x1d: {  	s5 =	simm.s32 @p1 $0x1;
	p0 =	seq.s32 s7, s2  }
0x1e: {  	s7 =	smul.u32 @!p0 $0xF7A, s2;
	p2 =	seq.s32 @!p0 s5, $0x0  }
0x1f: {  	s9 =	smul.u32 $0xF7A, s1;
	s8 =	simm.s32 @!p0 $0x1BF5;
	p2 =	por !p2, p0  }
0x20: {  	[sflag:s8] =	ssyncset.s32 @!p0 $0xFFFFF086;
	s6 =	sadd.s32 @!p0 s3, s7;
	s7 =	simm.s32 @!p0 $0x108  }
0x21: {  	s3 =	sadd.s32 s3, s9;
	s6 =	sadd.s32 @!p0 $0x88, s6;
	s7 =	simm.s32 @p2 $0x1082  }
0x22: {  	[simem:s7], [sflag:s8] =	dma.local @!p0 [hbm:s6], $0xF7A  }
0x23: {  	s9 =	sor.u32 $0xD0000000, s2;
	s6 =	simm.s32 $0x108;
	_ =	swait.ge @!p0 [sflag:s8], $0x0  }
0x24: {  	s3 =	sadd.s32 $0x88, s3;
	s6 =	simm.s32 @!p1 $0x1082;
	[sflag:s4] =	ssyncset.s32 $0xFFFFF086  }
0x25: {  	[simem:s6], [sflag:s4] =	dma.local [hbm:s3], $0xF7A  }
0x26: {  	[smem:$0x3F8E] =	sst s1;
	(tag) =	ssettag s2;
	_ =	strace s9  }
0x27: {  	s1 =	sld [smem:$0x3F9E]  }
0x28: {  	s2 =	sld [smem:$0x3F9F]  }
0x29: {  	s4 =	sld [smem:$0x3FA1]  }
0x2a: {  	p0 =	seq.s32 s5, $0x0;
	s5 =	sld [smem:$0x3FA2]  }
0x2b: {  	s6 =	sld [smem:$0x3FA3]  }
0x2c: {  	s7 =	sld [smem:$0x3FA4]  }
0x2d: {  	s3 =	simm.s32 $0x108;
	s8 =	sld [smem:$0x3FA5]  }
0x2e: {  	s3 =	simm.s32 @!p0 $0x1082;
	s9 =	sld [smem:$0x3FA6]  }
0x2f: {  	lr =	sadd.s32 s0, s3;
	s0 =	sld [smem:$0x3F9D]  }
0x30: {  	s3 =	sld [smem:$0x3FA0]  }
0x31: {  	[smem:$0x3FA9] =	sst s10  }
0x32: {  	s10 =	sld [smem:$0x3FA7];
	_ =	sdelay $0x3  }
0x33: {  	p0 =	seq.s32 s10, $0x1;
	s10 =	sld [smem:$0x3FA9];
	_ =	sdelay $0x3  }
0x34: {  	[smem:$0x3FA9] =	sst s10  }
0x35: {  	s10 =	sld [smem:$0x3FA8];
	_ =	sdelay $0x3  }
0x36: {  	p1 =	seq.s32 s10, $0x1;
	s10 =	sld [smem:$0x3FA9];
	_ =	sdelay $0x3  }
0x37: {  	[smem:$0x3FA9] =	sst s10  }
0x38: {  	s10 =	sld [smem:$0x3FAA]  }
0x39: {  	_ = 	snop;
	(pc) =	sbr.ind lr, $3  }
0x3a: {  	_ = 	snop  }
0x3b: {  	_ = 	snop  }
0x3c: {  	p2 =	seq.s32 s10, $0x1;
	s10 =	sld [smem:$0x3FA9]  }
0x3d: {  	_ =	shalt  }
0x3e: {  	_ =	shalt  }
0x3f: {  	_ =	shalt  }
0x40: {  	_ =	shalt  }
0x41: {  	_ =	shalt  }
0x42: {  	_ =	shalt  }
0x43: {  	_ =	shalt  }
0x44: {  	_ =	shalt  }
0x45: {  	_ =	shalt  }
0x46: {  	_ =	shalt  }
0x47: {  	_ =	shalt  }
0x48: {  	_ =	shalt  }
0x49: {  	_ =	shalt  }
0x4a: {  	_ =	shalt  }
0x4b: {  	_ =	shalt  }
0x4c: {  	_ =	shalt  }
0x4d: {  	_ =	shalt  }
0x4e: {  	_ =	shalt  }
0x4f: {  	_ =	shalt  }
0x50: {  	_ =	shalt  }
0x51: {  	_ =	shalt  }
0x52: {  	_ =	shalt  }
0x53: {  	_ =	shalt  }
0x54: {  	_ =	shalt  }
0x55: {  	_ =	shalt  }
0x56: {  	_ =	shalt  }
0x57: {  	_ =	shalt  }
0x58: {  	_ =	shalt  }
0x59: {  	_ =	shalt  }
0x5a: {  	_ =	shalt  }
0x5b: {  	_ =	shalt  }
0x5c: {  	_ =	shalt  }
0x5d: {  	_ =	shalt  }
0x5e: {  	_ =	shalt  }
0x5f: {  	_ =	shalt  }
0x60: {  	_ =	shalt  }
0x61: {  	_ =	shalt  }
0x62: {  	_ =	shalt  }
0x63: {  	_ =	shalt  }
0x64: {  	_ =	shalt  }
0x65: {  	_ =	shalt  }
0x66: {  	_ =	shalt  }
0x67: {  	_ =	shalt  }
0x68: {  	_ =	shalt  }
0x69: {  	_ =	shalt  }
0x6a: {  	_ =	shalt  }
0x6b: {  	_ =	shalt  }
0x6c: {  	_ =	shalt  }
0x6d: {  	_ =	shalt  }
0x6e: {  	_ =	shalt  }
0x6f: {  	_ =	shalt  }
0x70: {  	_ =	shalt  }
0x71: {  	_ =	shalt  }
0x72: {  	_ =	shalt  }
0x73: {  	_ =	shalt  }
0x74: {  	_ =	shalt  }
0x75: {  	_ =	shalt  }
0x76: {  	_ =	shalt  }
0x77: {  	_ =	shalt  }
0x78: {  	_ =	shalt  }
0x79: {  	_ =	shalt  }
0x7a: {  	_ =	shalt  }
0x7b: {  	_ =	shalt  }
0x7c: {  	_ =	shalt  }
0x7d: {  	_ =	shalt  }
0x7e: {  	_ =	shalt  }
0x7f: {  	_ =	shalt  }
0x80: {  	_ =	shalt  }
0x81: {  	_ =	shalt  }
0x82: {  	_ =	shalt  }
0x83: {  	_ =	shalt  }
0x84: {  	_ =	shalt  }
0x85: {  	_ =	shalt  }
0x86: {  	_ =	shalt  }
0x87: {  	_ =	shalt  }
.Lfunc_end0:
.L_simem_size_0:
called_computation.1_lowered:
.L_overlay_start_0:
0x88: {  	s2 =	sld [smem:$0x3FD9]  }
0x89: {  	s3 =	sld [smem:$0x3FFE];
	_ =	sdelay $0x1  }
0x8a: {  	s1 =	srdreg.scid  }
0x8b: {  	s0 =	sand.u32 $0x1, s1  }
0x8c: {  	s17 =	sshll.u32 s0, $0xA;
	s2 =	sadd.s32 s3, s2  }
0x8d: {  	s2 =	sadd.s32 s2, s17  }
0x8e: {  	[smem:$0x3FB5] =	sst s2  }
0x8f: {  	_ = 	snop  }
0x90: {  	(tm) =	ssettm $0x1  }
0x91: {  	s18 =	sld [smem:$0x3FFB];
	_ =	sdelay $0x3  }
0x92: {  	_ =	strace s18  }
0x93: {  	s2 =	sld [smem:$0x3FFC];
	_ =	sdelay $0x3  }
0x94: {  	_ =	strace s2  }
0x95: {  	s2 =	sld [smem:$0x3FFD];
	_ =	sdelay $0x3  }
0x96: {  	_ =	strace s2  }
0x97: {  	_ =	strace $0x8FFFFFFF  }
0x98: {  	s19 =	sld [smem:$0x3FDB];
	_ =	sdelay $0x1  }
0x99: {  	s20 =	simm.s32 $_scs_section_size  }
0x9a: {  	s4 =	simm.s32 $_size__tile_overlayer_lowered;
	s5 =	simm.s32 $_tile_overlayer_lowered  }
0x9b: {  	s6 =	simm.s32 $0x1BFF;
	s21 =	sshll.u32 s5, $0x1;
	s3 =	sadd.s32 s20, s19  }
0x9c: {  	s22 =	simm.s32 $0x0;
	s4 =	sshll.u32 s4, $0x1;
	s5 =	sadd.s32 s21, s3  }
0x9d: {  	[timem:s22], [sflag:s6] =	dma.local [hbm:s5], s4  }
0x9e: {  	_ =	swait.ge [sflag:s6], s4  }
0x9f: {  	s4 =	ssub.s32 $0x0, s4;
	[sflag:s6] =	ssyncset.done $0x0  }
0xa0: {  	[sflag:s6] =	ssyncadd.s32 s4;
	_ =	sdelay $0x1  }
0xa1: {  	s23 =	simm.s32 $0x1B8B  }
0xa2: {  	_ =	swait.ge [sflag:s23], $0x1  }
0xa3: {  	[sflag:s23] =	ssyncset.done $0x0  }
0xa4: {  	[sflag:s23] =	ssyncadd.s32 $0xFFFFFFFF  }
0xa5: {  	s4 =	sld [smem:$0x0]  }
0xa6: {  	s5 =	sand.u32 $0xFFFFFFFE, s1  }
0xa7: {  	p0 =	sne.s32 s1, s5  }
0xa8: {  	s5 =	sshll.u32 @p0 s5, $0xE  }
0xa9: {  	s5 =	sadd.s32 @p0 $0x11B8D, s5;
	s6 =	sshll.u32 @p0 s4, $0x11  }
0xaa: {  	s5 =	sor.u32 @p0 s6, s5  }
0xab: {  	[sflag:s5] =	ssyncadd.remote.s32 @p0 $0x1;
	_ =	sdelay $0x1  }
0xac: {  	s5 =	simm.s32 @p0 $0x1B8D  }
0xad: {  	_ =	swait.eq @p0 [sflag:s5], $0x1  }
0xae: {  	[sflag:s5] =	ssyncadd.s32 @p0 $0xFFFFFFFF  }
0xaf: {  	s6 =	sshll.u32 @!p0 s1, $0xE  }
0xb0: {  	s6 =	sor.u32 @!p0 $0x4000, s6;
	s5 =	simm.s32 @!p0 $0x1B8D  }
0xb1: {  	s4 =	sshll.u32 @!p0 s4, $0x11;
	s6 =	sadd.s32 @!p0 $0x11B8D, s6;
	_ =	swait.eq @!p0 [sflag:s5], $0x1  }
0xb2: {  	s4 =	sor.u32 @!p0 s4, s6;
	[sflag:s5] =	ssyncadd.s32 @!p0 $0xFFFFFFFF  }
0xb3: {  	s25 =	simm.s32 $0x1B8E;
	s24 =	sld [smem:$0x3FFE];
	[sflag:s4] =	ssyncadd.remote.s32 @!p0 $0x1  }
0xb4: {  	s26 =	simm.s32 $execute0_lowered;
	[smem:$0x3FD2] =	sst s25  }
0xb5: {  	s5 =	sshll.u32 s26, $0x1;
	_ =	strace $0x8000004F;
	[dreg:$0x1] =	wrdreg $0xFFFFFFFF  }
0xb6: {  	s28 =	simm.s32 $_size_execute0_lowered;
	s3 =	sadd.s32 s3, s5;
	[dreg:$0x0] =	wrdreg $0x0  }
0xb7: {  	s5 =	sshll.u32 s28, $0x1;
	[dreg:$0x2] =	wrdreg s3  }
0xb8: {  	[dreg:$0x3] =	wrdreg s5  }
0xb9: {  	[dreg:$0x4] =	wrdreg $0xC0  }
0xba: {  	_ =	task [dreg:s22], $0x5FFFF  }
0xbb: {  	[dreg:$0x1] =	wrdreg $0xFFFFFFFF  }
0xbc: {  	[dreg:$0x0] =	wrdreg $0x60  }
0xbd: {  	[dreg:$0x2] =	wrdreg s24  }
0xbe: {  	[dreg:$0x3] =	wrdreg $0xAC000  }
0xbf: {  	[dreg:$0x4] =	wrdreg $0x9  }
0xc0: {  	_ =	task.clear_ibuf [dreg:s22], $0x5FFFF;
	_ =	strace $0x9000004F  }
0xc1: {  	s29 =	simm.s32 $0x9;
	_ =	strace $0x80000051  }
0xc2: {  	_ =	swait.ge [sflag:s29], $0x1  }
0xc3: {  	[sflag:s29] =	ssyncadd.s32 $0xFFFFFFFF  }
0xc4: {  	_ =	strace $0x90000051  }
0xc5: {  	_ =	sfence  }
0xc6: {  	s30 =	sld [smem:$0x0];
	_ =	sdelay $0x2  }
0xc7: {  	s31 =	sshll.u32 s1, $0xD;
	s1 =	sshrl.u32 s1, $0x2  }
0xc8: {  	s4 =	sand.u32 $0x4000, s31;
	s1 =	sadd.s32 s1, s30  }
0xc9: {  	s0 =	sor.u32 s4, s0;
	s1 =	sshll.u32 s1, $0x11  }
0xca: {  	s0 =	sor.u32 s1, s0  }
0xcb: {  	s0 =	sadd.s32 $0x8F2B, s0  }
0xcc: {  	[sflag:s0] =	ssyncadd.remote.s32 $0x1  }
0xcd: {  	_ =	sfence.sel $0xFFFF  }
0xce: {  	[dreg:$0x0] =	wrdreg $0xFFFFFFFF;
	(pc) =	sbr.abs _section_cstart, $3  }
0xcf: {  	[dreg:$0x1] =	wrdreg $0xFFFFFFFF  }
0xd0: {  	_ =	task.clear_ibuf [dreg:s22], $0x2FFFF;
	_ =	strace $0x9FFFFFFF  }
0xd1: {  	(tm) =	ssettm $0x7FFFFFFF  }
tec
execute0_lowered:
.L_overlay_start_1:
0x0: {  	(tag) =	ssettag $0x1  }
0x1: {  	s5 =	rddreg [dreg:$0x0]  }
0x2: {  	s1 =	rddreg [dreg:$0x1]  }
0x3: {  	s0 =	rddreg [dreg:$0x2];
	s3 =	simm.s32 $0x0;
	s2 =	srdreg.scid  }
0x4: {  	s14 =	simm.s32 $0x1400;
	s15 =	simm.s32 $0x80;
	s16 =	simm.s32 $0x2800  }
0x5: {  	s17 =	simm.s32 $0x6800;
	s18 =	simm.s32 $0x1;
	s19 =	simm.s32 $0x2  }
0x6: {  	s20 =	simm.s32 $0x3;
	s21 =	simm.s32 $0x4;
	s22 =	simm.s32 $0x1380  }
0x7: {  	s23 =	simm.s32 $0x2700;
	s24 =	simm.s32 $0x2780;
	[smem:$0x7FF] =	sst s3  }
0x8: {  	s6 =	sand.u32 $0x1, s2;
	s2 =	stileid.u32;
	s4 =	sadd.s32 $0x40000, s5  }
0x9: {  	s9 =	sadd.s32 $0x4E00, s5;
	s11 =	sadd.s32 $0xEE00, s5;
	s7 =	smul.u32 $0x13C000, s6  }
0xa: {  	_ =	strace $0x80000050;
	s8 =	smul.u32 $0x13C00, s2;
	s10 =	sshll.u32 s2, $0x1  }
0xb: {  	s26 =	smul.u32 $0x4F000, s2;
	s25 =	sor.u32 s6, s10;
	s6 =	ssub.s32 $0x2, s6  }
0xc: {  	s7 =	sadd.s32 s8, s7;
	s8 =	smul.u32 $0x2800, s25;
	s28 =	sshrl.u32 s6, $0x1  }
0xd: {  	s29 =	sshrl.u32 s26, $0x2;
	s7 =	sshrl.u32 s7, $0x3;
	s13 =	ssub.s32 s6, s28  }
0xe: {  	s12 =	sadd.s32 s7, s5;
	s30 =	sshrl.u32 s8, $0x3;
	s5 =	sadd.s32 s29, s1  }
0xf: {  	s6 =	sadd.s32 s9, s30;
	s31 =	sadd.s32 $0x280, s30;
	s7 =	sadd.s32 s11, s30  }
0x10: {  	s10 =	sadd.s32 $0x67200, s12;
	s12 =	simm.s32 $0xA800;
	s8 =	sadd.s32 s9, s31  }
0x11: {  	v0 =	vimm.f32 $0.0e+00;
	s9 =	sadd.s32 s11, s31;
	s11 =	smax.u32 s13, $0x1;
	s13 =	simm.s32 $0x5  }
.LBB2_1:
0x12: {  	s25 =	simm.s32 $0x0;
	s26 =	simm.s32 $0x0  }
.LBB2_2:
0x13: {  	p0 =	sne.s32 s26, $0xFC0  }
.Ltmp0:
0x14: {  	_ = 	snop;
	(pc) =	sbr.rel @p0 .LBB2_2-.Ltmp0, $4  }
0x15: {  	s28 =	sand.u32 $0xE00, s26  }
0x16: {  	s29 =	sand.u32 $0x70, s25;
	s28 =	sshrl.u32 s28, $0x2  }
0x17: {  	s28 =	sor.u32 s29, s28  }
0x18: {  	s25 =	sadd.s32 $0x10, s25;
	s26 =	sadd.s32 $0x40, s26;
	[tilespmem:s28+$0xA800] =	vst v0  }
0x19: {  	s25 =	sadd.s32 $0x0, s5  }
0x1a: {  	[spmem:s25] =	stream.linear.scatter [tilespmem:s12], [sflag:$0x5], $0x400, $0x38;
	[tilespmem:$0x1E800] =	vst v63  }
0x1b: {  	s25 =	simm.s32 $0x1000;
	_ =	swait.ge [sflag:s13], $0x400  }
.LBB2_4:
0x1c: {  	s26 =	sshra.s32 s25, $0x2;
	[sflag:s13] =	ssyncset.done $0x0;
	p0 =	sne.s32 s25, $0x4E000  }
.Ltmp1:
0x1d: {  	s26 =	sadd.s32 s26, s5;
	[sflag:s13] =	ssyncadd.s32 $0xFFFFFC00;
	(pc) =	sbr.rel @p0 .LBB2_4-.Ltmp1, $3  }
0x1e: {  	[spmem:s26] =	stream.linear.scatter [tilespmem:s12], [sflag:$0x5], $0x400, $0x38;
	[tilespmem:$0x1E800] =	vst v63  }
0x1f: {  	s25 =	sadd.s32 $0x1000, s25;
	_ =	sdelay $0x1  }
0x20: {  	_ =	swait.ge [sflag:s13], $0x400  }
0x21: {  	[sflag:s13] =	ssyncset.done $0x0  }
0x22: {  	[sflag:s13] =	ssyncadd.s32 $0xFFFFFC00  }
0x23: {  	s25 =	simm.s32 $0x0;
	[bflag:$0x0] =	sbarrier.arrive $0xFFFF  }
0x24: {  	[tilespmem:s25], [sflag:$0x5] =	stream.linear.gather [hbm4b:s6+s25], $0x1400, $0x38;
	[tilespmem:$0x1E800] =	vst v63  }
0x25: {  	_ =	swait.ge [sflag:s13], $0x1400  }
0x26: {  	[sflag:s13] =	ssyncset.done $0x0  }
0x27: {  	[sflag:s13] =	ssyncadd.s32 $0xFFFFEC00  }
0x28: {  	[tilespmem:s14], [sflag:$0x5] =	stream.linear.gather [hbm4b:s7+s25], $0x1400, $0x38;
	[tilespmem:$0x1E800] =	vst v63  }
0x29: {  	_ =	swait.ge [sflag:s13], $0x1400  }
0x2a: {  	[sflag:s13] =	ssyncset.done $0x0  }
0x2b: {  	[sflag:s13] =	ssyncadd.s32 $0xFFFFEC00  }
0x2c: {  	[tilespmem:s16], [sflag:$0x1] =	stream.indirect.gather [hbm4b:s4+s15], $0x80, s25, s15, $0xb8;
	[tilespmem:$0x1E800] =	vst v63  }
0x2d: {  	s28 =	simm.s32 $0x80  }
0x2e: {  	[tilespmem:s17], [sflag:$0x2] =	stream.indirect.gather [hbm4b:s4+s15], $0x80, s28, s15, $0xb8;
	[tilespmem:$0x1E800] =	vst v63  }
0x2f: {  	_ =	swait.ge [sflag:s18], $0x4000  }
0x30: {  	[sflag:s18] =	ssyncset.done $0x0  }
0x31: {  	s29 =	simm.s32 $0x1400;
	[sflag:s18] =	ssyncadd.s32 $0xFFFFC000  }
0x32: {  	[spmem:s1] =	stream.indirect.scatter.add.f32 [tilespmem:s16], [sflag:$0x3], $0x80, s29, s15, $0xb8;
	[tilespmem:$0x1E800] =	vst v63  }
0x33: {  	_ =	swait.ge [sflag:s19], $0x4000  }
0x34: {  	[sflag:s19] =	ssyncset.done $0x0  }
0x35: {  	s30 =	simm.s32 $0x1480;
	[sflag:s19] =	ssyncadd.s32 $0xFFFFC000  }
0x36: {  	[spmem:s1] =	stream.indirect.scatter.add.f32 [tilespmem:s17], [sflag:$0x4], $0x80, s30, s15, $0xb8;
	[tilespmem:$0x1E800] =	vst v63  }
0x37: {  	_ =	swait.ge [sflag:s20], $0x4000  }
0x38: {  	[sflag:s20] =	ssyncset.done $0x0  }
0x39: {  	s31 =	simm.s32 $0x100;
	[sflag:s20] =	ssyncadd.s32 $0xFFFFC000  }
0x3a: {  	[tilespmem:s16], [sflag:$0x1] =	stream.indirect.gather [hbm4b:s4+s15], $0x80, s31, s15, $0xb8;
	[tilespmem:$0x1E800] =	vst v63  }
0x3b: {  	_ =	swait.ge [sflag:s21], $0x4000  }
0x3c: {  	s26 =	simm.s32 $0x800;
	s25 =	simm.s32 $0x100;
	[sflag:s21] =	ssyncset.done $0x0  }
.LBB2_6:
0x3d: {  	s28 =	sadd.s32 $0x80, s25  }
0x3e: {  	[sflag:s21] =	ssyncadd.s32 $0xFFFFC000;
	s29 =	smov.u32 s26;
	s30 =	sadd.s32 $0x400, s26  }
0x3f: {  	[tilespmem:s17], [sflag:$0x2] =	stream.indirect.gather [hbm4b:s4+s15], $0x80, s28, s15, $0xb8;
	[tilespmem:$0x1E800] =	vst v63  }
0x40: {  	p0 =	sne.s32 s26, $0x4800;
	_ =	swait.ge [sflag:s18], $0x4000  }
0x41: {  	[sflag:s18] =	ssyncset.done $0x0  }
0x42: {  	s26 =	sadd.s32 $0x1400, s25;
	[sflag:s18] =	ssyncadd.s32 $0xFFFFC000  }
0x43: {  	[spmem:s1] =	stream.indirect.scatter.add.f32 [tilespmem:s16], [sflag:$0x3], $0x80, s26, s15, $0xb8;
	[tilespmem:$0x1E800] =	vst v63  }
0x44: {  	_ =	swait.ge [sflag:s19], $0x4000  }
0x45: {  	[sflag:s19] =	ssyncset.done $0x0  }
0x46: {  	s26 =	sadd.s32 $0x1480, s25;
	[sflag:s19] =	ssyncadd.s32 $0xFFFFC000  }
0x47: {  	[spmem:s1] =	stream.indirect.scatter.add.f32 [tilespmem:s17], [sflag:$0x4], $0x80, s26, s15, $0xb8;
	[tilespmem:$0x1E800] =	vst v63  }
0x48: {  	_ =	swait.ge [sflag:s20], $0x4000  }
.Ltmp2:
0x49: {  	[sflag:s20] =	ssyncset.done $0x0;
	(pc) =	sbr.rel @p0 .LBB2_6-.Ltmp2, $4  }
0x4a: {  	s25 =	sadd.s32 $0x100, s25;
	[sflag:s20] =	ssyncadd.s32 $0xFFFFC000  }
0x4b: {  	[tilespmem:s16], [sflag:$0x1] =	stream.indirect.gather [hbm4b:s4+s15], $0x80, s25, s15, $0xb8;
	[tilespmem:$0x1E800] =	vst v63  }
0x4c: {  	_ =	swait.ge [sflag:s21], $0x4000  }
0x4d: {  	s26 =	smov.u32 s30;
	s25 =	sshra.s32 s29, $0x2;
	[sflag:s21] =	ssyncset.done $0x0  }
0x4e: {  	s26 =	sadd.s32 $0x80, s25;
	[sflag:s21] =	ssyncadd.s32 $0xFFFFC000  }
0x4f: {  	[tilespmem:s17], [sflag:$0x2] =	stream.indirect.gather [hbm4b:s4+s15], $0x80, s26, s15, $0xb8;
	[tilespmem:$0x1E800] =	vst v63  }
0x50: {  	_ =	swait.ge [sflag:s18], $0x4000  }
0x51: {  	[sflag:s18] =	ssyncset.done $0x0  }
0x52: {  	s29 =	sadd.s32 $0x1400, s25;
	[sflag:s18] =	ssyncadd.s32 $0xFFFFC000  }
0x53: {  	[spmem:s1] =	stream.indirect.scatter.add.f32 [tilespmem:s16], [sflag:$0x3], $0x80, s29, s15, $0xb8;
	[tilespmem:$0x1E800] =	vst v63  }
0x54: {  	_ =	swait.ge [sflag:s19], $0x4000  }
0x55: {  	[sflag:s19] =	ssyncset.done $0x0  }
0x56: {  	s30 =	sadd.s32 $0x1480, s25;
	[sflag:s19] =	ssyncadd.s32 $0xFFFFC000  }
0x57: {  	[spmem:s1] =	stream.indirect.scatter.add.f32 [tilespmem:s17], [sflag:$0x4], $0x80, s30, s15, $0xb8;
	[tilespmem:$0x1E800] =	vst v63  }
0x58: {  	_ =	swait.ge [sflag:s20], $0x4000  }
0x59: {  	[sflag:s20] =	ssyncset.done $0x0  }
0x5a: {  	s31 =	sadd.s32 $0x100, s25;
	[sflag:s20] =	ssyncadd.s32 $0xFFFFC000  }
0x5b: {  	[tilespmem:s16], [sflag:$0x1] =	stream.indirect.gather [hbm4b:s4+s15], $0x80, s31, s15, $0xb8;
	[tilespmem:$0x1E800] =	vst v63  }
0x5c: {  	_ =	swait.ge [sflag:s21], $0x4000  }
0x5d: {  	[sflag:s21] =	ssyncset.done $0x0  }
0x5e: {  	[sflag:s21] =	ssyncadd.s32 $0xFFFFC000  }
0x5f: {  	[tilespmem:s17], [sflag:$0x2] =	stream.indirect.gather [hbm4b:s4+s15], $0x80, s22, s15, $0xb8;
	[tilespmem:$0x1E800] =	vst v63  }
0x60: {  	_ =	swait.ge [sflag:s18], $0x4000  }
0x61: {  	[sflag:s18] =	ssyncset.done $0x0  }
0x62: {  	[sflag:s18] =	ssyncadd.s32 $0xFFFFC000  }
0x63: {  	[spmem:s1] =	stream.indirect.scatter.add.f32 [tilespmem:s16], [sflag:$0x3], $0x80, s23, s15, $0xb8;
	[tilespmem:$0x1E800] =	vst v63  }
0x64: {  	_ =	swait.ge [sflag:s19], $0x4000  }
0x65: {  	[sflag:s19] =	ssyncset.done $0x0  }
0x66: {  	[sflag:s19] =	ssyncadd.s32 $0xFFFFC000  }
0x67: {  	[spmem:s1] =	stream.indirect.scatter.add.f32 [tilespmem:s17], [sflag:$0x4], $0x80, s24, s15, $0xb8;
	[tilespmem:$0x1E800] =	vst v63  }
0x68: {  	_ =	swait.ge [sflag:s20], $0x4000  }
0x69: {  	[sflag:s20] =	ssyncset.done $0x0  }
0x6a: {  	[sflag:s20] =	ssyncadd.s32 $0xFFFFC000  }
0x6b: {  	_ =	swait.ge [sflag:s21], $0x4000  }
0x6c: {  	[sflag:s21] =	ssyncset.done $0x0  }
0x6d: {  	s26 =	simm.s32 $0x0;
	[sflag:s21] =	ssyncadd.s32 $0xFFFFC000  }
0x6e: {  	[tilespmem:s26], [sflag:$0x5] =	stream.linear.gather [hbm4b:s8+s26], $0x1400, $0x38;
	[tilespmem:$0x1E800] =	vst v63  }
0x6f: {  	_ =	swait.ge [sflag:s13], $0x1400  }
0x70: {  	[sflag:s13] =	ssyncset.done $0x0  }
0x71: {  	[sflag:s13] =	ssyncadd.s32 $0xFFFFEC00  }
0x72: {  	[tilespmem:s14], [sflag:$0x5] =	stream.linear.gather [hbm4b:s9+s26], $0x1400, $0x38;
	[tilespmem:$0x1E800] =	vst v63  }
0x73: {  	_ =	swait.ge [sflag:s13], $0x1400  }
0x74: {  	[sflag:s13] =	ssyncset.done $0x0  }
0x75: {  	[sflag:s13] =	ssyncadd.s32 $0xFFFFEC00  }
0x76: {  	[tilespmem:s16], [sflag:$0x1] =	stream.indirect.gather [hbm4b:s4+s15], $0x80, s26, s15, $0xb8;
	[tilespmem:$0x1E800] =	vst v63  }
0x77: {  	s28 =	simm.s32 $0x80  }
0x78: {  	[tilespmem:s17], [sflag:$0x2] =	stream.indirect.gather [hbm4b:s4+s15], $0x80, s28, s15, $0xb8;
	[tilespmem:$0x1E800] =	vst v63  }
0x79: {  	_ =	swait.ge [sflag:s18], $0x4000  }
0x7a: {  	[sflag:s18] =	ssyncset.done $0x0  }
0x7b: {  	s29 =	simm.s32 $0x1400;
	[sflag:s18] =	ssyncadd.s32 $0xFFFFC000  }
0x7c: {  	[spmem:s1] =	stream.indirect.scatter.add.f32 [tilespmem:s16], [sflag:$0x3], $0x80, s29, s15, $0xb8;
	[tilespmem:$0x1E800] =	vst v63  }
0x7d: {  	_ =	swait.ge [sflag:s19], $0x4000  }
0x7e: {  	[sflag:s19] =	ssyncset.done $0x0  }
0x7f: {  	s30 =	simm.s32 $0x1480;
	[sflag:s19] =	ssyncadd.s32 $0xFFFFC000  }
0x80: {  	[spmem:s1] =	stream.indirect.scatter.add.f32 [tilespmem:s17], [sflag:$0x4], $0x80, s30, s15, $0xb8;
	[tilespmem:$0x1E800] =	vst v63  }
0x81: {  	_ =	swait.ge [sflag:s20], $0x4000  }
0x82: {  	[sflag:s20] =	ssyncset.done $0x0  }
0x83: {  	s31 =	simm.s32 $0x100;
	[sflag:s20] =	ssyncadd.s32 $0xFFFFC000  }
0x84: {  	[tilespmem:s16], [sflag:$0x1] =	stream.indirect.gather [hbm4b:s4+s15], $0x80, s31, s15, $0xb8;
	[tilespmem:$0x1E800] =	vst v63  }
0x85: {  	_ =	swait.ge [sflag:s21], $0x4000  }
0x86: {  	s25 =	simm.s32 $0x100;
	s26 =	simm.s32 $0x800;
	[sflag:s21] =	ssyncset.done $0x0  }
.LBB2_8:
0x87: {  	s28 =	sadd.s32 $0x80, s25  }
0x88: {  	[sflag:s21] =	ssyncadd.s32 $0xFFFFC000;
	s29 =	smov.u32 s26;
	s30 =	sadd.s32 $0x400, s26  }
0x89: {  	[tilespmem:s17], [sflag:$0x2] =	stream.indirect.gather [hbm4b:s4+s15], $0x80, s28, s15, $0xb8;
	[tilespmem:$0x1E800] =	vst v63  }
0x8a: {  	p0 =	sne.s32 s26, $0x4800;
	_ =	swait.ge [sflag:s18], $0x4000  }
0x8b: {  	[sflag:s18] =	ssyncset.done $0x0  }
0x8c: {  	s26 =	sadd.s32 $0x1400, s25;
	[sflag:s18] =	ssyncadd.s32 $0xFFFFC000  }
0x8d: {  	[spmem:s1] =	stream.indirect.scatter.add.f32 [tilespmem:s16], [sflag:$0x3], $0x80, s26, s15, $0xb8;
	[tilespmem:$0x1E800] =	vst v63  }
0x8e: {  	_ =	swait.ge [sflag:s19], $0x4000  }
0x8f: {  	[sflag:s19] =	ssyncset.done $0x0  }
0x90: {  	s26 =	sadd.s32 $0x1480, s25;
	[sflag:s19] =	ssyncadd.s32 $0xFFFFC000  }
0x91: {  	[spmem:s1] =	stream.indirect.scatter.add.f32 [tilespmem:s17], [sflag:$0x4], $0x80, s26, s15, $0xb8;
	[tilespmem:$0x1E800] =	vst v63  }
0x92: {  	_ =	swait.ge [sflag:s20], $0x4000  }
.Ltmp3:
0x93: {  	[sflag:s20] =	ssyncset.done $0x0;
	(pc) =	sbr.rel @p0 .LBB2_8-.Ltmp3, $4  }
0x94: {  	s25 =	sadd.s32 $0x100, s25;
	[sflag:s20] =	ssyncadd.s32 $0xFFFFC000  }
0x95: {  	[tilespmem:s16], [sflag:$0x1] =	stream.indirect.gather [hbm4b:s4+s15], $0x80, s25, s15, $0xb8;
	[tilespmem:$0x1E800] =	vst v63  }
0x96: {  	_ =	swait.ge [sflag:s21], $0x4000  }
0x97: {  	s26 =	smov.u32 s30;
	s25 =	sshra.s32 s29, $0x2;
	[sflag:s21] =	ssyncset.done $0x0  }
0x98: {  	s26 =	sadd.s32 $0x80, s25;
	[sflag:s21] =	ssyncadd.s32 $0xFFFFC000  }
0x99: {  	[tilespmem:s17], [sflag:$0x2] =	stream.indirect.gather [hbm4b:s4+s15], $0x80, s26, s15, $0xb8;
	[tilespmem:$0x1E800] =	vst v63  }
0x9a: {  	_ =	swait.ge [sflag:s18], $0x4000  }
0x9b: {  	[sflag:s18] =	ssyncset.done $0x0  }
0x9c: {  	s31 =	sadd.s32 $0x1400, s25;
	[sflag:s18] =	ssyncadd.s32 $0xFFFFC000  }
0x9d: {  	[spmem:s1] =	stream.indirect.scatter.add.f32 [tilespmem:s16], [sflag:$0x3], $0x80, s31, s15, $0xb8;
	[tilespmem:$0x1E800] =	vst v63  }
0x9e: {  	_ =	swait.ge [sflag:s19], $0x4000  }
0x9f: {  	[sflag:s19] =	ssyncset.done $0x0  }
0xa0: {  	s28 =	sadd.s32 $0x1480, s25;
	[sflag:s19] =	ssyncadd.s32 $0xFFFFC000  }
0xa1: {  	[spmem:s1] =	stream.indirect.scatter.add.f32 [tilespmem:s17], [sflag:$0x4], $0x80, s28, s15, $0xb8;
	[tilespmem:$0x1E800] =	vst v63  }
0xa2: {  	_ =	swait.ge [sflag:s20], $0x4000  }
0xa3: {  	[sflag:s20] =	ssyncset.done $0x0  }
0xa4: {  	s29 =	sadd.s32 $0x100, s25;
	[sflag:s20] =	ssyncadd.s32 $0xFFFFC000  }
0xa5: {  	[tilespmem:s16], [sflag:$0x1] =	stream.indirect.gather [hbm4b:s4+s15], $0x80, s29, s15, $0xb8;
	[tilespmem:$0x1E800] =	vst v63  }
0xa6: {  	_ =	swait.ge [sflag:s21], $0x4000  }
0xa7: {  	[sflag:s21] =	ssyncset.done $0x0  }
0xa8: {  	[sflag:s21] =	ssyncadd.s32 $0xFFFFC000  }
0xa9: {  	[tilespmem:s17], [sflag:$0x2] =	stream.indirect.gather [hbm4b:s4+s15], $0x80, s22, s15, $0xb8;
	[tilespmem:$0x1E800] =	vst v63  }
0xaa: {  	_ =	swait.ge [sflag:s18], $0x4000  }
0xab: {  	[sflag:s18] =	ssyncset.done $0x0  }
0xac: {  	[sflag:s18] =	ssyncadd.s32 $0xFFFFC000  }
0xad: {  	[spmem:s1] =	stream.indirect.scatter.add.f32 [tilespmem:s16], [sflag:$0x3], $0x80, s23, s15, $0xb8;
	[tilespmem:$0x1E800] =	vst v63  }
0xae: {  	_ =	swait.ge [sflag:s19], $0x4000  }
0xaf: {  	[sflag:s19] =	ssyncset.done $0x0  }
0xb0: {  	[sflag:s19] =	ssyncadd.s32 $0xFFFFC000  }
0xb1: {  	[spmem:s1] =	stream.indirect.scatter.add.f32 [tilespmem:s17], [sflag:$0x4], $0x80, s24, s15, $0xb8;
	[tilespmem:$0x1E800] =	vst v63  }
0xb2: {  	_ =	swait.ge [sflag:s20], $0x4000  }
0xb3: {  	[sflag:s20] =	ssyncset.done $0x0  }
0xb4: {  	[sflag:s20] =	ssyncadd.s32 $0xFFFFC000  }
0xb5: {  	_ =	swait.ge [sflag:s21], $0x4000  }
0xb6: {  	s30 =	sshll.u32 s2, $0x6;
	s3 =	sadd.s32 $0x1, s3;
	[sflag:s21] =	ssyncset.done $0x0  }
0xb7: {  	s25 =	sor.u32 $0x1C05, s30;
	p0 =	sne.s32 s3, s11;
	[sflag:s21] =	ssyncadd.s32 $0xFFFFC000  }
.Ltmp4:
0xb8: {  	s31 =	sshrl.u32 s5, $0x3;
	[bflag:$0x0] =	sbarrier.arrive $0xFFFF;
	(pc) =	sbr.rel @p0 .LBB2_1-.Ltmp4, $4  }
0xb9: {  	[hbm:s10], [sflag:s25] =	dma.local [spmem:s31], $0x2780  }
0xba: {  	_ =	swait.ge [sflag:s13], $0x2780  }
0xbb: {  	[sflag:s13] =	ssyncset.done $0x0  }
0xbc: {  	[sflag:s13] =	ssyncadd.s32 $0xFFFFD880  }
0xbd: {  	_ =	sfence.sel $0x180000  }
0xbe: {  	[bflag:$0x0] =	sbarrier.arrive $0xFFFF  }
0xbf: {  	p0 =	sne.s32 s2, $0x0;
	_ =	strace $0x90000050  }
0xc0: {  	s0 =	sadd.s32 @!p0 $0x100000, s0;
	[bflag:$0x2] =	sbarrier.arrive $0xFFFF  }
0xc1: {  	[sflag:s0] =	ssyncadd.tile.s32 @!p0 $0x1;
	_ =	shalt  }
.Lfunc_end2:
_tile_overlayer_lowered:
.L_overlay_start_2:
0xc2: {  	(tag) =	ssettag $0x2  }
0xc3: {  	s0 =	rddreg [dreg:$0x0];
	s2 =	stileid.u32  }
0xc4: {  	s1 =	rddreg [dreg:$0x1];
	p0 =	sne.s32 s2, $0x0  }
0xc5: {  	s3 =	rddreg [dreg:$0x2];
	[bflag:$0x3] =	sbarrier.arrive $0xFFFF;
	s2 =	simm.s32 @!p0 $0x1C05  }
0xc6: {  	[timem:s3], [sflag:s2] =	dma.local @!p0 [hbm:s0], s1  }
0xc7: {  	s0 =	simm.s32 @!p0 $0x5  }
0xc8: {  	_ =	swait.ge @!p0 [sflag:s0], s1  }
0xc9: {  	s1 =	ssub.s32 @!p0 $0x0, s1;
	[sflag:s0] =	ssyncset.done @!p0 $0x0  }
0xca: {  	[sflag:s0] =	ssyncadd.s32 @!p0 s1  }
0xcb: {  	[bflag:$0x3] =	sbarrier.arrive $0xFFFF  }
0xcc: {  	_ =	shalt  }

// kernel: kernel.18.cloned.1.call-start
scs
__scs_entry_jumppad:
0x0: {  	(pc) =	sbr.rel $0x88, $3  }
0x1: {  	(tag) =	ssettag $0x0;
	lr =	simm.s32 $0x1  }
0x2: {  	[smem:$0x3F8E] =	sst lr;
	_ =	strace $0xD0000000  }
0x3: {  	_ = 	snop  }
0x4: {  	_ = 	snop  }
0x5: {  	_ = 	snop  }
0x6: {  	_ = 	snop  }
0x7: {  	_ = 	snop  }
__scs_overlays_trampoline_lowered:
0x8: {  	[smem:$0x3F9D] =	sst s0  }
0x9: {  	[smem:$0x3F9E] =	sst s1  }
0xa: {  	[smem:$0x3F9F] =	sst s2  }
0xb: {  	[smem:$0x3FA0] =	sst s3  }
0xc: {  	[smem:$0x3FA1] =	sst s4  }
0xd: {  	[smem:$0x3FA2] =	sst s5  }
0xe: {  	[smem:$0x3FA3] =	sst s6  }
0xf: {  	[smem:$0x3FA4] =	sst s7  }
0x10: {  	[smem:$0x3FA5] =	sst s8  }
0x11: {  	[smem:$0x3FA6] =	sst s9;
	s0 =	simm.s32 @!p0 $0x0  }
0x12: {  	s1 =	sld [smem:$0x3F8C];
	s0 =	simm.s32 @p0 $0x1  }
0x13: {  	[smem:$0x3FA7] =	sst s0;
	s0 =	simm.s32 @!p1 $0x0  }
0x14: {  	s2 =	sld [smem:$0x3F8B];
	s0 =	simm.s32 @p1 $0x1  }
0x15: {  	[smem:$0x3FA8] =	sst s0;
	s0 =	simm.s32 @!p2 $0x0  }
0x16: {  	s3 =	sld [smem:$0x3FDB];
	s0 =	simm.s32 @p2 $0x1  }
0x17: {  	s4 =	simm.s32 $0x1BF5;
	[smem:$0x3FAA] =	sst s0  }
0x18: {  	s0 =	sld [smem:$0x3F8D];
	_ =	swait.ge [sflag:s4], $0x0  }
0x19: {  	s7 =	sld [smem:$0x3F8E]  }
0x1a: {  	s8 =	sadd.s32 $0xFFFFE003, lr  }
0x1b: {  	s9 =	sadd.s32 $0xFFFFFEF7, lr;
	s5 =	simm.s32 $0xFFFFFFFF;
	p2 =	slt.u32 s8, $0xFFFFF086  }
0x1c: {  	p1 =	slt.u32 s9, $0xF7A;
	s5 =	simm.s32 @!p2 $0x0  }
0x1d: {  	s5 =	simm.s32 @p1 $0x1;
	p0 =	seq.s32 s7, s2  }
0x1e: {  	s7 =	smul.u32 @!p0 $0xF7A, s2;
	p2 =	seq.s32 @!p0 s5, $0x0  }
0x1f: {  	s9 =	smul.u32 $0xF7A, s1;
	s8 =	simm.s32 @!p0 $0x1BF5;
	p2 =	por !p2, p0  }
0x20: {  	[sflag:s8] =	ssyncset.s32 @!p0 $0xFFFFF086;
	s6 =	sadd.s32 @!p0 s3, s7;
	s7 =	simm.s32 @!p0 $0x108  }
0x21: {  	s3 =	sadd.s32 s3, s9;
	s6 =	sadd.s32 @!p0 $0x88, s6;
	s7 =	simm.s32 @p2 $0x1082  }
0x22: {  	[simem:s7], [sflag:s8] =	dma.local @!p0 [hbm:s6], $0xF7A  }
0x23: {  	s9 =	sor.u32 $0xD0000000, s2;
	s6 =	simm.s32 $0x108;
	_ =	swait.ge @!p0 [sflag:s8], $0x0  }
0x24: {  	s3 =	sadd.s32 $0x88, s3;
	s6 =	simm.s32 @!p1 $0x1082;
	[sflag:s4] =	ssyncset.s32 $0xFFFFF086  }
0x25: {  	[simem:s6], [sflag:s4] =	dma.local [hbm:s3], $0xF7A  }
0x26: {  	[smem:$0x3F8E] =	sst s1;
	(tag) =	ssettag s2;
	_ =	strace s9  }
0x27: {  	s1 =	sld [smem:$0x3F9E]  }
0x28: {  	s2 =	sld [smem:$0x3F9F]  }
0x29: {  	s4 =	sld [smem:$0x3FA1]  }
0x2a: {  	p0 =	seq.s32 s5, $0x0;
	s5 =	sld [smem:$0x3FA2]  }
0x2b: {  	s6 =	sld [smem:$0x3FA3]  }
0x2c: {  	s7 =	sld [smem:$0x3FA4]  }
0x2d: {  	s3 =	simm.s32 $0x108;
	s8 =	sld [smem:$0x3FA5]  }
0x2e: {  	s3 =	simm.s32 @!p0 $0x1082;
	s9 =	sld [smem:$0x3FA6]  }
0x2f: {  	lr =	sadd.s32 s0, s3;
	s0 =	sld [smem:$0x3F9D]  }
0x30: {  	s3 =	sld [smem:$0x3FA0]  }
0x31: {  	[smem:$0x3FA9] =	sst s10  }
0x32: {  	s10 =	sld [smem:$0x3FA7];
	_ =	sdelay $0x3  }
0x33: {  	p0 =	seq.s32 s10, $0x1;
	s10 =	sld [smem:$0x3FA9];
	_ =	sdelay $0x3  }
0x34: {  	[smem:$0x3FA9] =	sst s10  }
0x35: {  	s10 =	sld [smem:$0x3FA8];
	_ =	sdelay $0x3  }
0x36: {  	p1 =	seq.s32 s10, $0x1;
	s10 =	sld [smem:$0x3FA9];
	_ =	sdelay $0x3  }
0x37: {  	[smem:$0x3FA9] =	sst s10  }
0x38: {  	s10 =	sld [smem:$0x3FAA]  }
0x39: {  	_ = 	snop;
	(pc) =	sbr.ind lr, $3  }
0x3a: {  	_ = 	snop  }
0x3b: {  	_ = 	snop  }
0x3c: {  	p2 =	seq.s32 s10, $0x1;
	s10 =	sld [smem:$0x3FA9]  }
0x3d: {  	_ =	shalt  }
0x3e: {  	_ =	shalt  }
0x3f: {  	_ =	shalt  }
0x40: {  	_ =	shalt  }
0x41: {  	_ =	shalt  }
0x42: {  	_ =	shalt  }
0x43: {  	_ =	shalt  }
0x44: {  	_ =	shalt  }
0x45: {  	_ =	shalt  }
0x46: {  	_ =	shalt  }
0x47: {  	_ =	shalt  }
0x48: {  	_ =	shalt  }
0x49: {  	_ =	shalt  }
0x4a: {  	_ =	shalt  }
0x4b: {  	_ =	shalt  }
0x4c: {  	_ =	shalt  }
0x4d: {  	_ =	shalt  }
0x4e: {  	_ =	shalt  }
0x4f: {  	_ =	shalt  }
0x50: {  	_ =	shalt  }
0x51: {  	_ =	shalt  }
0x52: {  	_ =	shalt  }
0x53: {  	_ =	shalt  }
0x54: {  	_ =	shalt  }
0x55: {  	_ =	shalt  }
0x56: {  	_ =	shalt  }
0x57: {  	_ =	shalt  }
0x58: {  	_ =	shalt  }
0x59: {  	_ =	shalt  }
0x5a: {  	_ =	shalt  }
0x5b: {  	_ =	shalt  }
0x5c: {  	_ =	shalt  }
0x5d: {  	_ =	shalt  }
0x5e: {  	_ =	shalt  }
0x5f: {  	_ =	shalt  }
0x60: {  	_ =	shalt  }
0x61: {  	_ =	shalt  }
0x62: {  	_ =	shalt  }
0x63: {  	_ =	shalt  }
0x64: {  	_ =	shalt  }
0x65: {  	_ =	shalt  }
0x66: {  	_ =	shalt  }
0x67: {  	_ =	shalt  }
0x68: {  	_ =	shalt  }
0x69: {  	_ =	shalt  }
0x6a: {  	_ =	shalt  }
0x6b: {  	_ =	shalt  }
0x6c: {  	_ =	shalt  }
0x6d: {  	_ =	shalt  }
0x6e: {  	_ =	shalt  }
0x6f: {  	_ =	shalt  }
0x70: {  	_ =	shalt  }
0x71: {  	_ =	shalt  }
0x72: {  	_ =	shalt  }
0x73: {  	_ =	shalt  }
0x74: {  	_ =	shalt  }
0x75: {  	_ =	shalt  }
0x76: {  	_ =	shalt  }
0x77: {  	_ =	shalt  }
0x78: {  	_ =	shalt  }
0x79: {  	_ =	shalt  }
0x7a: {  	_ =	shalt  }
0x7b: {  	_ =	shalt  }
0x7c: {  	_ =	shalt  }
0x7d: {  	_ =	shalt  }
0x7e: {  	_ =	shalt  }
0x7f: {  	_ =	shalt  }
0x80: {  	_ =	shalt  }
0x81: {  	_ =	shalt  }
0x82: {  	_ =	shalt  }
0x83: {  	_ =	shalt  }
0x84: {  	_ =	shalt  }
0x85: {  	_ =	shalt  }
0x86: {  	_ =	shalt  }
0x87: {  	_ =	shalt  }
.Lfunc_end0:
.L_simem_size_0:
called_computation.2_lowered:
.L_overlay_start_0:
0x88: {  	s2 =	sld [smem:$0x3FD9]  }
0x89: {  	s3 =	sld [smem:$0x3FFE];
	_ =	sdelay $0x1  }
0x8a: {  	s1 =	srdreg.scid  }
0x8b: {  	s0 =	sand.u32 $0x1, s1  }
0x8c: {  	s17 =	sshll.u32 s0, $0xA;
	s2 =	sadd.s32 s3, s2  }
0x8d: {  	s2 =	sadd.s32 s2, s17  }
0x8e: {  	[smem:$0x3FB5] =	sst s2  }
0x8f: {  	_ = 	snop  }
0x90: {  	s2 =	sld [smem:$0x3FC8];
	(tm) =	ssettm $0x1  }
0x91: {  	s18 =	sld [smem:$0x3FFB];
	_ =	sdelay $0x3  }
0x92: {  	_ =	strace s18  }
0x93: {  	s3 =	sld [smem:$0x3FFC];
	_ =	sdelay $0x3  }
0x94: {  	_ =	strace s3  }
0x95: {  	s3 =	sld [smem:$0x3FFD];
	_ =	sdelay $0x3  }
0x96: {  	_ =	strace s3  }
0x97: {  	_ =	strace $0x8FFFFFFF  }
0x98: {  	s19 =	sld [smem:$0x3FDB];
	_ =	sdelay $0x1  }
0x99: {  	s4 =	simm.s32 $_scs_section_size  }
0x9a: {  	s5 =	simm.s32 $_size__tile_overlayer_lowered;
	s6 =	simm.s32 $_tile_overlayer_lowered  }
0x9b: {  	s22 =	simm.s32 $0x1BFF;
	s21 =	sshll.u32 s6, $0x1;
	s3 =	sadd.s32 s4, s19  }
0x9c: {  	s7 =	simm.s32 $0x0;
	s20 =	sshll.u32 s5, $0x1;
	s5 =	sadd.s32 s21, s3  }
0x9d: {  	[timem:s7], [sflag:s22] =	dma.local [hbm:s5], s20  }
0x9e: {  	_ =	swait.ge [sflag:s22], s20  }
0x9f: {  	s4 =	ssub.s32 $0x0, s20;
	[sflag:s22] =	ssyncset.done $0x0  }
0xa0: {  	[sflag:s22] =	ssyncadd.s32 s4;
	_ =	sdelay $0x1  }
0xa1: {  	s23 =	simm.s32 $0x1B8B  }
0xa2: {  	_ =	swait.ge [sflag:s23], $0x1  }
0xa3: {  	[sflag:s23] =	ssyncset.done $0x0  }
0xa4: {  	s25 =	simm.s32 $0x1B8E;
	s24 =	sld [smem:$0x3FFE];
	[sflag:s23] =	ssyncadd.s32 $0xFFFFFFFF  }
0xa5: {  	s26 =	simm.s32 $execute0_lowered;
	[smem:$0x3FD2] =	sst s25  }
0xa6: {  	s5 =	sshll.u32 s26, $0x1;
	_ =	strace $0x80000046;
	[dreg:$0x1] =	wrdreg $0xFFFFFFFF  }
0xa7: {  	s28 =	simm.s32 $_size_execute0_lowered;
	s3 =	sadd.s32 s3, s5;
	[dreg:$0x0] =	wrdreg $0x0  }
0xa8: {  	s5 =	sshll.u32 s28, $0x1;
	[dreg:$0x2] =	wrdreg s3  }
0xa9: {  	[dreg:$0x3] =	wrdreg s5  }
0xaa: {  	[dreg:$0x4] =	wrdreg $0xC0  }
0xab: {  	_ =	task [dreg:s7], $0x5FFFF  }
0xac: {  	[dreg:$0x1] =	wrdreg $0xFFFFFFFF  }
0xad: {  	[dreg:$0x0] =	wrdreg $0x60  }
0xae: {  	[dreg:$0x2] =	wrdreg s2  }
0xaf: {  	[dreg:$0x3] =	wrdreg s24  }
0xb0: {  	[dreg:$0x4] =	wrdreg $0xAC000  }
0xb1: {  	[dreg:$0x5] =	wrdreg $0xA  }
0xb2: {  	_ =	task.clear_ibuf [dreg:s7], $0x6FFFF;
	_ =	strace $0x90000046  }
0xb3: {  	s29 =	simm.s32 $0xA;
	_ =	strace $0x80000048  }
0xb4: {  	_ =	swait.ge [sflag:s29], $0x1  }
0xb5: {  	[sflag:s29] =	ssyncadd.s32 $0xFFFFFFFF  }
0xb6: {  	_ =	strace $0x90000048  }
0xb7: {  	_ =	sfence  }
0xb8: {  	s30 =	sld [smem:$0x0];
	_ =	sdelay $0x2  }
0xb9: {  	s31 =	sshll.u32 s1, $0xD;
	s1 =	sshrl.u32 s1, $0x2  }
0xba: {  	s3 =	sand.u32 $0x4000, s31;
	s1 =	sadd.s32 s1, s30  }
0xbb: {  	s0 =	sor.u32 s3, s0;
	s1 =	sshll.u32 s1, $0x11  }
0xbc: {  	s0 =	sor.u32 s1, s0  }
0xbd: {  	s0 =	sadd.s32 $0x8F2B, s0  }
0xbe: {  	[sflag:s0] =	ssyncadd.remote.s32 $0x1  }
0xbf: {  	_ =	sfence.sel $0xFFFF  }
0xc0: {  	[dreg:$0x0] =	wrdreg $0xFFFFFFFF;
	(pc) =	sbr.abs _section_cstart, $3  }
0xc1: {  	[dreg:$0x1] =	wrdreg $0xFFFFFFFF  }
0xc2: {  	_ =	task.clear_ibuf [dreg:s7], $0x2FFFF;
	_ =	strace $0x9FFFFFFF  }
0xc3: {  	(tm) =	ssettm $0x7FFFFFFF  }
tec
execute0_lowered:
.L_overlay_start_1:
0x0: {  	(tag) =	ssettag $0x1  }
0x1: {  	s1 =	rddreg [dreg:$0x0]  }
0x2: {  	s5 =	rddreg [dreg:$0x1]  }
0x3: {  	s2 =	rddreg [dreg:$0x2]  }
0x4: {  	s3 =	srdreg.scid;
	s0 =	rddreg [dreg:$0x3]  }
0x5: {  	s4 =	simm.s32 $0x0;
	s14 =	simm.s32 $0x1400;
	s15 =	simm.s32 $0x80  }
0x6: {  	s16 =	simm.s32 $0x2800;
	s17 =	simm.s32 $0x6800;
	s18 =	simm.s32 $0x1  }
0x7: {  	s19 =	simm.s32 $0x2;
	s20 =	simm.s32 $0x3;
	s21 =	simm.s32 $0x4  }
0x8: {  	s22 =	simm.s32 $0x1380;
	s23 =	simm.s32 $0x2700;
	s24 =	simm.s32 $0x2780  }
0x9: {  	s6 =	sand.u32 $0x1, s3;
	s3 =	stileid.u32;
	[smem:$0x7FF] =	sst s4  }
0xa: {  	s9 =	sadd.s32 $0x4E00, s5;
	s11 =	sadd.s32 $0xEE00, s5;
	s7 =	smul.u32 $0x13C000, s6  }
0xb: {  	s8 =	smul.u32 $0x13C00, s3;
	_ =	strace $0x80000047;
	s10 =	sshll.u32 s3, $0x1  }
0xc: {  	s26 =	smul.u32 $0x4F000, s3;
	s25 =	sor.u32 s6, s10;
	s6 =	ssub.s32 $0x2, s6  }
0xd: {  	s7 =	sadd.s32 s8, s7;
	s8 =	smul.u32 $0x2800, s25;
	s28 =	sshrl.u32 s6, $0x1  }
0xe: {  	s29 =	sshrl.u32 s26, $0x2;
	s7 =	sshrl.u32 s7, $0x3;
	s13 =	ssub.s32 s6, s28  }
0xf: {  	s12 =	sadd.s32 s7, s5;
	s30 =	sshrl.u32 s8, $0x3;
	s5 =	sadd.s32 s29, s2  }
0x10: {  	s6 =	sadd.s32 s9, s30;
	s31 =	sadd.s32 $0x280, s30;
	s7 =	sadd.s32 s11, s30  }
0x11: {  	s10 =	sadd.s32 $0x18E00, s12;
	s12 =	simm.s32 $0xA800;
	s8 =	sadd.s32 s9, s31  }
0x12: {  	v0 =	vimm.f32 $0.0e+00;
	s9 =	sadd.s32 s11, s31;
	s11 =	smax.u32 s13, $0x1;
	s13 =	simm.s32 $0x5  }
.LBB2_1:
0x13: {  	s25 =	simm.s32 $0x0;
	s26 =	simm.s32 $0x0  }
.LBB2_2:
0x14: {  	p0 =	sne.s32 s26, $0xFC0  }
.Ltmp0:
0x15: {  	_ = 	snop;
	(pc) =	sbr.rel @p0 .LBB2_2-.Ltmp0, $4  }
0x16: {  	s28 =	sand.u32 $0xE00, s26  }
0x17: {  	s29 =	sand.u32 $0x70, s25;
	s28 =	sshrl.u32 s28, $0x2  }
0x18: {  	s28 =	sor.u32 s29, s28  }
0x19: {  	s25 =	sadd.s32 $0x10, s25;
	s26 =	sadd.s32 $0x40, s26;
	[tilespmem:s28+$0xA800] =	vst v0  }
0x1a: {  	s25 =	sadd.s32 $0x0, s5  }
0x1b: {  	[spmem:s25] =	stream.linear.scatter [tilespmem:s12], [sflag:$0x5], $0x400, $0x38;
	[tilespmem:$0x1E800] =	vst v63  }
0x1c: {  	s25 =	simm.s32 $0x1000;
	_ =	swait.ge [sflag:s13], $0x400  }
.LBB2_4:
0x1d: {  	s26 =	sshra.s32 s25, $0x2;
	[sflag:s13] =	ssyncset.done $0x0;
	p0 =	sne.s32 s25, $0x4E000  }
.Ltmp1:
0x1e: {  	s26 =	sadd.s32 s26, s5;
	[sflag:s13] =	ssyncadd.s32 $0xFFFFFC00;
	(pc) =	sbr.rel @p0 .LBB2_4-.Ltmp1, $3  }
0x1f: {  	[spmem:s26] =	stream.linear.scatter [tilespmem:s12], [sflag:$0x5], $0x400, $0x38;
	[tilespmem:$0x1E800] =	vst v63  }
0x20: {  	s25 =	sadd.s32 $0x1000, s25;
	_ =	sdelay $0x1  }
0x21: {  	_ =	swait.ge [sflag:s13], $0x400  }
0x22: {  	[sflag:s13] =	ssyncset.done $0x0  }
0x23: {  	[sflag:s13] =	ssyncadd.s32 $0xFFFFFC00  }
0x24: {  	s25 =	simm.s32 $0x0;
	[bflag:$0x0] =	sbarrier.arrive $0xFFFF  }
0x25: {  	[tilespmem:s25], [sflag:$0x5] =	stream.linear.gather [hbm4b:s6+s25], $0x1400, $0x38;
	[tilespmem:$0x1E800] =	vst v63  }
0x26: {  	_ =	swait.ge [sflag:s13], $0x1400  }
0x27: {  	[sflag:s13] =	ssyncset.done $0x0  }
0x28: {  	[sflag:s13] =	ssyncadd.s32 $0xFFFFEC00  }
0x29: {  	[tilespmem:s14], [sflag:$0x5] =	stream.linear.gather [hbm4b:s7+s25], $0x1400, $0x38;
	[tilespmem:$0x1E800] =	vst v63  }
0x2a: {  	_ =	swait.ge [sflag:s13], $0x1400  }
0x2b: {  	[sflag:s13] =	ssyncset.done $0x0  }
0x2c: {  	[sflag:s13] =	ssyncadd.s32 $0xFFFFEC00  }
0x2d: {  	[tilespmem:s16], [sflag:$0x1] =	stream.indirect.gather [hbm4b:s1+s15], $0x80, s25, s15, $0xb8;
	[tilespmem:$0x1E800] =	vst v63  }
0x2e: {  	s28 =	simm.s32 $0x80  }
0x2f: {  	[tilespmem:s17], [sflag:$0x2] =	stream.indirect.gather [hbm4b:s1+s15], $0x80, s28, s15, $0xb8;
	[tilespmem:$0x1E800] =	vst v63  }
0x30: {  	_ =	swait.ge [sflag:s18], $0x4000  }
0x31: {  	[sflag:s18] =	ssyncset.done $0x0  }
0x32: {  	s29 =	simm.s32 $0x1400;
	[sflag:s18] =	ssyncadd.s32 $0xFFFFC000  }
0x33: {  	[spmem:s2] =	stream.indirect.scatter.add.f32 [tilespmem:s16], [sflag:$0x3], $0x80, s29, s15, $0xb8;
	[tilespmem:$0x1E800] =	vst v63  }
0x34: {  	_ =	swait.ge [sflag:s19], $0x4000  }
0x35: {  	[sflag:s19] =	ssyncset.done $0x0  }
0x36: {  	s30 =	simm.s32 $0x1480;
	[sflag:s19] =	ssyncadd.s32 $0xFFFFC000  }
0x37: {  	[spmem:s2] =	stream.indirect.scatter.add.f32 [tilespmem:s17], [sflag:$0x4], $0x80, s30, s15, $0xb8;
	[tilespmem:$0x1E800] =	vst v63  }
0x38: {  	_ =	swait.ge [sflag:s20], $0x4000  }
0x39: {  	[sflag:s20] =	ssyncset.done $0x0  }
0x3a: {  	s31 =	simm.s32 $0x100;
	[sflag:s20] =	ssyncadd.s32 $0xFFFFC000  }
0x3b: {  	[tilespmem:s16], [sflag:$0x1] =	stream.indirect.gather [hbm4b:s1+s15], $0x80, s31, s15, $0xb8;
	[tilespmem:$0x1E800] =	vst v63  }
0x3c: {  	_ =	swait.ge [sflag:s21], $0x4000  }
0x3d: {  	s26 =	simm.s32 $0x800;
	s25 =	simm.s32 $0x100;
	[sflag:s21] =	ssyncset.done $0x0  }
.LBB2_6:
0x3e: {  	s28 =	sadd.s32 $0x80, s25  }
0x3f: {  	[sflag:s21] =	ssyncadd.s32 $0xFFFFC000;
	s29 =	smov.u32 s26;
	s30 =	sadd.s32 $0x400, s26  }
0x40: {  	[tilespmem:s17], [sflag:$0x2] =	stream.indirect.gather [hbm4b:s1+s15], $0x80, s28, s15, $0xb8;
	[tilespmem:$0x1E800] =	vst v63  }
0x41: {  	p0 =	sne.s32 s26, $0x4800;
	_ =	swait.ge [sflag:s18], $0x4000  }
0x42: {  	[sflag:s18] =	ssyncset.done $0x0  }
0x43: {  	s26 =	sadd.s32 $0x1400, s25;
	[sflag:s18] =	ssyncadd.s32 $0xFFFFC000  }
0x44: {  	[spmem:s2] =	stream.indirect.scatter.add.f32 [tilespmem:s16], [sflag:$0x3], $0x80, s26, s15, $0xb8;
	[tilespmem:$0x1E800] =	vst v63  }
0x45: {  	_ =	swait.ge [sflag:s19], $0x4000  }
0x46: {  	[sflag:s19] =	ssyncset.done $0x0  }
0x47: {  	s26 =	sadd.s32 $0x1480, s25;
	[sflag:s19] =	ssyncadd.s32 $0xFFFFC000  }
0x48: {  	[spmem:s2] =	stream.indirect.scatter.add.f32 [tilespmem:s17], [sflag:$0x4], $0x80, s26, s15, $0xb8;
	[tilespmem:$0x1E800] =	vst v63  }
0x49: {  	_ =	swait.ge [sflag:s20], $0x4000  }
.Ltmp2:
0x4a: {  	[sflag:s20] =	ssyncset.done $0x0;
	(pc) =	sbr.rel @p0 .LBB2_6-.Ltmp2, $4  }
0x4b: {  	s25 =	sadd.s32 $0x100, s25;
	[sflag:s20] =	ssyncadd.s32 $0xFFFFC000  }
0x4c: {  	[tilespmem:s16], [sflag:$0x1] =	stream.indirect.gather [hbm4b:s1+s15], $0x80, s25, s15, $0xb8;
	[tilespmem:$0x1E800] =	vst v63  }
0x4d: {  	_ =	swait.ge [sflag:s21], $0x4000  }
0x4e: {  	s26 =	smov.u32 s30;
	s25 =	sshra.s32 s29, $0x2;
	[sflag:s21] =	ssyncset.done $0x0  }
0x4f: {  	s26 =	sadd.s32 $0x80, s25;
	[sflag:s21] =	ssyncadd.s32 $0xFFFFC000  }
0x50: {  	[tilespmem:s17], [sflag:$0x2] =	stream.indirect.gather [hbm4b:s1+s15], $0x80, s26, s15, $0xb8;
	[tilespmem:$0x1E800] =	vst v63  }
0x51: {  	_ =	swait.ge [sflag:s18], $0x4000  }
0x52: {  	[sflag:s18] =	ssyncset.done $0x0  }
0x53: {  	s29 =	sadd.s32 $0x1400, s25;
	[sflag:s18] =	ssyncadd.s32 $0xFFFFC000  }
0x54: {  	[spmem:s2] =	stream.indirect.scatter.add.f32 [tilespmem:s16], [sflag:$0x3], $0x80, s29, s15, $0xb8;
	[tilespmem:$0x1E800] =	vst v63  }
0x55: {  	_ =	swait.ge [sflag:s19], $0x4000  }
0x56: {  	[sflag:s19] =	ssyncset.done $0x0  }
0x57: {  	s30 =	sadd.s32 $0x1480, s25;
	[sflag:s19] =	ssyncadd.s32 $0xFFFFC000  }
0x58: {  	[spmem:s2] =	stream.indirect.scatter.add.f32 [tilespmem:s17], [sflag:$0x4], $0x80, s30, s15, $0xb8;
	[tilespmem:$0x1E800] =	vst v63  }
0x59: {  	_ =	swait.ge [sflag:s20], $0x4000  }
0x5a: {  	[sflag:s20] =	ssyncset.done $0x0  }
0x5b: {  	s31 =	sadd.s32 $0x100, s25;
	[sflag:s20] =	ssyncadd.s32 $0xFFFFC000  }
0x5c: {  	[tilespmem:s16], [sflag:$0x1] =	stream.indirect.gather [hbm4b:s1+s15], $0x80, s31, s15, $0xb8;
	[tilespmem:$0x1E800] =	vst v63  }
0x5d: {  	_ =	swait.ge [sflag:s21], $0x4000  }
0x5e: {  	[sflag:s21] =	ssyncset.done $0x0  }
0x5f: {  	[sflag:s21] =	ssyncadd.s32 $0xFFFFC000  }
0x60: {  	[tilespmem:s17], [sflag:$0x2] =	stream.indirect.gather [hbm4b:s1+s15], $0x80, s22, s15, $0xb8;
	[tilespmem:$0x1E800] =	vst v63  }
0x61: {  	_ =	swait.ge [sflag:s18], $0x4000  }
0x62: {  	[sflag:s18] =	ssyncset.done $0x0  }
0x63: {  	[sflag:s18] =	ssyncadd.s32 $0xFFFFC000  }
0x64: {  	[spmem:s2] =	stream.indirect.scatter.add.f32 [tilespmem:s16], [sflag:$0x3], $0x80, s23, s15, $0xb8;
	[tilespmem:$0x1E800] =	vst v63  }
0x65: {  	_ =	swait.ge [sflag:s19], $0x4000  }
0x66: {  	[sflag:s19] =	ssyncset.done $0x0  }
0x67: {  	[sflag:s19] =	ssyncadd.s32 $0xFFFFC000  }
0x68: {  	[spmem:s2] =	stream.indirect.scatter.add.f32 [tilespmem:s17], [sflag:$0x4], $0x80, s24, s15, $0xb8;
	[tilespmem:$0x1E800] =	vst v63  }
0x69: {  	_ =	swait.ge [sflag:s20], $0x4000  }
0x6a: {  	[sflag:s20] =	ssyncset.done $0x0  }
0x6b: {  	[sflag:s20] =	ssyncadd.s32 $0xFFFFC000  }
0x6c: {  	_ =	swait.ge [sflag:s21], $0x4000  }
0x6d: {  	[sflag:s21] =	ssyncset.done $0x0  }
0x6e: {  	s26 =	simm.s32 $0x0;
	[sflag:s21] =	ssyncadd.s32 $0xFFFFC000  }
0x6f: {  	[tilespmem:s26], [sflag:$0x5] =	stream.linear.gather [hbm4b:s8+s26], $0x1400, $0x38;
	[tilespmem:$0x1E800] =	vst v63  }
0x70: {  	_ =	swait.ge [sflag:s13], $0x1400  }
0x71: {  	[sflag:s13] =	ssyncset.done $0x0  }
0x72: {  	[sflag:s13] =	ssyncadd.s32 $0xFFFFEC00  }
0x73: {  	[tilespmem:s14], [sflag:$0x5] =	stream.linear.gather [hbm4b:s9+s26], $0x1400, $0x38;
	[tilespmem:$0x1E800] =	vst v63  }
0x74: {  	_ =	swait.ge [sflag:s13], $0x1400  }
0x75: {  	[sflag:s13] =	ssyncset.done $0x0  }
0x76: {  	[sflag:s13] =	ssyncadd.s32 $0xFFFFEC00  }
0x77: {  	[tilespmem:s16], [sflag:$0x1] =	stream.indirect.gather [hbm4b:s1+s15], $0x80, s26, s15, $0xb8;
	[tilespmem:$0x1E800] =	vst v63  }
0x78: {  	s28 =	simm.s32 $0x80  }
0x79: {  	[tilespmem:s17], [sflag:$0x2] =	stream.indirect.gather [hbm4b:s1+s15], $0x80, s28, s15, $0xb8;
	[tilespmem:$0x1E800] =	vst v63  }
0x7a: {  	_ =	swait.ge [sflag:s18], $0x4000  }
0x7b: {  	[sflag:s18] =	ssyncset.done $0x0  }
0x7c: {  	s29 =	simm.s32 $0x1400;
	[sflag:s18] =	ssyncadd.s32 $0xFFFFC000  }
0x7d: {  	[spmem:s2] =	stream.indirect.scatter.add.f32 [tilespmem:s16], [sflag:$0x3], $0x80, s29, s15, $0xb8;
	[tilespmem:$0x1E800] =	vst v63  }
0x7e: {  	_ =	swait.ge [sflag:s19], $0x4000  }
0x7f: {  	[sflag:s19] =	ssyncset.done $0x0  }
0x80: {  	s30 =	simm.s32 $0x1480;
	[sflag:s19] =	ssyncadd.s32 $0xFFFFC000  }
0x81: {  	[spmem:s2] =	stream.indirect.scatter.add.f32 [tilespmem:s17], [sflag:$0x4], $0x80, s30, s15, $0xb8;
	[tilespmem:$0x1E800] =	vst v63  }
0x82: {  	_ =	swait.ge [sflag:s20], $0x4000  }
0x83: {  	[sflag:s20] =	ssyncset.done $0x0  }
0x84: {  	s31 =	simm.s32 $0x100;
	[sflag:s20] =	ssyncadd.s32 $0xFFFFC000  }
0x85: {  	[tilespmem:s16], [sflag:$0x1] =	stream.indirect.gather [hbm4b:s1+s15], $0x80, s31, s15, $0xb8;
	[tilespmem:$0x1E800] =	vst v63  }
0x86: {  	_ =	swait.ge [sflag:s21], $0x4000  }
0x87: {  	s25 =	simm.s32 $0x100;
	s26 =	simm.s32 $0x800;
	[sflag:s21] =	ssyncset.done $0x0  }
.LBB2_8:
0x88: {  	s28 =	sadd.s32 $0x80, s25  }
0x89: {  	[sflag:s21] =	ssyncadd.s32 $0xFFFFC000;
	s29 =	smov.u32 s26;
	s30 =	sadd.s32 $0x400, s26  }
0x8a: {  	[tilespmem:s17], [sflag:$0x2] =	stream.indirect.gather [hbm4b:s1+s15], $0x80, s28, s15, $0xb8;
	[tilespmem:$0x1E800] =	vst v63  }
0x8b: {  	p0 =	sne.s32 s26, $0x4800;
	_ =	swait.ge [sflag:s18], $0x4000  }
0x8c: {  	[sflag:s18] =	ssyncset.done $0x0  }
0x8d: {  	s26 =	sadd.s32 $0x1400, s25;
	[sflag:s18] =	ssyncadd.s32 $0xFFFFC000  }
0x8e: {  	[spmem:s2] =	stream.indirect.scatter.add.f32 [tilespmem:s16], [sflag:$0x3], $0x80, s26, s15, $0xb8;
	[tilespmem:$0x1E800] =	vst v63  }
0x8f: {  	_ =	swait.ge [sflag:s19], $0x4000  }
0x90: {  	[sflag:s19] =	ssyncset.done $0x0  }
0x91: {  	s26 =	sadd.s32 $0x1480, s25;
	[sflag:s19] =	ssyncadd.s32 $0xFFFFC000  }
0x92: {  	[spmem:s2] =	stream.indirect.scatter.add.f32 [tilespmem:s17], [sflag:$0x4], $0x80, s26, s15, $0xb8;
	[tilespmem:$0x1E800] =	vst v63  }
0x93: {  	_ =	swait.ge [sflag:s20], $0x4000  }
.Ltmp3:
0x94: {  	[sflag:s20] =	ssyncset.done $0x0;
	(pc) =	sbr.rel @p0 .LBB2_8-.Ltmp3, $4  }
0x95: {  	s25 =	sadd.s32 $0x100, s25;
	[sflag:s20] =	ssyncadd.s32 $0xFFFFC000  }
0x96: {  	[tilespmem:s16], [sflag:$0x1] =	stream.indirect.gather [hbm4b:s1+s15], $0x80, s25, s15, $0xb8;
	[tilespmem:$0x1E800] =	vst v63  }
0x97: {  	_ =	swait.ge [sflag:s21], $0x4000  }
0x98: {  	s26 =	smov.u32 s30;
	s25 =	sshra.s32 s29, $0x2;
	[sflag:s21] =	ssyncset.done $0x0  }
0x99: {  	s26 =	sadd.s32 $0x80, s25;
	[sflag:s21] =	ssyncadd.s32 $0xFFFFC000  }
0x9a: {  	[tilespmem:s17], [sflag:$0x2] =	stream.indirect.gather [hbm4b:s1+s15], $0x80, s26, s15, $0xb8;
	[tilespmem:$0x1E800] =	vst v63  }
0x9b: {  	_ =	swait.ge [sflag:s18], $0x4000  }
0x9c: {  	[sflag:s18] =	ssyncset.done $0x0  }
0x9d: {  	s31 =	sadd.s32 $0x1400, s25;
	[sflag:s18] =	ssyncadd.s32 $0xFFFFC000  }
0x9e: {  	[spmem:s2] =	stream.indirect.scatter.add.f32 [tilespmem:s16], [sflag:$0x3], $0x80, s31, s15, $0xb8;
	[tilespmem:$0x1E800] =	vst v63  }
0x9f: {  	_ =	swait.ge [sflag:s19], $0x4000  }
0xa0: {  	[sflag:s19] =	ssyncset.done $0x0  }
0xa1: {  	s28 =	sadd.s32 $0x1480, s25;
	[sflag:s19] =	ssyncadd.s32 $0xFFFFC000  }
0xa2: {  	[spmem:s2] =	stream.indirect.scatter.add.f32 [tilespmem:s17], [sflag:$0x4], $0x80, s28, s15, $0xb8;
	[tilespmem:$0x1E800] =	vst v63  }
0xa3: {  	_ =	swait.ge [sflag:s20], $0x4000  }
0xa4: {  	[sflag:s20] =	ssyncset.done $0x0  }
0xa5: {  	s29 =	sadd.s32 $0x100, s25;
	[sflag:s20] =	ssyncadd.s32 $0xFFFFC000  }
0xa6: {  	[tilespmem:s16], [sflag:$0x1] =	stream.indirect.gather [hbm4b:s1+s15], $0x80, s29, s15, $0xb8;
	[tilespmem:$0x1E800] =	vst v63  }
0xa7: {  	_ =	swait.ge [sflag:s21], $0x4000  }
0xa8: {  	[sflag:s21] =	ssyncset.done $0x0  }
0xa9: {  	[sflag:s21] =	ssyncadd.s32 $0xFFFFC000  }
0xaa: {  	[tilespmem:s17], [sflag:$0x2] =	stream.indirect.gather [hbm4b:s1+s15], $0x80, s22, s15, $0xb8;
	[tilespmem:$0x1E800] =	vst v63  }
0xab: {  	_ =	swait.ge [sflag:s18], $0x4000  }
0xac: {  	[sflag:s18] =	ssyncset.done $0x0  }
0xad: {  	[sflag:s18] =	ssyncadd.s32 $0xFFFFC000  }
0xae: {  	[spmem:s2] =	stream.indirect.scatter.add.f32 [tilespmem:s16], [sflag:$0x3], $0x80, s23, s15, $0xb8;
	[tilespmem:$0x1E800] =	vst v63  }
0xaf: {  	_ =	swait.ge [sflag:s19], $0x4000  }
0xb0: {  	[sflag:s19] =	ssyncset.done $0x0  }
0xb1: {  	[sflag:s19] =	ssyncadd.s32 $0xFFFFC000  }
0xb2: {  	[spmem:s2] =	stream.indirect.scatter.add.f32 [tilespmem:s17], [sflag:$0x4], $0x80, s24, s15, $0xb8;
	[tilespmem:$0x1E800] =	vst v63  }
0xb3: {  	_ =	swait.ge [sflag:s20], $0x4000  }
0xb4: {  	[sflag:s20] =	ssyncset.done $0x0  }
0xb5: {  	[sflag:s20] =	ssyncadd.s32 $0xFFFFC000  }
0xb6: {  	_ =	swait.ge [sflag:s21], $0x4000  }
0xb7: {  	s30 =	sshll.u32 s3, $0x6;
	s4 =	sadd.s32 $0x1, s4;
	[sflag:s21] =	ssyncset.done $0x0  }
0xb8: {  	s25 =	sor.u32 $0x1C05, s30;
	p0 =	sne.s32 s4, s11;
	[sflag:s21] =	ssyncadd.s32 $0xFFFFC000  }
.Ltmp4:
0xb9: {  	s31 =	sshrl.u32 s5, $0x3;
	[bflag:$0x0] =	sbarrier.arrive $0xFFFF;
	(pc) =	sbr.rel @p0 .LBB2_1-.Ltmp4, $4  }
0xba: {  	[hbm:s10], [sflag:s25] =	dma.local [spmem:s31], $0x2780  }
0xbb: {  	_ =	swait.ge [sflag:s13], $0x2780  }
0xbc: {  	[sflag:s13] =	ssyncset.done $0x0  }
0xbd: {  	[sflag:s13] =	ssyncadd.s32 $0xFFFFD880  }
0xbe: {  	_ =	sfence.sel $0x180000  }
0xbf: {  	[bflag:$0x0] =	sbarrier.arrive $0xFFFF  }
0xc0: {  	p0 =	sne.s32 s3, $0x0;
	_ =	strace $0x90000047  }
0xc1: {  	s0 =	sadd.s32 @!p0 $0x100000, s0;
	[bflag:$0x2] =	sbarrier.arrive $0xFFFF  }
0xc2: {  	[sflag:s0] =	ssyncadd.tile.s32 @!p0 $0x1;
	_ =	shalt  }
.Lfunc_end2:
_tile_overlayer_lowered:
.L_overlay_start_2:
0xc3: {  	(tag) =	ssettag $0x2  }
0xc4: {  	s0 =	rddreg [dreg:$0x0];
	s2 =	stileid.u32  }
0xc5: {  	s1 =	rddreg [dreg:$0x1];
	p0 =	sne.s32 s2, $0x0  }
0xc6: {  	s3 =	rddreg [dreg:$0x2];
	[bflag:$0x3] =	sbarrier.arrive $0xFFFF;
	s2 =	simm.s32 @!p0 $0x1C05  }
0xc7: {  	[timem:s3], [sflag:s2] =	dma.local @!p0 [hbm:s0], s1  }
0xc8: {  	s0 =	simm.s32 @!p0 $0x5  }
0xc9: {  	_ =	swait.ge @!p0 [sflag:s0], s1  }
0xca: {  	s1 =	ssub.s32 @!p0 $0x0, s1;
	[sflag:s0] =	ssyncset.done @!p0 $0x0  }
0xcb: {  	[sflag:s0] =	ssyncadd.s32 @!p0 s1  }
0xcc: {  	[bflag:$0x3] =	sbarrier.arrive $0xFFFF  }
0xcd: {  	_ =	shalt  }

// kernel: kernel.21.cloned.1.call-start
scs
__scs_entry_jumppad:
0x0: {  	(pc) =	sbr.rel $0x88, $3  }
0x1: {  	(tag) =	ssettag $0x0;
	lr =	simm.s32 $0x1  }
0x2: {  	[smem:$0x3F8E] =	sst lr;
	_ =	strace $0xD0000000  }
0x3: {  	_ = 	snop  }
0x4: {  	_ = 	snop  }
0x5: {  	_ = 	snop  }
0x6: {  	_ = 	snop  }
0x7: {  	_ = 	snop  }
__scs_overlays_trampoline_lowered:
0x8: {  	[smem:$0x3F9D] =	sst s0  }
0x9: {  	[smem:$0x3F9E] =	sst s1  }
0xa: {  	[smem:$0x3F9F] =	sst s2  }
0xb: {  	[smem:$0x3FA0] =	sst s3  }
0xc: {  	[smem:$0x3FA1] =	sst s4  }
0xd: {  	[smem:$0x3FA2] =	sst s5  }
0xe: {  	[smem:$0x3FA3] =	sst s6  }
0xf: {  	[smem:$0x3FA4] =	sst s7  }
0x10: {  	[smem:$0x3FA5] =	sst s8  }
0x11: {  	[smem:$0x3FA6] =	sst s9;
	s0 =	simm.s32 @!p0 $0x0  }
0x12: {  	s1 =	sld [smem:$0x3F8C];
	s0 =	simm.s32 @p0 $0x1  }
0x13: {  	[smem:$0x3FA7] =	sst s0;
	s0 =	simm.s32 @!p1 $0x0  }
0x14: {  	s2 =	sld [smem:$0x3F8B];
	s0 =	simm.s32 @p1 $0x1  }
0x15: {  	[smem:$0x3FA8] =	sst s0;
	s0 =	simm.s32 @!p2 $0x0  }
0x16: {  	s3 =	sld [smem:$0x3FDB];
	s0 =	simm.s32 @p2 $0x1  }
0x17: {  	s4 =	simm.s32 $0x1BF5;
	[smem:$0x3FAA] =	sst s0  }
0x18: {  	s0 =	sld [smem:$0x3F8D];
	_ =	swait.ge [sflag:s4], $0x0  }
0x19: {  	s7 =	sld [smem:$0x3F8E]  }
0x1a: {  	s8 =	sadd.s32 $0xFFFFE003, lr  }
0x1b: {  	s9 =	sadd.s32 $0xFFFFFEF7, lr;
	s5 =	simm.s32 $0xFFFFFFFF;
	p2 =	slt.u32 s8, $0xFFFFF086  }
0x1c: {  	p1 =	slt.u32 s9, $0xF7A;
	s5 =	simm.s32 @!p2 $0x0  }
0x1d: {  	s5 =	simm.s32 @p1 $0x1;
	p0 =	seq.s32 s7, s2  }
0x1e: {  	s7 =	smul.u32 @!p0 $0xF7A, s2;
	p2 =	seq.s32 @!p0 s5, $0x0  }
0x1f: {  	s9 =	smul.u32 $0xF7A, s1;
	s8 =	simm.s32 @!p0 $0x1BF5;
	p2 =	por !p2, p0  }
0x20: {  	[sflag:s8] =	ssyncset.s32 @!p0 $0xFFFFF086;
	s6 =	sadd.s32 @!p0 s3, s7;
	s7 =	simm.s32 @!p0 $0x108  }
0x21: {  	s3 =	sadd.s32 s3, s9;
	s6 =	sadd.s32 @!p0 $0x88, s6;
	s7 =	simm.s32 @p2 $0x1082  }
0x22: {  	[simem:s7], [sflag:s8] =	dma.local @!p0 [hbm:s6], $0xF7A  }
0x23: {  	s9 =	sor.u32 $0xD0000000, s2;
	s6 =	simm.s32 $0x108;
	_ =	swait.ge @!p0 [sflag:s8], $0x0  }
0x24: {  	s3 =	sadd.s32 $0x88, s3;
	s6 =	simm.s32 @!p1 $0x1082;
	[sflag:s4] =	ssyncset.s32 $0xFFFFF086  }
0x25: {  	[simem:s6], [sflag:s4] =	dma.local [hbm:s3], $0xF7A  }
0x26: {  	[smem:$0x3F8E] =	sst s1;
	(tag) =	ssettag s2;
	_ =	strace s9  }
0x27: {  	s1 =	sld [smem:$0x3F9E]  }
0x28: {  	s2 =	sld [smem:$0x3F9F]  }
0x29: {  	s4 =	sld [smem:$0x3FA1]  }
0x2a: {  	p0 =	seq.s32 s5, $0x0;
	s5 =	sld [smem:$0x3FA2]  }
0x2b: {  	s6 =	sld [smem:$0x3FA3]  }
0x2c: {  	s7 =	sld [smem:$0x3FA4]  }
0x2d: {  	s3 =	simm.s32 $0x108;
	s8 =	sld [smem:$0x3FA5]  }
0x2e: {  	s3 =	simm.s32 @!p0 $0x1082;
	s9 =	sld [smem:$0x3FA6]  }
0x2f: {  	lr =	sadd.s32 s0, s3;
	s0 =	sld [smem:$0x3F9D]  }
0x30: {  	s3 =	sld [smem:$0x3FA0]  }
0x31: {  	[smem:$0x3FA9] =	sst s10  }
0x32: {  	s10 =	sld [smem:$0x3FA7];
	_ =	sdelay $0x3  }
0x33: {  	p0 =	seq.s32 s10, $0x1;
	s10 =	sld [smem:$0x3FA9];
	_ =	sdelay $0x3  }
0x34: {  	[smem:$0x3FA9] =	sst s10  }
0x35: {  	s10 =	sld [smem:$0x3FA8];
	_ =	sdelay $0x3  }
0x36: {  	p1 =	seq.s32 s10, $0x1;
	s10 =	sld [smem:$0x3FA9];
	_ =	sdelay $0x3  }
0x37: {  	[smem:$0x3FA9] =	sst s10  }
0x38: {  	s10 =	sld [smem:$0x3FAA]  }
0x39: {  	_ = 	snop;
	(pc) =	sbr.ind lr, $3  }
0x3a: {  	_ = 	snop  }
0x3b: {  	_ = 	snop  }
0x3c: {  	p2 =	seq.s32 s10, $0x1;
	s10 =	sld [smem:$0x3FA9]  }
0x3d: {  	_ =	shalt  }
0x3e: {  	_ =	shalt  }
0x3f: {  	_ =	shalt  }
0x40: {  	_ =	shalt  }
0x41: {  	_ =	shalt  }
0x42: {  	_ =	shalt  }
0x43: {  	_ =	shalt  }
0x44: {  	_ =	shalt  }
0x45: {  	_ =	shalt  }
0x46: {  	_ =	shalt  }
0x47: {  	_ =	shalt  }
0x48: {  	_ =	shalt  }
0x49: {  	_ =	shalt  }
0x4a: {  	_ =	shalt  }
0x4b: {  	_ =	shalt  }
0x4c: {  	_ =	shalt  }
0x4d: {  	_ =	shalt  }
0x4e: {  	_ =	shalt  }
0x4f: {  	_ =	shalt  }
0x50: {  	_ =	shalt  }
0x51: {  	_ =	shalt  }
0x52: {  	_ =	shalt  }
0x53: {  	_ =	shalt  }
0x54: {  	_ =	shalt  }
0x55: {  	_ =	shalt  }
0x56: {  	_ =	shalt  }
0x57: {  	_ =	shalt  }
0x58: {  	_ =	shalt  }
0x59: {  	_ =	shalt  }
0x5a: {  	_ =	shalt  }
0x5b: {  	_ =	shalt  }
0x5c: {  	_ =	shalt  }
0x5d: {  	_ =	shalt  }
0x5e: {  	_ =	shalt  }
0x5f: {  	_ =	shalt  }
0x60: {  	_ =	shalt  }
0x61: {  	_ =	shalt  }
0x62: {  	_ =	shalt  }
0x63: {  	_ =	shalt  }
0x64: {  	_ =	shalt  }
0x65: {  	_ =	shalt  }
0x66: {  	_ =	shalt  }
0x67: {  	_ =	shalt  }
0x68: {  	_ =	shalt  }
0x69: {  	_ =	shalt  }
0x6a: {  	_ =	shalt  }
0x6b: {  	_ =	shalt  }
0x6c: {  	_ =	shalt  }
0x6d: {  	_ =	shalt  }
0x6e: {  	_ =	shalt  }
0x6f: {  	_ =	shalt  }
0x70: {  	_ =	shalt  }
0x71: {  	_ =	shalt  }
0x72: {  	_ =	shalt  }
0x73: {  	_ =	shalt  }
0x74: {  	_ =	shalt  }
0x75: {  	_ =	shalt  }
0x76: {  	_ =	shalt  }
0x77: {  	_ =	shalt  }
0x78: {  	_ =	shalt  }
0x79: {  	_ =	shalt  }
0x7a: {  	_ =	shalt  }
0x7b: {  	_ =	shalt  }
0x7c: {  	_ =	shalt  }
0x7d: {  	_ =	shalt  }
0x7e: {  	_ =	shalt  }
0x7f: {  	_ =	shalt  }
0x80: {  	_ =	shalt  }
0x81: {  	_ =	shalt  }
0x82: {  	_ =	shalt  }
0x83: {  	_ =	shalt  }
0x84: {  	_ =	shalt  }
0x85: {  	_ =	shalt  }
0x86: {  	_ =	shalt  }
0x87: {  	_ =	shalt  }
.Lfunc_end0:
.L_simem_size_0:
called_computation.3_lowered:
.L_overlay_start_0:
0x88: {  	s2 =	sld [smem:$0x3FD9]  }
0x89: {  	s3 =	sld [smem:$0x3FFE];
	_ =	sdelay $0x1  }
0x8a: {  	s1 =	srdreg.scid  }
0x8b: {  	s0 =	sand.u32 $0x1, s1  }
0x8c: {  	s17 =	sshll.u32 s0, $0xA;
	s2 =	sadd.s32 s3, s2  }
0x8d: {  	s2 =	sadd.s32 s2, s17  }
0x8e: {  	[smem:$0x3FB5] =	sst s2  }
0x8f: {  	_ = 	snop  }
0x90: {  	(tm) =	ssettm $0x1  }
0x91: {  	s18 =	sld [smem:$0x3FFB];
	_ =	sdelay $0x3  }
0x92: {  	_ =	strace s18  }
0x93: {  	s2 =	sld [smem:$0x3FFC];
	_ =	sdelay $0x3  }
0x94: {  	_ =	strace s2  }
0x95: {  	s2 =	sld [smem:$0x3FFD];
	_ =	sdelay $0x3  }
0x96: {  	_ =	strace s2  }
0x97: {  	_ =	strace $0x8FFFFFFF  }
0x98: {  	s19 =	sld [smem:$0x3FDB];
	_ =	sdelay $0x1  }
0x99: {  	s20 =	simm.s32 $_scs_section_size  }
0x9a: {  	s4 =	simm.s32 $_size__tile_overlayer_lowered;
	s5 =	simm.s32 $_tile_overlayer_lowered  }
0x9b: {  	s6 =	simm.s32 $0x1BFF;
	s21 =	sshll.u32 s5, $0x1;
	s3 =	sadd.s32 s20, s19  }
0x9c: {  	s22 =	simm.s32 $0x0;
	s4 =	sshll.u32 s4, $0x1;
	s5 =	sadd.s32 s21, s3  }
0x9d: {  	[timem:s22], [sflag:s6] =	dma.local [hbm:s5], s4  }
0x9e: {  	_ =	swait.ge [sflag:s6], s4  }
0x9f: {  	s4 =	ssub.s32 $0x0, s4;
	[sflag:s6] =	ssyncset.done $0x0  }
0xa0: {  	[sflag:s6] =	ssyncadd.s32 s4;
	_ =	sdelay $0x1  }
0xa1: {  	s23 =	simm.s32 $0x1B8B  }
0xa2: {  	_ =	swait.ge [sflag:s23], $0x1  }
0xa3: {  	[sflag:s23] =	ssyncset.done $0x0  }
0xa4: {  	[sflag:s23] =	ssyncadd.s32 $0xFFFFFFFF  }
0xa5: {  	s4 =	sld [smem:$0x0]  }
0xa6: {  	s5 =	sand.u32 $0xFFFFFFFE, s1  }
0xa7: {  	p0 =	sne.s32 s1, s5  }
0xa8: {  	s5 =	sshll.u32 @p0 s5, $0xE  }
0xa9: {  	s5 =	sadd.s32 @p0 $0x11B8D, s5;
	s6 =	sshll.u32 @p0 s4, $0x11  }
0xaa: {  	s5 =	sor.u32 @p0 s6, s5  }
0xab: {  	[sflag:s5] =	ssyncadd.remote.s32 @p0 $0x1;
	_ =	sdelay $0x1  }
0xac: {  	s5 =	simm.s32 @p0 $0x1B8D  }
0xad: {  	_ =	swait.eq @p0 [sflag:s5], $0x1  }
0xae: {  	[sflag:s5] =	ssyncadd.s32 @p0 $0xFFFFFFFF  }
0xaf: {  	s6 =	sshll.u32 @!p0 s1, $0xE  }
0xb0: {  	s6 =	sor.u32 @!p0 $0x4000, s6;
	s5 =	simm.s32 @!p0 $0x1B8D  }
0xb1: {  	s4 =	sshll.u32 @!p0 s4, $0x11;
	s6 =	sadd.s32 @!p0 $0x11B8D, s6;
	_ =	swait.eq @!p0 [sflag:s5], $0x1  }
0xb2: {  	s4 =	sor.u32 @!p0 s4, s6;
	[sflag:s5] =	ssyncadd.s32 @!p0 $0xFFFFFFFF  }
0xb3: {  	s25 =	simm.s32 $0x1B8E;
	s24 =	sld [smem:$0x3FFE];
	[sflag:s4] =	ssyncadd.remote.s32 @!p0 $0x1  }
0xb4: {  	s26 =	simm.s32 $execute0_lowered;
	[smem:$0x3FD2] =	sst s25  }
0xb5: {  	s5 =	sshll.u32 s26, $0x1;
	_ =	strace $0x8000004C;
	[dreg:$0x1] =	wrdreg $0xFFFFFFFF  }
0xb6: {  	s28 =	simm.s32 $_size_execute0_lowered;
	s3 =	sadd.s32 s3, s5;
	[dreg:$0x0] =	wrdreg $0x0  }
0xb7: {  	s5 =	sshll.u32 s28, $0x1;
	[dreg:$0x2] =	wrdreg s3  }
0xb8: {  	[dreg:$0x3] =	wrdreg s5  }
0xb9: {  	[dreg:$0x4] =	wrdreg $0xC0  }
0xba: {  	_ =	task [dreg:s22], $0x5FFFF  }
0xbb: {  	[dreg:$0x1] =	wrdreg $0xFFFFFFFF  }
0xbc: {  	[dreg:$0x0] =	wrdreg $0x60  }
0xbd: {  	[dreg:$0x2] =	wrdreg s24  }
0xbe: {  	[dreg:$0x3] =	wrdreg $0xAC000  }
0xbf: {  	[dreg:$0x4] =	wrdreg $0xA  }
0xc0: {  	_ =	task.clear_ibuf [dreg:s22], $0x5FFFF;
	_ =	strace $0x9000004C  }
0xc1: {  	s29 =	simm.s32 $0xA;
	_ =	strace $0x8000004E  }
0xc2: {  	_ =	swait.ge [sflag:s29], $0x1  }
0xc3: {  	[sflag:s29] =	ssyncadd.s32 $0xFFFFFFFF  }
0xc4: {  	_ =	strace $0x9000004E  }
0xc5: {  	_ =	sfence  }
0xc6: {  	s30 =	sld [smem:$0x0];
	_ =	sdelay $0x2  }
0xc7: {  	s31 =	sshll.u32 s1, $0xD;
	s1 =	sshrl.u32 s1, $0x2  }
0xc8: {  	s4 =	sand.u32 $0x4000, s31;
	s1 =	sadd.s32 s1, s30  }
0xc9: {  	s0 =	sor.u32 s4, s0;
	s1 =	sshll.u32 s1, $0x11  }
0xca: {  	s0 =	sor.u32 s1, s0  }
0xcb: {  	s0 =	sadd.s32 $0x8F2B, s0  }
0xcc: {  	[sflag:s0] =	ssyncadd.remote.s32 $0x1  }
0xcd: {  	_ =	sfence.sel $0xFFFF  }
0xce: {  	[dreg:$0x0] =	wrdreg $0xFFFFFFFF;
	(pc) =	sbr.abs _section_cstart, $3  }
0xcf: {  	[dreg:$0x1] =	wrdreg $0xFFFFFFFF  }
0xd0: {  	_ =	task.clear_ibuf [dreg:s22], $0x2FFFF;
	_ =	strace $0x9FFFFFFF  }
0xd1: {  	(tm) =	ssettm $0x7FFFFFFF  }
tec
execute0_lowered:
.L_overlay_start_1:
0x0: {  	(tag) =	ssettag $0x1  }
0x1: {  	s5 =	rddreg [dreg:$0x0]  }
0x2: {  	s1 =	rddreg [dreg:$0x1]  }
0x3: {  	s0 =	rddreg [dreg:$0x2];
	s3 =	simm.s32 $0x0;
	s2 =	srdreg.scid  }
0x4: {  	s14 =	simm.s32 $0x1400;
	s15 =	simm.s32 $0x80;
	s16 =	simm.s32 $0x2800  }
0x5: {  	s17 =	simm.s32 $0x6800;
	s18 =	simm.s32 $0x1;
	s19 =	simm.s32 $0x2  }
0x6: {  	s20 =	simm.s32 $0x3;
	s21 =	simm.s32 $0x4;
	s22 =	simm.s32 $0x1380  }
0x7: {  	s23 =	simm.s32 $0x2700;
	s24 =	simm.s32 $0x2780;
	[smem:$0x7FF] =	sst s3  }
0x8: {  	s6 =	sand.u32 $0x1, s2;
	s2 =	stileid.u32;
	s4 =	sadd.s32 $0x18E00, s5  }
0x9: {  	s9 =	sadd.s32 $0x4E00, s5;
	s11 =	sadd.s32 $0xEE00, s5;
	s7 =	smul.u32 $0x13C000, s6  }
0xa: {  	_ =	strace $0x8000004D;
	s8 =	smul.u32 $0x13C00, s2;
	s10 =	sshll.u32 s2, $0x1  }
0xb: {  	s26 =	smul.u32 $0x4F000, s2;
	s25 =	sor.u32 s6, s10;
	s6 =	ssub.s32 $0x2, s6  }
0xc: {  	s7 =	sadd.s32 s8, s7;
	s8 =	smul.u32 $0x2800, s25;
	s28 =	sshrl.u32 s6, $0x1  }
0xd: {  	s29 =	sshrl.u32 s26, $0x2;
	s7 =	sshrl.u32 s7, $0x3;
	s13 =	ssub.s32 s6, s28  }
0xe: {  	s12 =	sadd.s32 s7, s5;
	s30 =	sshrl.u32 s8, $0x3;
	s5 =	sadd.s32 s29, s1  }
0xf: {  	s6 =	sadd.s32 s9, s30;
	s31 =	sadd.s32 $0x280, s30;
	s7 =	sadd.s32 s11, s30  }
0x10: {  	s10 =	sadd.s32 $0xB7200, s12;
	s12 =	simm.s32 $0xA800;
	s8 =	sadd.s32 s9, s31  }
0x11: {  	v0 =	vimm.f32 $0.0e+00;
	s9 =	sadd.s32 s11, s31;
	s11 =	smax.u32 s13, $0x1;
	s13 =	simm.s32 $0x5  }
.LBB2_1:
0x12: {  	s25 =	simm.s32 $0x0;
	s26 =	simm.s32 $0x0  }
.LBB2_2:
0x13: {  	p0 =	sne.s32 s26, $0xFC0  }
.Ltmp0:
0x14: {  	_ = 	snop;
	(pc) =	sbr.rel @p0 .LBB2_2-.Ltmp0, $4  }
0x15: {  	s28 =	sand.u32 $0xE00, s26  }
0x16: {  	s29 =	sand.u32 $0x70, s25;
	s28 =	sshrl.u32 s28, $0x2  }
0x17: {  	s28 =	sor.u32 s29, s28  }
0x18: {  	s25 =	sadd.s32 $0x10, s25;
	s26 =	sadd.s32 $0x40, s26;
	[tilespmem:s28+$0xA800] =	vst v0  }
0x19: {  	s25 =	sadd.s32 $0x0, s5  }
0x1a: {  	[spmem:s25] =	stream.linear.scatter [tilespmem:s12], [sflag:$0x5], $0x400, $0x38;
	[tilespmem:$0x1E800] =	vst v63  }
0x1b: {  	s25 =	simm.s32 $0x1000;
	_ =	swait.ge [sflag:s13], $0x400  }
.LBB2_4:
0x1c: {  	s26 =	sshra.s32 s25, $0x2;
	[sflag:s13] =	ssyncset.done $0x0;
	p0 =	sne.s32 s25, $0x4E000  }
.Ltmp1:
0x1d: {  	s26 =	sadd.s32 s26, s5;
	[sflag:s13] =	ssyncadd.s32 $0xFFFFFC00;
	(pc) =	sbr.rel @p0 .LBB2_4-.Ltmp1, $3  }
0x1e: {  	[spmem:s26] =	stream.linear.scatter [tilespmem:s12], [sflag:$0x5], $0x400, $0x38;
	[tilespmem:$0x1E800] =	vst v63  }
0x1f: {  	s25 =	sadd.s32 $0x1000, s25;
	_ =	sdelay $0x1  }
0x20: {  	_ =	swait.ge [sflag:s13], $0x400  }
0x21: {  	[sflag:s13] =	ssyncset.done $0x0  }
0x22: {  	[sflag:s13] =	ssyncadd.s32 $0xFFFFFC00  }
0x23: {  	s25 =	simm.s32 $0x0;
	[bflag:$0x0] =	sbarrier.arrive $0xFFFF  }
0x24: {  	[tilespmem:s25], [sflag:$0x5] =	stream.linear.gather [hbm4b:s6+s25], $0x1400, $0x38;
	[tilespmem:$0x1E800] =	vst v63  }
0x25: {  	_ =	swait.ge [sflag:s13], $0x1400  }
0x26: {  	[sflag:s13] =	ssyncset.done $0x0  }
0x27: {  	[sflag:s13] =	ssyncadd.s32 $0xFFFFEC00  }
0x28: {  	[tilespmem:s14], [sflag:$0x5] =	stream.linear.gather [hbm4b:s7+s25], $0x1400, $0x38;
	[tilespmem:$0x1E800] =	vst v63  }
0x29: {  	_ =	swait.ge [sflag:s13], $0x1400  }
0x2a: {  	[sflag:s13] =	ssyncset.done $0x0  }
0x2b: {  	[sflag:s13] =	ssyncadd.s32 $0xFFFFEC00  }
0x2c: {  	[tilespmem:s16], [sflag:$0x1] =	stream.indirect.gather [hbm4b:s4+s15], $0x80, s25, s15, $0xb8;
	[tilespmem:$0x1E800] =	vst v63  }
0x2d: {  	s28 =	simm.s32 $0x80  }
0x2e: {  	[tilespmem:s17], [sflag:$0x2] =	stream.indirect.gather [hbm4b:s4+s15], $0x80, s28, s15, $0xb8;
	[tilespmem:$0x1E800] =	vst v63  }
0x2f: {  	_ =	swait.ge [sflag:s18], $0x4000  }
0x30: {  	[sflag:s18] =	ssyncset.done $0x0  }
0x31: {  	s29 =	simm.s32 $0x1400;
	[sflag:s18] =	ssyncadd.s32 $0xFFFFC000  }
0x32: {  	[spmem:s1] =	stream.indirect.scatter.add.f32 [tilespmem:s16], [sflag:$0x3], $0x80, s29, s15, $0xb8;
	[tilespmem:$0x1E800] =	vst v63  }
0x33: {  	_ =	swait.ge [sflag:s19], $0x4000  }
0x34: {  	[sflag:s19] =	ssyncset.done $0x0  }
0x35: {  	s30 =	simm.s32 $0x1480;
	[sflag:s19] =	ssyncadd.s32 $0xFFFFC000  }
0x36: {  	[spmem:s1] =	stream.indirect.scatter.add.f32 [tilespmem:s17], [sflag:$0x4], $0x80, s30, s15, $0xb8;
	[tilespmem:$0x1E800] =	vst v63  }
0x37: {  	_ =	swait.ge [sflag:s20], $0x4000  }
0x38: {  	[sflag:s20] =	ssyncset.done $0x0  }
0x39: {  	s31 =	simm.s32 $0x100;
	[sflag:s20] =	ssyncadd.s32 $0xFFFFC000  }
0x3a: {  	[tilespmem:s16], [sflag:$0x1] =	stream.indirect.gather [hbm4b:s4+s15], $0x80, s31, s15, $0xb8;
	[tilespmem:$0x1E800] =	vst v63  }
0x3b: {  	_ =	swait.ge [sflag:s21], $0x4000  }
0x3c: {  	s26 =	simm.s32 $0x800;
	s25 =	simm.s32 $0x100;
	[sflag:s21] =	ssyncset.done $0x0  }
.LBB2_6:
0x3d: {  	s28 =	sadd.s32 $0x80, s25  }
0x3e: {  	[sflag:s21] =	ssyncadd.s32 $0xFFFFC000;
	s29 =	smov.u32 s26;
	s30 =	sadd.s32 $0x400, s26  }
0x3f: {  	[tilespmem:s17], [sflag:$0x2] =	stream.indirect.gather [hbm4b:s4+s15], $0x80, s28, s15, $0xb8;
	[tilespmem:$0x1E800] =	vst v63  }
0x40: {  	p0 =	sne.s32 s26, $0x4800;
	_ =	swait.ge [sflag:s18], $0x4000  }
0x41: {  	[sflag:s18] =	ssyncset.done $0x0  }
0x42: {  	s26 =	sadd.s32 $0x1400, s25;
	[sflag:s18] =	ssyncadd.s32 $0xFFFFC000  }
0x43: {  	[spmem:s1] =	stream.indirect.scatter.add.f32 [tilespmem:s16], [sflag:$0x3], $0x80, s26, s15, $0xb8;
	[tilespmem:$0x1E800] =	vst v63  }
0x44: {  	_ =	swait.ge [sflag:s19], $0x4000  }
0x45: {  	[sflag:s19] =	ssyncset.done $0x0  }
0x46: {  	s26 =	sadd.s32 $0x1480, s25;
	[sflag:s19] =	ssyncadd.s32 $0xFFFFC000  }
0x47: {  	[spmem:s1] =	stream.indirect.scatter.add.f32 [tilespmem:s17], [sflag:$0x4], $0x80, s26, s15, $0xb8;
	[tilespmem:$0x1E800] =	vst v63  }
0x48: {  	_ =	swait.ge [sflag:s20], $0x4000  }
.Ltmp2:
0x49: {  	[sflag:s20] =	ssyncset.done $0x0;
	(pc) =	sbr.rel @p0 .LBB2_6-.Ltmp2, $4  }
0x4a: {  	s25 =	sadd.s32 $0x100, s25;
	[sflag:s20] =	ssyncadd.s32 $0xFFFFC000  }
0x4b: {  	[tilespmem:s16], [sflag:$0x1] =	stream.indirect.gather [hbm4b:s4+s15], $0x80, s25, s15, $0xb8;
	[tilespmem:$0x1E800] =	vst v63  }
0x4c: {  	_ =	swait.ge [sflag:s21], $0x4000  }
0x4d: {  	s26 =	smov.u32 s30;
	s25 =	sshra.s32 s29, $0x2;
	[sflag:s21] =	ssyncset.done $0x0  }
0x4e: {  	s26 =	sadd.s32 $0x80, s25;
	[sflag:s21] =	ssyncadd.s32 $0xFFFFC000  }
0x4f: {  	[tilespmem:s17], [sflag:$0x2] =	stream.indirect.gather [hbm4b:s4+s15], $0x80, s26, s15, $0xb8;
	[tilespmem:$0x1E800] =	vst v63  }
0x50: {  	_ =	swait.ge [sflag:s18], $0x4000  }
0x51: {  	[sflag:s18] =	ssyncset.done $0x0  }
0x52: {  	s29 =	sadd.s32 $0x1400, s25;
	[sflag:s18] =	ssyncadd.s32 $0xFFFFC000  }
0x53: {  	[spmem:s1] =	stream.indirect.scatter.add.f32 [tilespmem:s16], [sflag:$0x3], $0x80, s29, s15, $0xb8;
	[tilespmem:$0x1E800] =	vst v63  }
0x54: {  	_ =	swait.ge [sflag:s19], $0x4000  }
0x55: {  	[sflag:s19] =	ssyncset.done $0x0  }
0x56: {  	s30 =	sadd.s32 $0x1480, s25;
	[sflag:s19] =	ssyncadd.s32 $0xFFFFC000  }
0x57: {  	[spmem:s1] =	stream.indirect.scatter.add.f32 [tilespmem:s17], [sflag:$0x4], $0x80, s30, s15, $0xb8;
	[tilespmem:$0x1E800] =	vst v63  }
0x58: {  	_ =	swait.ge [sflag:s20], $0x4000  }
0x59: {  	[sflag:s20] =	ssyncset.done $0x0  }
0x5a: {  	s31 =	sadd.s32 $0x100, s25;
	[sflag:s20] =	ssyncadd.s32 $0xFFFFC000  }
0x5b: {  	[tilespmem:s16], [sflag:$0x1] =	stream.indirect.gather [hbm4b:s4+s15], $0x80, s31, s15, $0xb8;
	[tilespmem:$0x1E800] =	vst v63  }
0x5c: {  	_ =	swait.ge [sflag:s21], $0x4000  }
0x5d: {  	[sflag:s21] =	ssyncset.done $0x0  }
0x5e: {  	[sflag:s21] =	ssyncadd.s32 $0xFFFFC000  }
0x5f: {  	[tilespmem:s17], [sflag:$0x2] =	stream.indirect.gather [hbm4b:s4+s15], $0x80, s22, s15, $0xb8;
	[tilespmem:$0x1E800] =	vst v63  }
0x60: {  	_ =	swait.ge [sflag:s18], $0x4000  }
0x61: {  	[sflag:s18] =	ssyncset.done $0x0  }
0x62: {  	[sflag:s18] =	ssyncadd.s32 $0xFFFFC000  }
0x63: {  	[spmem:s1] =	stream.indirect.scatter.add.f32 [tilespmem:s16], [sflag:$0x3], $0x80, s23, s15, $0xb8;
	[tilespmem:$0x1E800] =	vst v63  }
0x64: {  	_ =	swait.ge [sflag:s19], $0x4000  }
0x65: {  	[sflag:s19] =	ssyncset.done $0x0  }
0x66: {  	[sflag:s19] =	ssyncadd.s32 $0xFFFFC000  }
0x67: {  	[spmem:s1] =	stream.indirect.scatter.add.f32 [tilespmem:s17], [sflag:$0x4], $0x80, s24, s15, $0xb8;
	[tilespmem:$0x1E800] =	vst v63  }
0x68: {  	_ =	swait.ge [sflag:s20], $0x4000  }
0x69: {  	[sflag:s20] =	ssyncset.done $0x0  }
0x6a: {  	[sflag:s20] =	ssyncadd.s32 $0xFFFFC000  }
0x6b: {  	_ =	swait.ge [sflag:s21], $0x4000  }
0x6c: {  	[sflag:s21] =	ssyncset.done $0x0  }
0x6d: {  	s26 =	simm.s32 $0x0;
	[sflag:s21] =	ssyncadd.s32 $0xFFFFC000  }
0x6e: {  	[tilespmem:s26], [sflag:$0x5] =	stream.linear.gather [hbm4b:s8+s26], $0x1400, $0x38;
	[tilespmem:$0x1E800] =	vst v63  }
0x6f: {  	_ =	swait.ge [sflag:s13], $0x1400  }
0x70: {  	[sflag:s13] =	ssyncset.done $0x0  }
0x71: {  	[sflag:s13] =	ssyncadd.s32 $0xFFFFEC00  }
0x72: {  	[tilespmem:s14], [sflag:$0x5] =	stream.linear.gather [hbm4b:s9+s26], $0x1400, $0x38;
	[tilespmem:$0x1E800] =	vst v63  }
0x73: {  	_ =	swait.ge [sflag:s13], $0x1400  }
0x74: {  	[sflag:s13] =	ssyncset.done $0x0  }
0x75: {  	[sflag:s13] =	ssyncadd.s32 $0xFFFFEC00  }
0x76: {  	[tilespmem:s16], [sflag:$0x1] =	stream.indirect.gather [hbm4b:s4+s15], $0x80, s26, s15, $0xb8;
	[tilespmem:$0x1E800] =	vst v63  }
0x77: {  	s28 =	simm.s32 $0x80  }
0x78: {  	[tilespmem:s17], [sflag:$0x2] =	stream.indirect.gather [hbm4b:s4+s15], $0x80, s28, s15, $0xb8;
	[tilespmem:$0x1E800] =	vst v63  }
0x79: {  	_ =	swait.ge [sflag:s18], $0x4000  }
0x7a: {  	[sflag:s18] =	ssyncset.done $0x0  }
0x7b: {  	s29 =	simm.s32 $0x1400;
	[sflag:s18] =	ssyncadd.s32 $0xFFFFC000  }
0x7c: {  	[spmem:s1] =	stream.indirect.scatter.add.f32 [tilespmem:s16], [sflag:$0x3], $0x80, s29, s15, $0xb8;
	[tilespmem:$0x1E800] =	vst v63  }
0x7d: {  	_ =	swait.ge [sflag:s19], $0x4000  }
0x7e: {  	[sflag:s19] =	ssyncset.done $0x0  }
0x7f: {  	s30 =	simm.s32 $0x1480;
	[sflag:s19] =	ssyncadd.s32 $0xFFFFC000  }
0x80: {  	[spmem:s1] =	stream.indirect.scatter.add.f32 [tilespmem:s17], [sflag:$0x4], $0x80, s30, s15, $0xb8;
	[tilespmem:$0x1E800] =	vst v63  }
0x81: {  	_ =	swait.ge [sflag:s20], $0x4000  }
0x82: {  	[sflag:s20] =	ssyncset.done $0x0  }
0x83: {  	s31 =	simm.s32 $0x100;
	[sflag:s20] =	ssyncadd.s32 $0xFFFFC000  }
0x84: {  	[tilespmem:s16], [sflag:$0x1] =	stream.indirect.gather [hbm4b:s4+s15], $0x80, s31, s15, $0xb8;
	[tilespmem:$0x1E800] =	vst v63  }
0x85: {  	_ =	swait.ge [sflag:s21], $0x4000  }
0x86: {  	s25 =	simm.s32 $0x100;
	s26 =	simm.s32 $0x800;
	[sflag:s21] =	ssyncset.done $0x0  }
.LBB2_8:
0x87: {  	s28 =	sadd.s32 $0x80, s25  }
0x88: {  	[sflag:s21] =	ssyncadd.s32 $0xFFFFC000;
	s29 =	smov.u32 s26;
	s30 =	sadd.s32 $0x400, s26  }
0x89: {  	[tilespmem:s17], [sflag:$0x2] =	stream.indirect.gather [hbm4b:s4+s15], $0x80, s28, s15, $0xb8;
	[tilespmem:$0x1E800] =	vst v63  }
0x8a: {  	p0 =	sne.s32 s26, $0x4800;
	_ =	swait.ge [sflag:s18], $0x4000  }
0x8b: {  	[sflag:s18] =	ssyncset.done $0x0  }
0x8c: {  	s26 =	sadd.s32 $0x1400, s25;
	[sflag:s18] =	ssyncadd.s32 $0xFFFFC000  }
0x8d: {  	[spmem:s1] =	stream.indirect.scatter.add.f32 [tilespmem:s16], [sflag:$0x3], $0x80, s26, s15, $0xb8;
	[tilespmem:$0x1E800] =	vst v63  }
0x8e: {  	_ =	swait.ge [sflag:s19], $0x4000  }
0x8f: {  	[sflag:s19] =	ssyncset.done $0x0  }
0x90: {  	s26 =	sadd.s32 $0x1480, s25;
	[sflag:s19] =	ssyncadd.s32 $0xFFFFC000  }
0x91: {  	[spmem:s1] =	stream.indirect.scatter.add.f32 [tilespmem:s17], [sflag:$0x4], $0x80, s26, s15, $0xb8;
	[tilespmem:$0x1E800] =	vst v63  }
0x92: {  	_ =	swait.ge [sflag:s20], $0x4000  }
.Ltmp3:
0x93: {  	[sflag:s20] =	ssyncset.done $0x0;
	(pc) =	sbr.rel @p0 .LBB2_8-.Ltmp3, $4  }
0x94: {  	s25 =	sadd.s32 $0x100, s25;
	[sflag:s20] =	ssyncadd.s32 $0xFFFFC000  }
0x95: {  	[tilespmem:s16], [sflag:$0x1] =	stream.indirect.gather [hbm4b:s4+s15], $0x80, s25, s15, $0xb8;
	[tilespmem:$0x1E800] =	vst v63  }
0x96: {  	_ =	swait.ge [sflag:s21], $0x4000  }
0x97: {  	s26 =	smov.u32 s30;
	s25 =	sshra.s32 s29, $0x2;
	[sflag:s21] =	ssyncset.done $0x0  }
0x98: {  	s26 =	sadd.s32 $0x80, s25;
	[sflag:s21] =	ssyncadd.s32 $0xFFFFC000  }
0x99: {  	[tilespmem:s17], [sflag:$0x2] =	stream.indirect.gather [hbm4b:s4+s15], $0x80, s26, s15, $0xb8;
	[tilespmem:$0x1E800] =	vst v63  }
0x9a: {  	_ =	swait.ge [sflag:s18], $0x4000  }
0x9b: {  	[sflag:s18] =	ssyncset.done $0x0  }
0x9c: {  	s31 =	sadd.s32 $0x1400, s25;
	[sflag:s18] =	ssyncadd.s32 $0xFFFFC000  }
0x9d: {  	[spmem:s1] =	stream.indirect.scatter.add.f32 [tilespmem:s16], [sflag:$0x3], $0x80, s31, s15, $0xb8;
	[tilespmem:$0x1E800] =	vst v63  }
0x9e: {  	_ =	swait.ge [sflag:s19], $0x4000  }
0x9f: {  	[sflag:s19] =	ssyncset.done $0x0  }
0xa0: {  	s28 =	sadd.s32 $0x1480, s25;
	[sflag:s19] =	ssyncadd.s32 $0xFFFFC000  }
0xa1: {  	[spmem:s1] =	stream.indirect.scatter.add.f32 [tilespmem:s17], [sflag:$0x4], $0x80, s28, s15, $0xb8;
	[tilespmem:$0x1E800] =	vst v63  }
0xa2: {  	_ =	swait.ge [sflag:s20], $0x4000  }
0xa3: {  	[sflag:s20] =	ssyncset.done $0x0  }
0xa4: {  	s29 =	sadd.s32 $0x100, s25;
	[sflag:s20] =	ssyncadd.s32 $0xFFFFC000  }
0xa5: {  	[tilespmem:s16], [sflag:$0x1] =	stream.indirect.gather [hbm4b:s4+s15], $0x80, s29, s15, $0xb8;
	[tilespmem:$0x1E800] =	vst v63  }
0xa6: {  	_ =	swait.ge [sflag:s21], $0x4000  }
0xa7: {  	[sflag:s21] =	ssyncset.done $0x0  }
0xa8: {  	[sflag:s21] =	ssyncadd.s32 $0xFFFFC000  }
0xa9: {  	[tilespmem:s17], [sflag:$0x2] =	stream.indirect.gather [hbm4b:s4+s15], $0x80, s22, s15, $0xb8;
	[tilespmem:$0x1E800] =	vst v63  }
0xaa: {  	_ =	swait.ge [sflag:s18], $0x4000  }
0xab: {  	[sflag:s18] =	ssyncset.done $0x0  }
0xac: {  	[sflag:s18] =	ssyncadd.s32 $0xFFFFC000  }
0xad: {  	[spmem:s1] =	stream.indirect.scatter.add.f32 [tilespmem:s16], [sflag:$0x3], $0x80, s23, s15, $0xb8;
	[tilespmem:$0x1E800] =	vst v63  }
0xae: {  	_ =	swait.ge [sflag:s19], $0x4000  }
0xaf: {  	[sflag:s19] =	ssyncset.done $0x0  }
0xb0: {  	[sflag:s19] =	ssyncadd.s32 $0xFFFFC000  }
0xb1: {  	[spmem:s1] =	stream.indirect.scatter.add.f32 [tilespmem:s17], [sflag:$0x4], $0x80, s24, s15, $0xb8;
	[tilespmem:$0x1E800] =	vst v63  }
0xb2: {  	_ =	swait.ge [sflag:s20], $0x4000  }
0xb3: {  	[sflag:s20] =	ssyncset.done $0x0  }
0xb4: {  	[sflag:s20] =	ssyncadd.s32 $0xFFFFC000  }
0xb5: {  	_ =	swait.ge [sflag:s21], $0x4000  }
0xb6: {  	s30 =	sshll.u32 s2, $0x6;
	s3 =	sadd.s32 $0x1, s3;
	[sflag:s21] =	ssyncset.done $0x0  }
0xb7: {  	s25 =	sor.u32 $0x1C05, s30;
	p0 =	sne.s32 s3, s11;
	[sflag:s21] =	ssyncadd.s32 $0xFFFFC000  }
.Ltmp4:
0xb8: {  	s31 =	sshrl.u32 s5, $0x3;
	[bflag:$0x0] =	sbarrier.arrive $0xFFFF;
	(pc) =	sbr.rel @p0 .LBB2_1-.Ltmp4, $4  }
0xb9: {  	[hbm:s10], [sflag:s25] =	dma.local [spmem:s31], $0x2780  }
0xba: {  	_ =	swait.ge [sflag:s13], $0x2780  }
0xbb: {  	[sflag:s13] =	ssyncset.done $0x0  }
0xbc: {  	[sflag:s13] =	ssyncadd.s32 $0xFFFFD880  }
0xbd: {  	_ =	sfence.sel $0x180000  }
0xbe: {  	[bflag:$0x0] =	sbarrier.arrive $0xFFFF  }
0xbf: {  	p0 =	sne.s32 s2, $0x0;
	_ =	strace $0x9000004D  }
0xc0: {  	s0 =	sadd.s32 @!p0 $0x100000, s0;
	[bflag:$0x2] =	sbarrier.arrive $0xFFFF  }
0xc1: {  	[sflag:s0] =	ssyncadd.tile.s32 @!p0 $0x1;
	_ =	shalt  }
.Lfunc_end2:
_tile_overlayer_lowered:
.L_overlay_start_2:
0xc2: {  	(tag) =	ssettag $0x2  }
0xc3: {  	s0 =	rddreg [dreg:$0x0];
	s2 =	stileid.u32  }
0xc4: {  	s1 =	rddreg [dreg:$0x1];
	p0 =	sne.s32 s2, $0x0  }
0xc5: {  	s3 =	rddreg [dreg:$0x2];
	[bflag:$0x3] =	sbarrier.arrive $0xFFFF;
	s2 =	simm.s32 @!p0 $0x1C05  }
0xc6: {  	[timem:s3], [sflag:s2] =	dma.local @!p0 [hbm:s0], s1  }
0xc7: {  	s0 =	simm.s32 @!p0 $0x5  }
0xc8: {  	_ =	swait.ge @!p0 [sflag:s0], s1  }
0xc9: {  	s1 =	ssub.s32 @!p0 $0x0, s1;
	[sflag:s0] =	ssyncset.done @!p0 $0x0  }
0xca: {  	[sflag:s0] =	ssyncadd.s32 @!p0 s1  }
0xcb: {  	[bflag:$0x3] =	sbarrier.arrive $0xFFFF  }
0xcc: {  	_ =	shalt  }

</sc_bundles>
